<compile_context>
chip_gen: v7x
topology: tpu7x:2x2x1
jax: 0.10.2.dev20260603
libtpu: 0.0.44.dev20260713+nightly
codegen_flags: <defaults>
</compile_context>

<pallas_src>
import functools

import jax
import jax.numpy as jnp
from jax import lax
from jax.experimental import pallas as pl
from jax.experimental.pallas import tpu as pltpu
from jax.experimental.pallas import tpu_sc as plsc

_B = 4096
_S = 200
_HALF = 32
_EMBED = 64
_NC = 2
_NS = 16
_NW = _NC * _NS
_BT = _B // _NW
_L = 16
_NBUF = 3
_OPITCH = 129


def _compute(r1, r2, pe_v, ob, s, iota):
    pev = []
    etv = []
    eiv = []
    for g in range(_EMBED // _L):
        pev.append(pe_v[s, pl.ds(g * _L, _L)])
        ev = iota + g * _L
        etv.append(ev >> 3)
        eiv.append(ev & 7)

    @plsc.parallel_loop(0, _BT, unroll=4)
    def _row(b):
        bv = jnp.full((_L,), b, jnp.int32)
        for g in range(_EMBED // _L):
            src = r1 if g < 2 else r2
            v = src[b, pl.ds((g % 2) * _L, _L)] + pev[g]
            plsc.store_scatter(ob, [etv[g], eiv[g], bv], v)


def _body(x1t_hbm, x2t_hbm, t1_hbm, t2_hbm, pe_hbm, out_hbm,
          idx1_v, idx2_v, rows1_v, rows2_v, pe_v, out_v,
          gsem0, gsem1, gsem2, osem0, osem1, osem2):
    gsems = (gsem0, gsem1, gsem2)
    osems = (osem0, osem1, osem2)
    wid = lax.axis_index("s") * _NC + lax.axis_index("c")
    cols = pl.ds(wid * _BT, _BT)
    pltpu.sync_copy(pe_hbm, pe_v)
    pltpu.sync_copy(x1t_hbm.at[:, cols], idx1_v)
    pltpu.sync_copy(x2t_hbm.at[:, cols], idx2_v)
    iota = lax.iota(jnp.int32, _L)

    def _gather(s, b):
        pltpu.async_copy(t1_hbm.at[idx1_v.at[s]], rows1_v.at[b], gsems[b])
        pltpu.async_copy(t2_hbm.at[idx2_v.at[s]], rows2_v.at[b], gsems[b])

    def _gwait(s, b):
        pltpu.make_async_copy(t1_hbm.at[idx1_v.at[s]], rows1_v.at[b],
                              gsems[b]).wait()
        pltpu.make_async_copy(t2_hbm.at[idx2_v.at[s]], rows2_v.at[b],
                              gsems[b]).wait()

    def _owait(s, b):
        pltpu.make_async_copy(out_v.at[b, :, :, pl.ds(0, 128)],
                              out_hbm.at[s, :, wid], osems[b]).wait()

    _gather(0, 0)
    _gather(1, 1)

    def _step(s, b, prefetch):
        if prefetch:
            _gather(s + 2, (b + 2) % _NBUF)
        _gwait(s, b)

        @pl.when(s >= _NBUF)
        def _():
            _owait(s - _NBUF, b)

        _compute(rows1_v.at[b], rows2_v.at[b], pe_v, out_v.at[b], s, iota)
        pltpu.async_copy(out_v.at[b, :, :, pl.ds(0, 128)],
                         out_hbm.at[s, :, wid], osems[b])

    @pl.loop(0, _S - 2, step=_NBUF)
    def _main(i):
        for b in range(_NBUF):
            _step(i + b, b, prefetch=True)

    _step(_S - 2, (_S - 2) % _NBUF, prefetch=False)
    _step(_S - 1, (_S - 1) % _NBUF, prefetch=False)

    for s in range(_S - _NBUF, _S):
        _owait(s, s % _NBUF)


@functools.partial(
    pl.kernel,
    out_type=jax.ShapeDtypeStruct((_S, _EMBED // 8, _B // 128, 8, 128),
                                  jnp.float32),
    mesh=plsc.VectorSubcoreMesh(core_axis_name="c", subcore_axis_name="s"),
    scratch_types=[
        pltpu.VMEM((_S, _BT), jnp.int32),
        pltpu.VMEM((_S, _BT), jnp.int32),
        pltpu.VMEM((_NBUF, _BT, _HALF), jnp.float32),
        pltpu.VMEM((_NBUF, _BT, _HALF), jnp.float32),
        pltpu.VMEM((_S, _EMBED), jnp.float32),
        pltpu.VMEM((_NBUF, 8, 8, _OPITCH), jnp.float32),
        pltpu.SemaphoreType.DMA,
        pltpu.SemaphoreType.DMA,
        pltpu.SemaphoreType.DMA,
        pltpu.SemaphoreType.DMA,
        pltpu.SemaphoreType.DMA,
        pltpu.SemaphoreType.DMA,
    ],
    compiler_params=pltpu.CompilerParams(use_tc_tiling_on_sc=False,
                                         needs_layout_passes=False,
                                         disable_bounds_checks=True),
)
def _emb_kernel(*refs):
    _body(*refs)


def kernel(x1, x2, table1, table2, pe):
    x1t = x1.astype(jnp.int32).T
    x2t = x2.astype(jnp.int32).T
    pe2d = pe.reshape(_S, _EMBED)
    y5 = _emb_kernel(x1t, x2t, table1, table2, pe2d)
    return jnp.transpose(y5, (2, 4, 0, 1, 3)).reshape(_B, _S, _EMBED)

# --- scband reference (transcript-rebuilt; emitter-appended) ---
"""Pipeline reference for scband-bertembedding-47820165873796 (READ-ONLY COPY).

The authoritative reference and input builder live on the scoring server;
editing this copy changes nothing except your own understanding.
"""

import jax, jax.numpy as jnp
import numpy as np
import math

V1 = 100000
V2 = 1000
EMBED = 64
HALF = EMBED // 2
MAX_LEN = 200
B = 4096
S = 200


def _make_pe():
    pe = np.zeros((MAX_LEN, EMBED), dtype=np.float32)
    position = np.arange(0, MAX_LEN, dtype=np.float32)[:, None]
    div_term = np.exp(np.arange(0, EMBED, 2, dtype=np.float32) * -(math.log(10000.0) / EMBED))
    pe[:, 0::2] = np.sin(position * div_term)
    pe[:, 1::2] = np.cos(position * div_term)
    return jnp.asarray(pe[None, :, :])  # [1, MAX_LEN, EMBED]


def setup_inputs(seed: int = 0) -> dict:
    key = jax.random.key(seed)
    k1, k2, k3, k4 = jax.random.split(key, 4)
    x1 = jax.random.randint(k1, (B, S), 0, V1)
    x2 = jax.random.randint(k2, (B, S), 0, V2)
    # nn.Embedding default init: N(0,1); padding_idx=0 row zeroed
    table1 = jax.random.normal(k3, (V1, HALF), dtype=jnp.float32)
    table1 = table1.at[0].set(0.0)
    table2 = jax.random.normal(k4, (V2, HALF), dtype=jnp.float32)
    table2 = table2.at[0].set(0.0)
    pe = _make_pe()
    return {"x1": x1, "x2": x2, "table1": table1, "table2": table2, "pe": pe}


def reference(x1, x2, table1, table2, pe):
    # TokenEmbedding lookups (padding_idx row already zero in table)
    e1 = jnp.take(table1, x1, axis=0)  # [B, S, HALF]
    e2 = jnp.take(table2, x2, axis=0)  # [B, S, HALF]
    pos = pe[:, : x1.shape[1]]         # [1, S, EMBED]
    x = jnp.concatenate((e1, e2), axis=-1) + pos
    # dropout is identity in eval mode
    return x

if __name__ == "__main__":
    import jax
    _d = setup_inputs()
    print(jax.jit(kernel)(*tuple(_d.values())))

</pallas_src>

<mosaic_0001>
#map = affine_map<(d0, d1) -> (0, 0)>
#map1 = affine_map<(d0, d1) -> (0, 0, 0, 0, 0)>
module attributes {stable_mosaic.version = 14 : i64} {
  func.func @_emb_kernel(%arg0: i32, %arg1: i32, %arg2: memref<200x4096xi32, #tpu.memory_space<hbm>>, %arg3: memref<200x4096xi32, #tpu.memory_space<hbm>>, %arg4: memref<100000x32xf32, #tpu.memory_space<hbm>>, %arg5: memref<1000x32xf32, #tpu.memory_space<hbm>>, %arg6: memref<200x64xf32, #tpu.memory_space<hbm>>, %arg7: memref<200x8x32x8x128xf32, #tpu.memory_space<hbm>>, %arg8: memref<200x128xi32, #tpu.memory_space<vmem>>, %arg9: memref<200x128xi32, #tpu.memory_space<vmem>>, %arg10: memref<3x128x32xf32, #tpu.memory_space<vmem>>, %arg11: memref<3x128x32xf32, #tpu.memory_space<vmem>>, %arg12: memref<200x64xf32, #tpu.memory_space<vmem>>, %arg13: memref<3x8x8x129xf32, #tpu.memory_space<vmem>>, %arg14: memref<!tpu.dma_semaphore, #tpu.memory_space<semaphore_mem>>, %arg15: memref<!tpu.dma_semaphore, #tpu.memory_space<semaphore_mem>>, %arg16: memref<!tpu.dma_semaphore, #tpu.memory_space<semaphore_mem>>, %arg17: memref<!tpu.dma_semaphore, #tpu.memory_space<semaphore_mem>>, %arg18: memref<!tpu.dma_semaphore, #tpu.memory_space<semaphore_mem>>, %arg19: memref<!tpu.dma_semaphore, #tpu.memory_space<semaphore_mem>>) attributes {dimension_semantics = [#tpu.dimension_semantics<core_parallel>, #tpu.dimension_semantics<subcore_parallel>], iteration_bounds = array<i64: 2, 16>, scalar_prefetch = 0 : i64, scratch_operands = 12 : i64, tpu.core_type = #tpu.core_type<sc_vector_subcore>, window_params = [{transform_indices = #map}, {transform_indices = #map}, {transform_indices = #map}, {transform_indices = #map}, {transform_indices = #map}, {transform_indices = #map1}]} {
    %mul3A = arith.constant 2 : i32
    %mul3A_0 = arith.muli %arg1, %mul3A : i32
    %add3A = arith.addi %mul3A_0, %arg0 : i32
    %mul3A_1 = arith.constant 128 : i32
    %mul3A_2 = arith.muli %add3A, %mul3A_1 : i32
    "tpu.region"() ({
      %run_scoped3A = tpu.sem_alloc : memref<!tpu.dma_semaphore, #tpu.memory_space<semaphore_mem>>
      tpu.enqueue_dma source(%arg6 : memref<200x64xf32, #tpu.memory_space<hbm>>) target(%arg12 : memref<200x64xf32, #tpu.memory_space<vmem>>) target_semaphore(%run_scoped3A : memref<!tpu.dma_semaphore, #tpu.memory_space<semaphore_mem>>)
      tpu.wait_dma2 semaphore(%run_scoped3A : memref<!tpu.dma_semaphore, #tpu.memory_space<semaphore_mem>>) src(%arg6 : memref<200x64xf32, #tpu.memory_space<hbm>>) dst(%arg12 : memref<200x64xf32, #tpu.memory_space<vmem>>)
      tpu.yield
    }) : () -> ()
    "tpu.region"() ({
      %run_scoped3A = tpu.sem_alloc : memref<!tpu.dma_semaphore, #tpu.memory_space<semaphore_mem>>
      %dma_start3A_367 = arith.constant 0 : i32
      %dma_start3A_368 = tpu.memref_slice %arg2[%dma_start3A_367, %mul3A_2] : memref<200x4096xi32, #tpu.memory_space<hbm>> -> memref<200x128xi32, #tpu.memory_space<hbm>>
      %dma_start3A_369 = arith.constant 0 : i32
      %dma_start3A_370 = tpu.memref_slice %arg2[%dma_start3A_369, %mul3A_2] : memref<200x4096xi32, #tpu.memory_space<hbm>> -> memref<200x128xi32, #tpu.memory_space<hbm>>
      tpu.enqueue_dma source(%dma_start3A_370 : memref<200x128xi32, #tpu.memory_space<hbm>>) target(%arg8 : memref<200x128xi32, #tpu.memory_space<vmem>>) target_semaphore(%run_scoped3A : memref<!tpu.dma_semaphore, #tpu.memory_space<semaphore_mem>>)
      %dma_wait3A_371 = arith.constant 0 : i32
      %dma_wait3A_372 = tpu.memref_slice %arg2[%dma_wait3A_371, %mul3A_2] : memref<200x4096xi32, #tpu.memory_space<hbm>> -> memref<200x128xi32, #tpu.memory_space<hbm>>
      %dma_wait3A_373 = arith.constant 0 : i32
      %dma_wait3A_374 = tpu.memref_slice %arg2[%dma_wait3A_373, %mul3A_2] : memref<200x4096xi32, #tpu.memory_space<hbm>> -> memref<200x128xi32, #tpu.memory_space<hbm>>
      tpu.wait_dma2 semaphore(%run_scoped3A : memref<!tpu.dma_semaphore, #tpu.memory_space<semaphore_mem>>) src(%dma_wait3A_374 : memref<200x128xi32, #tpu.memory_space<hbm>>) dst(%arg8 : memref<200x128xi32, #tpu.memory_space<vmem>>)
      tpu.yield
    }) : () -> ()
    "tpu.region"() ({
      %run_scoped3A = tpu.sem_alloc : memref<!tpu.dma_semaphore, #tpu.memory_space<semaphore_mem>>
      %dma_start3A_367 = arith.constant 0 : i32
      %dma_start3A_368 = tpu.memref_slice %arg3[%dma_start3A_367, %mul3A_2] : memref<200x4096xi32, #tpu.memory_space<hbm>> -> memref<200x128xi32, #tpu.memory_space<hbm>>
      %dma_start3A_369 = arith.constant 0 : i32
      %dma_start3A_370 = tpu.memref_slice %arg3[%dma_start3A_369, %mul3A_2] : memref<200x4096xi32, #tpu.memory_space<hbm>> -> memref<200x128xi32, #tpu.memory_space<hbm>>
      tpu.enqueue_dma source(%dma_start3A_370 : memref<200x128xi32, #tpu.memory_space<hbm>>) target(%arg9 : memref<200x128xi32, #tpu.memory_space<vmem>>) target_semaphore(%run_scoped3A : memref<!tpu.dma_semaphore, #tpu.memory_space<semaphore_mem>>)
      %dma_wait3A_371 = arith.constant 0 : i32
      %dma_wait3A_372 = tpu.memref_slice %arg3[%dma_wait3A_371, %mul3A_2] : memref<200x4096xi32, #tpu.memory_space<hbm>> -> memref<200x128xi32, #tpu.memory_space<hbm>>
      %dma_wait3A_373 = arith.constant 0 : i32
      %dma_wait3A_374 = tpu.memref_slice %arg3[%dma_wait3A_373, %mul3A_2] : memref<200x4096xi32, #tpu.memory_space<hbm>> -> memref<200x128xi32, #tpu.memory_space<hbm>>
      tpu.wait_dma2 semaphore(%run_scoped3A : memref<!tpu.dma_semaphore, #tpu.memory_space<semaphore_mem>>) src(%dma_wait3A_374 : memref<200x128xi32, #tpu.memory_space<hbm>>) dst(%arg9 : memref<200x128xi32, #tpu.memory_space<vmem>>)
      tpu.yield
    }) : () -> ()
    %iota3A = tpu.iota {dimensions = array<i32: 0>} : vector<16xi32>
    %dma_start3A = arith.constant 0 : i32
    %dma_start3A_3 = arith.constant 0 : i32
    %dma_start3A_4 = arith.constant 0 : i32
    %dma_start3A_5 = arith.constant 0 : i32
    %dma_start3A_6 = tpu.memref_slice %arg10[%dma_start3A_3, %dma_start3A_4, %dma_start3A_5] : memref<3x128x32xf32, #tpu.memory_space<vmem>> -> memref<1x128x32xf32, #tpu.memory_space<vmem>>
    %dma_start3A_7 = tpu.memref_squeeze %dma_start3A_6 : memref<1x128x32xf32, #tpu.memory_space<vmem>> -> memref<128x32xf32, #tpu.memory_space<vmem>>
    %dma_start3A_8 = arith.constant 0 : i32
    %dma_start3A_9 = tpu.memref_slice %arg8[%dma_start3A, %dma_start3A_8] : memref<200x128xi32, #tpu.memory_space<vmem>> -> memref<1x128xi32, #tpu.memory_space<vmem>>
    %dma_start3A_10 = tpu.memref_squeeze %dma_start3A_9 : memref<1x128xi32, #tpu.memory_space<vmem>> -> memref<128xi32, #tpu.memory_space<vmem>>
    %dma_start3A_11 = arith.constant 0 : i32
    %dma_start3A_12 = arith.constant 0 : i32
    %dma_start3A_13 = tpu.memref_slice %arg4[%dma_start3A_11, %dma_start3A_12] : memref<100000x32xf32, #tpu.memory_space<hbm>> -> memref<100000x32xf32, #tpu.memory_space<hbm>>
    tpu.enqueue_indirect_dma source(%dma_start3A_13 : memref<100000x32xf32, #tpu.memory_space<hbm>>) target(%dma_start3A_7 : memref<128x32xf32, #tpu.memory_space<vmem>>) offsets(%dma_start3A_10 : memref<128xi32, #tpu.memory_space<vmem>>) semaphore(%arg14 : memref<!tpu.dma_semaphore, #tpu.memory_space<semaphore_mem>>)
    %dma_start3A_14 = arith.constant 0 : i32
    %dma_start3A_15 = arith.constant 0 : i32
    %dma_start3A_16 = arith.constant 0 : i32
    %dma_start3A_17 = arith.constant 0 : i32
    %dma_start3A_18 = tpu.memref_slice %arg11[%dma_start3A_15, %dma_start3A_16, %dma_start3A_17] : memref<3x128x32xf32, #tpu.memory_space<vmem>> -> memref<1x128x32xf32, #tpu.memory_space<vmem>>
    %dma_start3A_19 = tpu.memref_squeeze %dma_start3A_18 : memref<1x128x32xf32, #tpu.memory_space<vmem>> -> memref<128x32xf32, #tpu.memory_space<vmem>>
    %dma_start3A_20 = arith.constant 0 : i32
    %dma_start3A_21 = tpu.memref_slice %arg9[%dma_start3A_14, %dma_start3A_20] : memref<200x128xi32, #tpu.memory_space<vmem>> -> memref<1x128xi32, #tpu.memory_space<vmem>>
    %dma_start3A_22 = tpu.memref_squeeze %dma_start3A_21 : memref<1x128xi32, #tpu.memory_space<vmem>> -> memref<128xi32, #tpu.memory_space<vmem>>
    %dma_start3A_23 = arith.constant 0 : i32
    %dma_start3A_24 = arith.constant 0 : i32
    %dma_start3A_25 = tpu.memref_slice %arg5[%dma_start3A_23, %dma_start3A_24] : memref<1000x32xf32, #tpu.memory_space<hbm>> -> memref<1000x32xf32, #tpu.memory_space<hbm>>
    tpu.enqueue_indirect_dma source(%dma_start3A_25 : memref<1000x32xf32, #tpu.memory_space<hbm>>) target(%dma_start3A_19 : memref<128x32xf32, #tpu.memory_space<vmem>>) offsets(%dma_start3A_22 : memref<128xi32, #tpu.memory_space<vmem>>) semaphore(%arg14 : memref<!tpu.dma_semaphore, #tpu.memory_space<semaphore_mem>>)
    %dma_start3A_26 = arith.constant 1 : i32
    %dma_start3A_27 = arith.constant 1 : i32
    %dma_start3A_28 = arith.constant 0 : i32
    %dma_start3A_29 = arith.constant 0 : i32
    %dma_start3A_30 = tpu.memref_slice %arg10[%dma_start3A_27, %dma_start3A_28, %dma_start3A_29] : memref<3x128x32xf32, #tpu.memory_space<vmem>> -> memref<1x128x32xf32, #tpu.memory_space<vmem>>
    %dma_start3A_31 = tpu.memref_squeeze %dma_start3A_30 : memref<1x128x32xf32, #tpu.memory_space<vmem>> -> memref<128x32xf32, #tpu.memory_space<vmem>>
    %dma_start3A_32 = arith.constant 0 : i32
    %dma_start3A_33 = tpu.memref_slice %arg8[%dma_start3A_26, %dma_start3A_32] : memref<200x128xi32, #tpu.memory_space<vmem>> -> memref<1x128xi32, #tpu.memory_space<vmem>>
    %dma_start3A_34 = tpu.memref_squeeze %dma_start3A_33 : memref<1x128xi32, #tpu.memory_space<vmem>> -> memref<128xi32, #tpu.memory_space<vmem>>
    %dma_start3A_35 = arith.constant 0 : i32
    %dma_start3A_36 = arith.constant 0 : i32
    %dma_start3A_37 = tpu.memref_slice %arg4[%dma_start3A_35, %dma_start3A_36] : memref<100000x32xf32, #tpu.memory_space<hbm>> -> memref<100000x32xf32, #tpu.memory_space<hbm>>
    tpu.enqueue_indirect_dma source(%dma_start3A_37 : memref<100000x32xf32, #tpu.memory_space<hbm>>) target(%dma_start3A_31 : memref<128x32xf32, #tpu.memory_space<vmem>>) offsets(%dma_start3A_34 : memref<128xi32, #tpu.memory_space<vmem>>) semaphore(%arg15 : memref<!tpu.dma_semaphore, #tpu.memory_space<semaphore_mem>>)
    %dma_start3A_38 = arith.constant 1 : i32
    %dma_start3A_39 = arith.constant 1 : i32
    %dma_start3A_40 = arith.constant 0 : i32
    %dma_start3A_41 = arith.constant 0 : i32
    %dma_start3A_42 = tpu.memref_slice %arg11[%dma_start3A_39, %dma_start3A_40, %dma_start3A_41] : memref<3x128x32xf32, #tpu.memory_space<vmem>> -> memref<1x128x32xf32, #tpu.memory_space<vmem>>
    %dma_start3A_43 = tpu.memref_squeeze %dma_start3A_42 : memref<1x128x32xf32, #tpu.memory_space<vmem>> -> memref<128x32xf32, #tpu.memory_space<vmem>>
    %dma_start3A_44 = arith.constant 0 : i32
    %dma_start3A_45 = tpu.memref_slice %arg9[%dma_start3A_38, %dma_start3A_44] : memref<200x128xi32, #tpu.memory_space<vmem>> -> memref<1x128xi32, #tpu.memory_space<vmem>>
    %dma_start3A_46 = tpu.memref_squeeze %dma_start3A_45 : memref<1x128xi32, #tpu.memory_space<vmem>> -> memref<128xi32, #tpu.memory_space<vmem>>
    %dma_start3A_47 = arith.constant 0 : i32
    %dma_start3A_48 = arith.constant 0 : i32
    %dma_start3A_49 = tpu.memref_slice %arg5[%dma_start3A_47, %dma_start3A_48] : memref<1000x32xf32, #tpu.memory_space<hbm>> -> memref<1000x32xf32, #tpu.memory_space<hbm>>
    tpu.enqueue_indirect_dma source(%dma_start3A_49 : memref<1000x32xf32, #tpu.memory_space<hbm>>) target(%dma_start3A_43 : memref<128x32xf32, #tpu.memory_space<vmem>>) offsets(%dma_start3A_46 : memref<128xi32, #tpu.memory_space<vmem>>) semaphore(%arg15 : memref<!tpu.dma_semaphore, #tpu.memory_space<semaphore_mem>>)
    %scan3A = arith.constant 0 : i32
    %scan3A_50 = arith.constant 66 : i32
    %scan3A_51 = arith.addi %scan3A, %scan3A_50 : i32
    %scan3A_52 = arith.constant 1 : i32
    scf.for %scan3A_367 = %scan3A to %scan3A_51 step %scan3A_52  : i32 {
      %mul3A_368 = arith.constant 3 : i32
      %mul3A_369 = arith.muli %scan3A_367, %mul3A_368 : i32
      %add3A_370 = arith.constant 0 : i32
      %add3A_371 = arith.addi %add3A_370, %mul3A_369 : i32
      %add3A_372 = arith.constant 0 : i32
      %add3A_373 = arith.addi %add3A_371, %add3A_372 : i32
      %add3A_374 = arith.constant 2 : i32
      %add3A_375 = arith.addi %add3A_373, %add3A_374 : i32
      %dma_start3A_376 = arith.constant 2 : i32
      %dma_start3A_377 = arith.constant 0 : i32
      %dma_start3A_378 = arith.constant 0 : i32
      %dma_start3A_379 = tpu.memref_slice %arg10[%dma_start3A_376, %dma_start3A_377, %dma_start3A_378] : memref<3x128x32xf32, #tpu.memory_space<vmem>> -> memref<1x128x32xf32, #tpu.memory_space<vmem>>
      %dma_start3A_380 = tpu.memref_squeeze %dma_start3A_379 : memref<1x128x32xf32, #tpu.memory_space<vmem>> -> memref<128x32xf32, #tpu.memory_space<vmem>>
      %dma_start3A_381 = arith.constant 0 : i32
      %dma_start3A_382 = tpu.memref_slice %arg8[%add3A_375, %dma_start3A_381] : memref<200x128xi32, #tpu.memory_space<vmem>> -> memref<1x128xi32, #tpu.memory_space<vmem>>
      %dma_start3A_383 = tpu.memref_squeeze %dma_start3A_382 : memref<1x128xi32, #tpu.memory_space<vmem>> -> memref<128xi32, #tpu.memory_space<vmem>>
      %dma_start3A_384 = arith.constant 0 : i32
      %dma_start3A_385 = arith.constant 0 : i32
      %dma_start3A_386 = tpu.memref_slice %arg4[%dma_start3A_384, %dma_start3A_385] : memref<100000x32xf32, #tpu.memory_space<hbm>> -> memref<100000x32xf32, #tpu.memory_space<hbm>>
      tpu.enqueue_indirect_dma source(%dma_start3A_386 : memref<100000x32xf32, #tpu.memory_space<hbm>>) target(%dma_start3A_380 : memref<128x32xf32, #tpu.memory_space<vmem>>) offsets(%dma_start3A_383 : memref<128xi32, #tpu.memory_space<vmem>>) semaphore(%arg16 : memref<!tpu.dma_semaphore, #tpu.memory_space<semaphore_mem>>)
      %dma_start3A_387 = arith.constant 2 : i32
      %dma_start3A_388 = arith.constant 0 : i32
      %dma_start3A_389 = arith.constant 0 : i32
      %dma_start3A_390 = tpu.memref_slice %arg11[%dma_start3A_387, %dma_start3A_388, %dma_start3A_389] : memref<3x128x32xf32, #tpu.memory_space<vmem>> -> memref<1x128x32xf32, #tpu.memory_space<vmem>>
      %dma_start3A_391 = tpu.memref_squeeze %dma_start3A_390 : memref<1x128x32xf32, #tpu.memory_space<vmem>> -> memref<128x32xf32, #tpu.memory_space<vmem>>
      %dma_start3A_392 = arith.constant 0 : i32
      %dma_start3A_393 = tpu.memref_slice %arg9[%add3A_375, %dma_start3A_392] : memref<200x128xi32, #tpu.memory_space<vmem>> -> memref<1x128xi32, #tpu.memory_space<vmem>>
      %dma_start3A_394 = tpu.memref_squeeze %dma_start3A_393 : memref<1x128xi32, #tpu.memory_space<vmem>> -> memref<128xi32, #tpu.memory_space<vmem>>
      %dma_start3A_395 = arith.constant 0 : i32
      %dma_start3A_396 = arith.constant 0 : i32
      %dma_start3A_397 = tpu.memref_slice %arg5[%dma_start3A_395, %dma_start3A_396] : memref<1000x32xf32, #tpu.memory_space<hbm>> -> memref<1000x32xf32, #tpu.memory_space<hbm>>
      tpu.enqueue_indirect_dma source(%dma_start3A_397 : memref<1000x32xf32, #tpu.memory_space<hbm>>) target(%dma_start3A_391 : memref<128x32xf32, #tpu.memory_space<vmem>>) offsets(%dma_start3A_394 : memref<128xi32, #tpu.memory_space<vmem>>) semaphore(%arg16 : memref<!tpu.dma_semaphore, #tpu.memory_space<semaphore_mem>>)
      %dma_wait3A_398 = arith.constant 0 : i32
      %dma_wait3A_399 = arith.constant 0 : i32
      %dma_wait3A_400 = arith.constant 0 : i32
      %dma_wait3A_401 = tpu.memref_slice %arg10[%dma_wait3A_398, %dma_wait3A_399, %dma_wait3A_400] : memref<3x128x32xf32, #tpu.memory_space<vmem>> -> memref<1x128x32xf32, #tpu.memory_space<vmem>>
      %dma_wait3A_402 = tpu.memref_squeeze %dma_wait3A_401 : memref<1x128x32xf32, #tpu.memory_space<vmem>> -> memref<128x32xf32, #tpu.memory_space<vmem>>
      %dma_wait3A_403 = arith.constant 0 : i32
      %dma_wait3A_404 = tpu.memref_slice %arg8[%add3A_373, %dma_wait3A_403] : memref<200x128xi32, #tpu.memory_space<vmem>> -> memref<1x128xi32, #tpu.memory_space<vmem>>
      %dma_wait3A_405 = tpu.memref_squeeze %dma_wait3A_404 : memref<1x128xi32, #tpu.memory_space<vmem>> -> memref<128xi32, #tpu.memory_space<vmem>>
      %dma_wait3A_406 = arith.constant 0 : i32
      %dma_wait3A_407 = arith.constant 0 : i32
      %dma_wait3A_408 = tpu.memref_slice %arg4[%dma_wait3A_406, %dma_wait3A_407] : memref<100000x32xf32, #tpu.memory_space<hbm>> -> memref<100000x32xf32, #tpu.memory_space<hbm>>
      tpu.wait_indirect_dma semaphore(%arg14 : memref<!tpu.dma_semaphore, #tpu.memory_space<semaphore_mem>>) src(%dma_wait3A_408 : memref<100000x32xf32, #tpu.memory_space<hbm>>) dst(%dma_wait3A_402 : memref<128x32xf32, #tpu.memory_space<vmem>>)
      %dma_wait3A_409 = arith.constant 0 : i32
      %dma_wait3A_410 = arith.constant 0 : i32
      %dma_wait3A_411 = arith.constant 0 : i32
      %dma_wait3A_412 = tpu.memref_slice %arg11[%dma_wait3A_409, %dma_wait3A_410, %dma_wait3A_411] : memref<3x128x32xf32, #tpu.memory_space<vmem>> -> memref<1x128x32xf32, #tpu.memory_space<vmem>>
      %dma_wait3A_413 = tpu.memref_squeeze %dma_wait3A_412 : memref<1x128x32xf32, #tpu.memory_space<vmem>> -> memref<128x32xf32, #tpu.memory_space<vmem>>
      %dma_wait3A_414 = arith.constant 0 : i32
      %dma_wait3A_415 = tpu.memref_slice %arg9[%add3A_373, %dma_wait3A_414] : memref<200x128xi32, #tpu.memory_space<vmem>> -> memref<1x128xi32, #tpu.memory_space<vmem>>
      %dma_wait3A_416 = tpu.memref_squeeze %dma_wait3A_415 : memref<1x128xi32, #tpu.memory_space<vmem>> -> memref<128xi32, #tpu.memory_space<vmem>>
      %dma_wait3A_417 = arith.constant 0 : i32
      %dma_wait3A_418 = arith.constant 0 : i32
      %dma_wait3A_419 = tpu.memref_slice %arg5[%dma_wait3A_417, %dma_wait3A_418] : memref<1000x32xf32, #tpu.memory_space<hbm>> -> memref<1000x32xf32, #tpu.memory_space<hbm>>
      tpu.wait_indirect_dma semaphore(%arg14 : memref<!tpu.dma_semaphore, #tpu.memory_space<semaphore_mem>>) src(%dma_wait3A_419 : memref<1000x32xf32, #tpu.memory_space<hbm>>) dst(%dma_wait3A_413 : memref<128x32xf32, #tpu.memory_space<vmem>>)
      %ge3A = arith.constant 3 : i32
      %ge3A_420 = arith.cmpi sge, %add3A_373, %ge3A : i32
      %convert_element_type3A = arith.extui %ge3A_420 : i1 to i32
      %cond3A = arith.constant 0 : i32
      %cond3A_421 = arith.cmpi ne, %convert_element_type3A, %cond3A : i32
      scf.if %cond3A_421 {
        %sub3A = arith.constant 3 : i32
        %sub3A_753 = arith.subi %add3A_373, %sub3A : i32
        %dma_wait3A_754 = arith.constant 0 : i32
        %dma_wait3A_755 = arith.constant 0 : i32
        %dma_wait3A_756 = arith.constant 0 : i32
        %dma_wait3A_757 = arith.constant 0 : i32
        %dma_wait3A_758 = tpu.memref_slice %arg13[%dma_wait3A_754, %dma_wait3A_755, %dma_wait3A_756, %dma_wait3A_757] : memref<3x8x8x129xf32, #tpu.memory_space<vmem>> -> memref<1x8x8x128xf32, #tpu.memory_space<vmem>>
        %dma_wait3A_759 = tpu.memref_squeeze %dma_wait3A_758 : memref<1x8x8x128xf32, #tpu.memory_space<vmem>> -> memref<8x8x128xf32, #tpu.memory_space<vmem>>
        %dma_wait3A_760 = arith.constant 0 : i32
        %dma_wait3A_761 = arith.constant 0 : i32
        %dma_wait3A_762 = arith.constant 0 : i32
        %dma_wait3A_763 = tpu.memref_slice %arg7[%sub3A_753, %dma_wait3A_760, %add3A, %dma_wait3A_761, %dma_wait3A_762] : memref<200x8x32x8x128xf32, #tpu.memory_space<hbm>> -> memref<1x8x1x8x128xf32, #tpu.memory_space<hbm>>
        %dma_wait3A_764 = tpu.memref_squeeze %dma_wait3A_763 : memref<1x8x1x8x128xf32, #tpu.memory_space<hbm>> -> memref<8x8x128xf32, #tpu.memory_space<hbm>>
        %dma_wait3A_765 = arith.constant 0 : i32
        %dma_wait3A_766 = arith.constant 0 : i32
        %dma_wait3A_767 = arith.constant 0 : i32
        %dma_wait3A_768 = tpu.memref_slice %arg7[%sub3A_753, %dma_wait3A_765, %add3A, %dma_wait3A_766, %dma_wait3A_767] : memref<200x8x32x8x128xf32, #tpu.memory_space<hbm>> -> memref<1x8x1x8x128xf32, #tpu.memory_space<hbm>>
        %dma_wait3A_769 = tpu.memref_squeeze %dma_wait3A_768 : memref<1x8x1x8x128xf32, #tpu.memory_space<hbm>> -> memref<8x8x128xf32, #tpu.memory_space<hbm>>
        %dma_wait3A_770 = arith.constant 0 : i32
        %dma_wait3A_771 = arith.constant 0 : i32
        %dma_wait3A_772 = arith.constant 0 : i32
        %dma_wait3A_773 = tpu.memref_slice %arg13[%dma_wait3A_754, %dma_wait3A_770, %dma_wait3A_771, %dma_wait3A_772] : memref<3x8x8x129xf32, #tpu.memory_space<vmem>> -> memref<1x8x8x128xf32, #tpu.memory_space<vmem>>
        %dma_wait3A_774 = tpu.memref_squeeze %dma_wait3A_773 : memref<1x8x8x128xf32, #tpu.memory_space<vmem>> -> memref<8x8x128xf32, #tpu.memory_space<vmem>>
        tpu.wait_dma2 semaphore(%arg17 : memref<!tpu.dma_semaphore, #tpu.memory_space<semaphore_mem>>) src(%dma_wait3A_774 : memref<8x8x128xf32, #tpu.memory_space<vmem>>) dst(%dma_wait3A_769 : memref<8x8x128xf32, #tpu.memory_space<hbm>>)
      } else {
      }
      %get3A_422 = arith.index_cast %add3A_373 : i32 to index
      %get3A_423 = arith.constant 0 : index
      %get3A_424 = tpu.vector_load %arg12[%get3A_422, %get3A_423] {strides = array<i32>} : memref<200x64xf32, #tpu.memory_space<vmem>>, vector<16xf32>,
      %add3A_425 = arith.constant 0 : i32
      %add3A_426 = vector.broadcast %add3A_425 : i32 to vector<16xi32>
      %add3A_427 = arith.addi %iota3A, %add3A_426 : vector<16xi32>
      %shift_right_arithmetic3A_428 = arith.constant 3 : i32
      %shift_right_arithmetic3A_429 = vector.broadcast %shift_right_arithmetic3A_428 : i32 to vector<16xi32>
      %shift_right_arithmetic3A_430 = arith.shrsi %add3A_427, %shift_right_arithmetic3A_429 : vector<16xi32>
      %and3A_431 = arith.constant 7 : i32
      %and3A_432 = vector.broadcast %and3A_431 : i32 to vector<16xi32>
      %and3A_433 = arith.andi %add3A_427, %and3A_432 : vector<16xi32>
      %get3A_434 = arith.index_cast %add3A_373 : i32 to index
      %get3A_435 = arith.constant 16 : index
      %get3A_436 = tpu.vector_load %arg12[%get3A_434, %get3A_435] {strides = array<i32>} : memref<200x64xf32, #tpu.memory_space<vmem>>, vector<16xf32>,
      %add3A_437 = arith.constant 16 : i32
      %add3A_438 = vector.broadcast %add3A_437 : i32 to vector<16xi32>
      %add3A_439 = arith.addi %iota3A, %add3A_438 : vector<16xi32>
      %shift_right_arithmetic3A_440 = arith.constant 3 : i32
      %shift_right_arithmetic3A_441 = vector.broadcast %shift_right_arithmetic3A_440 : i32 to vector<16xi32>
      %shift_right_arithmetic3A_442 = arith.shrsi %add3A_439, %shift_right_arithmetic3A_441 : vector<16xi32>
      %and3A_443 = arith.constant 7 : i32
      %and3A_444 = vector.broadcast %and3A_443 : i32 to vector<16xi32>
      %and3A_445 = arith.andi %add3A_439, %and3A_444 : vector<16xi32>
      %get3A_446 = arith.index_cast %add3A_373 : i32 to index
      %get3A_447 = arith.constant 32 : index
      %get3A_448 = tpu.vector_load %arg12[%get3A_446, %get3A_447] {strides = array<i32>} : memref<200x64xf32, #tpu.memory_space<vmem>>, vector<16xf32>,
      %add3A_449 = arith.constant 32 : i32
      %add3A_450 = vector.broadcast %add3A_449 : i32 to vector<16xi32>
      %add3A_451 = arith.addi %iota3A, %add3A_450 : vector<16xi32>
      %shift_right_arithmetic3A_452 = arith.constant 3 : i32
      %shift_right_arithmetic3A_453 = vector.broadcast %shift_right_arithmetic3A_452 : i32 to vector<16xi32>
      %shift_right_arithmetic3A_454 = arith.shrsi %add3A_451, %shift_right_arithmetic3A_453 : vector<16xi32>
      %and3A_455 = arith.constant 7 : i32
      %and3A_456 = vector.broadcast %and3A_455 : i32 to vector<16xi32>
      %and3A_457 = arith.andi %add3A_451, %and3A_456 : vector<16xi32>
      %get3A_458 = arith.index_cast %add3A_373 : i32 to index
      %get3A_459 = arith.constant 48 : index
      %get3A_460 = tpu.vector_load %arg12[%get3A_458, %get3A_459] {strides = array<i32>} : memref<200x64xf32, #tpu.memory_space<vmem>>, vector<16xf32>,
      %add3A_461 = arith.constant 48 : i32
      %add3A_462 = vector.broadcast %add3A_461 : i32 to vector<16xi32>
      %add3A_463 = arith.addi %iota3A, %add3A_462 : vector<16xi32>
      %shift_right_arithmetic3A_464 = arith.constant 3 : i32
      %shift_right_arithmetic3A_465 = vector.broadcast %shift_right_arithmetic3A_464 : i32 to vector<16xi32>
      %shift_right_arithmetic3A_466 = arith.shrsi %add3A_463, %shift_right_arithmetic3A_465 : vector<16xi32>
      %and3A_467 = arith.constant 7 : i32
      %and3A_468 = vector.broadcast %and3A_467 : i32 to vector<16xi32>
      %and3A_469 = arith.andi %add3A_463, %and3A_468 : vector<16xi32>
      %parallel_loop3A_470 = arith.constant 0 : i32
      %parallel_loop3A_471 = arith.constant 128 : i32
      %parallel_loop3A_472 = arith.constant 1 : i32
      %parallel_loop3A_473 = arith.constant 0 : i32
      %parallel_loop3A_474 = arith.constant 0 : i32
      %parallel_loop3A_475 = arith.constant 0 : i32
      scf.for %parallel_loop3A_753 = %parallel_loop3A_470 to %parallel_loop3A_471 step %parallel_loop3A_472  : i32 {
        %parallel_loop3A_754 = vector.broadcast %parallel_loop3A_753 : i32 to vector<16xi32>
        %parallel_loop3A_755 = arith.constant 0 : i32
        %parallel_loop3A_756 = arith.constant 0 : i32
        %parallel_loop3A_757 = tpu.memref_slice %arg10[%parallel_loop3A_473, %parallel_loop3A_755, %parallel_loop3A_756] : memref<3x128x32xf32, #tpu.memory_space<vmem>> -> memref<1x128x32xf32, #tpu.memory_space<vmem>>
        %parallel_loop3A_758 = tpu.memref_squeeze %parallel_loop3A_757 : memref<1x128x32xf32, #tpu.memory_space<vmem>> -> memref<128x32xf32, #tpu.memory_space<vmem>>
        %parallel_loop3A_759 = arith.index_cast %parallel_loop3A_753 : i32 to index
        %parallel_loop3A_760 = arith.constant 0 : index
        %parallel_loop3A_761 = tpu.vector_load %parallel_loop3A_758[%parallel_loop3A_759, %parallel_loop3A_760] {strides = array<i32>} : memref<128x32xf32, #tpu.memory_space<vmem>>, vector<16xf32>,
        %parallel_loop3A_762 = arith.addf %parallel_loop3A_761, %get3A_424 : vector<16xf32>
        %parallel_loop3A_763 = arith.constant 0 : i32
        %parallel_loop3A_764 = arith.constant 0 : i32
        %parallel_loop3A_765 = arith.constant 0 : i32
        %parallel_loop3A_766 = tpu.memref_slice %arg13[%parallel_loop3A_474, %parallel_loop3A_763, %parallel_loop3A_764, %parallel_loop3A_765] : memref<3x8x8x129xf32, #tpu.memory_space<vmem>> -> memref<1x8x8x129xf32, #tpu.memory_space<vmem>>
        %parallel_loop3A_767 = tpu.memref_squeeze %parallel_loop3A_766 : memref<1x8x8x129xf32, #tpu.memory_space<vmem>> -> memref<8x8x129xf32, #tpu.memory_space<vmem>>
        tpu.vector_store_idx %parallel_loop3A_767[%shift_right_arithmetic3A_430, %and3A_433, %parallel_loop3A_754], %parallel_loop3A_762 : memref<8x8x129xf32, #tpu.memory_space<vmem>>[vector<16xi32>, vector<16xi32>, vector<16xi32>], vector<16xf32>,
        %parallel_loop3A_768 = arith.constant 0 : i32
        %parallel_loop3A_769 = arith.constant 0 : i32
        %parallel_loop3A_770 = tpu.memref_slice %arg10[%parallel_loop3A_473, %parallel_loop3A_768, %parallel_loop3A_769] : memref<3x128x32xf32, #tpu.memory_space<vmem>> -> memref<1x128x32xf32, #tpu.memory_space<vmem>>
        %parallel_loop3A_771 = tpu.memref_squeeze %parallel_loop3A_770 : memref<1x128x32xf32, #tpu.memory_space<vmem>> -> memref<128x32xf32, #tpu.memory_space<vmem>>
        %parallel_loop3A_772 = arith.index_cast %parallel_loop3A_753 : i32 to index
        %parallel_loop3A_773 = arith.constant 16 : index
        %parallel_loop3A_774 = tpu.vector_load %parallel_loop3A_771[%parallel_loop3A_772, %parallel_loop3A_773] {strides = array<i32>} : memref<128x32xf32, #tpu.memory_space<vmem>>, vector<16xf32>,
        %parallel_loop3A_775 = arith.addf %parallel_loop3A_774, %get3A_436 : vector<16xf32>
        %parallel_loop3A_776 = arith.constant 0 : i32
        %parallel_loop3A_777 = arith.constant 0 : i32
        %parallel_loop3A_778 = arith.constant 0 : i32
        %parallel_loop3A_779 = tpu.memref_slice %arg13[%parallel_loop3A_474, %parallel_loop3A_776, %parallel_loop3A_777, %parallel_loop3A_778] : memref<3x8x8x129xf32, #tpu.memory_space<vmem>> -> memref<1x8x8x129xf32, #tpu.memory_space<vmem>>
        %parallel_loop3A_780 = tpu.memref_squeeze %parallel_loop3A_779 : memref<1x8x8x129xf32, #tpu.memory_space<vmem>> -> memref<8x8x129xf32, #tpu.memory_space<vmem>>
        tpu.vector_store_idx %parallel_loop3A_780[%shift_right_arithmetic3A_442, %and3A_445, %parallel_loop3A_754], %parallel_loop3A_775 : memref<8x8x129xf32, #tpu.memory_space<vmem>>[vector<16xi32>, vector<16xi32>, vector<16xi32>], vector<16xf32>,
        %parallel_loop3A_781 = arith.constant 0 : i32
        %parallel_loop3A_782 = arith.constant 0 : i32
        %parallel_loop3A_783 = tpu.memref_slice %arg11[%parallel_loop3A_475, %parallel_loop3A_781, %parallel_loop3A_782] : memref<3x128x32xf32, #tpu.memory_space<vmem>> -> memref<1x128x32xf32, #tpu.memory_space<vmem>>
        %parallel_loop3A_784 = tpu.memref_squeeze %parallel_loop3A_783 : memref<1x128x32xf32, #tpu.memory_space<vmem>> -> memref<128x32xf32, #tpu.memory_space<vmem>>
        %parallel_loop3A_785 = arith.index_cast %parallel_loop3A_753 : i32 to index
        %parallel_loop3A_786 = arith.constant 0 : index
        %parallel_loop3A_787 = tpu.vector_load %parallel_loop3A_784[%parallel_loop3A_785, %parallel_loop3A_786] {strides = array<i32>} : memref<128x32xf32, #tpu.memory_space<vmem>>, vector<16xf32>,
        %parallel_loop3A_788 = arith.addf %parallel_loop3A_787, %get3A_448 : vector<16xf32>
        %parallel_loop3A_789 = arith.constant 0 : i32
        %parallel_loop3A_790 = arith.constant 0 : i32
        %parallel_loop3A_791 = arith.constant 0 : i32
        %parallel_loop3A_792 = tpu.memref_slice %arg13[%parallel_loop3A_474, %parallel_loop3A_789, %parallel_loop3A_790, %parallel_loop3A_791] : memref<3x8x8x129xf32, #tpu.memory_space<vmem>> -> memref<1x8x8x129xf32, #tpu.memory_space<vmem>>
        %parallel_loop3A_793 = tpu.memref_squeeze %parallel_loop3A_792 : memref<1x8x8x129xf32, #tpu.memory_space<vmem>> -> memref<8x8x129xf32, #tpu.memory_space<vmem>>
        tpu.vector_store_idx %parallel_loop3A_793[%shift_right_arithmetic3A_454, %and3A_457, %parallel_loop3A_754], %parallel_loop3A_788 : memref<8x8x129xf32, #tpu.memory_space<vmem>>[vector<16xi32>, vector<16xi32>, vector<16xi32>], vector<16xf32>,
        %parallel_loop3A_794 = arith.constant 0 : i32
        %parallel_loop3A_795 = arith.constant 0 : i32
        %parallel_loop3A_796 = tpu.memref_slice %arg11[%parallel_loop3A_475, %parallel_loop3A_794, %parallel_loop3A_795] : memref<3x128x32xf32, #tpu.memory_space<vmem>> -> memref<1x128x32xf32, #tpu.memory_space<vmem>>
        %parallel_loop3A_797 = tpu.memref_squeeze %parallel_loop3A_796 : memref<1x128x32xf32, #tpu.memory_space<vmem>> -> memref<128x32xf32, #tpu.memory_space<vmem>>
        %parallel_loop3A_798 = arith.index_cast %parallel_loop3A_753 : i32 to index
        %parallel_loop3A_799 = arith.constant 16 : index
        %parallel_loop3A_800 = tpu.vector_load %parallel_loop3A_797[%parallel_loop3A_798, %parallel_loop3A_799] {strides = array<i32>} : memref<128x32xf32, #tpu.memory_space<vmem>>, vector<16xf32>,
        %parallel_loop3A_801 = arith.addf %parallel_loop3A_800, %get3A_460 : vector<16xf32>
        %parallel_loop3A_802 = arith.constant 0 : i32
        %parallel_loop3A_803 = arith.constant 0 : i32
        %parallel_loop3A_804 = arith.constant 0 : i32
        %parallel_loop3A_805 = tpu.memref_slice %arg13[%parallel_loop3A_474, %parallel_loop3A_802, %parallel_loop3A_803, %parallel_loop3A_804] : memref<3x8x8x129xf32, #tpu.memory_space<vmem>> -> memref<1x8x8x129xf32, #tpu.memory_space<vmem>>
        %parallel_loop3A_806 = tpu.memref_squeeze %parallel_loop3A_805 : memref<1x8x8x129xf32, #tpu.memory_space<vmem>> -> memref<8x8x129xf32, #tpu.memory_space<vmem>>
        tpu.vector_store_idx %parallel_loop3A_806[%shift_right_arithmetic3A_466, %and3A_469, %parallel_loop3A_754], %parallel_loop3A_801 : memref<8x8x129xf32, #tpu.memory_space<vmem>>[vector<16xi32>, vector<16xi32>, vector<16xi32>], vector<16xf32>,
      } {sc.loop_unroll_factor = 4 : i64, sc.parallel_access}
      %dma_start3A_476 = arith.constant 0 : i32
      %dma_start3A_477 = arith.constant 0 : i32
      %dma_start3A_478 = arith.constant 0 : i32
      %dma_start3A_479 = arith.constant 0 : i32
      %dma_start3A_480 = tpu.memref_slice %arg13[%dma_start3A_476, %dma_start3A_477, %dma_start3A_478, %dma_start3A_479] : memref<3x8x8x129xf32, #tpu.memory_space<vmem>> -> memref<1x8x8x128xf32, #tpu.memory_space<vmem>>
      %dma_start3A_481 = tpu.memref_squeeze %dma_start3A_480 : memref<1x8x8x128xf32, #tpu.memory_space<vmem>> -> memref<8x8x128xf32, #tpu.memory_space<vmem>>
      %dma_start3A_482 = arith.constant 0 : i32
      %dma_start3A_483 = arith.constant 0 : i32
      %dma_start3A_484 = arith.constant 0 : i32
      %dma_start3A_485 = tpu.memref_slice %arg7[%add3A_373, %dma_start3A_482, %add3A, %dma_start3A_483, %dma_start3A_484] : memref<200x8x32x8x128xf32, #tpu.memory_space<hbm>> -> memref<1x8x1x8x128xf32, #tpu.memory_space<hbm>>
      %dma_start3A_486 = tpu.memref_squeeze %dma_start3A_485 : memref<1x8x1x8x128xf32, #tpu.memory_space<hbm>> -> memref<8x8x128xf32, #tpu.memory_space<hbm>>
      %dma_start3A_487 = arith.constant 0 : i32
      %dma_start3A_488 = arith.constant 0 : i32
      %dma_start3A_489 = arith.constant 0 : i32
      %dma_start3A_490 = tpu.memref_slice %arg7[%add3A_373, %dma_start3A_487, %add3A, %dma_start3A_488, %dma_start3A_489] : memref<200x8x32x8x128xf32, #tpu.memory_space<hbm>> -> memref<1x8x1x8x128xf32, #tpu.memory_space<hbm>>
      %dma_start3A_491 = tpu.memref_squeeze %dma_start3A_490 : memref<1x8x1x8x128xf32, #tpu.memory_space<hbm>> -> memref<8x8x128xf32, #tpu.memory_space<hbm>>
      %dma_start3A_492 = arith.constant 0 : i32
      %dma_start3A_493 = arith.constant 0 : i32
      %dma_start3A_494 = arith.constant 0 : i32
      %dma_start3A_495 = tpu.memref_slice %arg13[%dma_start3A_476, %dma_start3A_492, %dma_start3A_493, %dma_start3A_494] : memref<3x8x8x129xf32, #tpu.memory_space<vmem>> -> memref<1x8x8x128xf32, #tpu.memory_space<vmem>>
      %dma_start3A_496 = tpu.memref_squeeze %dma_start3A_495 : memref<1x8x8x128xf32, #tpu.memory_space<vmem>> -> memref<8x8x128xf32, #tpu.memory_space<vmem>>
      tpu.enqueue_dma source(%dma_start3A_496 : memref<8x8x128xf32, #tpu.memory_space<vmem>>) target(%dma_start3A_491 : memref<8x8x128xf32, #tpu.memory_space<hbm>>) target_semaphore(%arg17 : memref<!tpu.dma_semaphore, #tpu.memory_space<semaphore_mem>>)
      %add3A_497 = arith.constant 1 : i32
      %add3A_498 = arith.addi %add3A_371, %add3A_497 : i32
      %add3A_499 = arith.constant 2 : i32
      %add3A_500 = arith.addi %add3A_498, %add3A_499 : i32
      %dma_start3A_501 = arith.constant 0 : i32
      %dma_start3A_502 = arith.constant 0 : i32
      %dma_start3A_503 = arith.constant 0 : i32
      %dma_start3A_504 = tpu.memref_slice %arg10[%dma_start3A_501, %dma_start3A_502, %dma_start3A_503] : memref<3x128x32xf32, #tpu.memory_space<vmem>> -> memref<1x128x32xf32, #tpu.memory_space<vmem>>
      %dma_start3A_505 = tpu.memref_squeeze %dma_start3A_504 : memref<1x128x32xf32, #tpu.memory_space<vmem>> -> memref<128x32xf32, #tpu.memory_space<vmem>>
      %dma_start3A_506 = arith.constant 0 : i32
      %dma_start3A_507 = tpu.memref_slice %arg8[%add3A_500, %dma_start3A_506] : memref<200x128xi32, #tpu.memory_space<vmem>> -> memref<1x128xi32, #tpu.memory_space<vmem>>
      %dma_start3A_508 = tpu.memref_squeeze %dma_start3A_507 : memref<1x128xi32, #tpu.memory_space<vmem>> -> memref<128xi32, #tpu.memory_space<vmem>>
      %dma_start3A_509 = arith.constant 0 : i32
      %dma_start3A_510 = arith.constant 0 : i32
      %dma_start3A_511 = tpu.memref_slice %arg4[%dma_start3A_509, %dma_start3A_510] : memref<100000x32xf32, #tpu.memory_space<hbm>> -> memref<100000x32xf32, #tpu.memory_space<hbm>>
      tpu.enqueue_indirect_dma source(%dma_start3A_511 : memref<100000x32xf32, #tpu.memory_space<hbm>>) target(%dma_start3A_505 : memref<128x32xf32, #tpu.memory_space<vmem>>) offsets(%dma_start3A_508 : memref<128xi32, #tpu.memory_space<vmem>>) semaphore(%arg14 : memref<!tpu.dma_semaphore, #tpu.memory_space<semaphore_mem>>)
      %dma_start3A_512 = arith.constant 0 : i32
      %dma_start3A_513 = arith.constant 0 : i32
      %dma_start3A_514 = arith.constant 0 : i32
      %dma_start3A_515 = tpu.memref_slice %arg11[%dma_start3A_512, %dma_start3A_513, %dma_start3A_514] : memref<3x128x32xf32, #tpu.memory_space<vmem>> -> memref<1x128x32xf32, #tpu.memory_space<vmem>>
      %dma_start3A_516 = tpu.memref_squeeze %dma_start3A_515 : memref<1x128x32xf32, #tpu.memory_space<vmem>> -> memref<128x32xf32, #tpu.memory_space<vmem>>
      %dma_start3A_517 = arith.constant 0 : i32
      %dma_start3A_518 = tpu.memref_slice %arg9[%add3A_500, %dma_start3A_517] : memref<200x128xi32, #tpu.memory_space<vmem>> -> memref<1x128xi32, #tpu.memory_space<vmem>>
      %dma_start3A_519 = tpu.memref_squeeze %dma_start3A_518 : memref<1x128xi32, #tpu.memory_space<vmem>> -> memref<128xi32, #tpu.memory_space<vmem>>
      %dma_start3A_520 = arith.constant 0 : i32
      %dma_start3A_521 = arith.constant 0 : i32
      %dma_start3A_522 = tpu.memref_slice %arg5[%dma_start3A_520, %dma_start3A_521] : memref<1000x32xf32, #tpu.memory_space<hbm>> -> memref<1000x32xf32, #tpu.memory_space<hbm>>
      tpu.enqueue_indirect_dma source(%dma_start3A_522 : memref<1000x32xf32, #tpu.memory_space<hbm>>) target(%dma_start3A_516 : memref<128x32xf32, #tpu.memory_space<vmem>>) offsets(%dma_start3A_519 : memref<128xi32, #tpu.memory_space<vmem>>) semaphore(%arg14 : memref<!tpu.dma_semaphore, #tpu.memory_space<semaphore_mem>>)
      %dma_wait3A_523 = arith.constant 1 : i32
      %dma_wait3A_524 = arith.constant 0 : i32
      %dma_wait3A_525 = arith.constant 0 : i32
      %dma_wait3A_526 = tpu.memref_slice %arg10[%dma_wait3A_523, %dma_wait3A_524, %dma_wait3A_525] : memref<3x128x32xf32, #tpu.memory_space<vmem>> -> memref<1x128x32xf32, #tpu.memory_space<vmem>>
      %dma_wait3A_527 = tpu.memref_squeeze %dma_wait3A_526 : memref<1x128x32xf32, #tpu.memory_space<vmem>> -> memref<128x32xf32, #tpu.memory_space<vmem>>
      %dma_wait3A_528 = arith.constant 0 : i32
      %dma_wait3A_529 = tpu.memref_slice %arg8[%add3A_498, %dma_wait3A_528] : memref<200x128xi32, #tpu.memory_space<vmem>> -> memref<1x128xi32, #tpu.memory_space<vmem>>
      %dma_wait3A_530 = tpu.memref_squeeze %dma_wait3A_529 : memref<1x128xi32, #tpu.memory_space<vmem>> -> memref<128xi32, #tpu.memory_space<vmem>>
      %dma_wait3A_531 = arith.constant 0 : i32
      %dma_wait3A_532 = arith.constant 0 : i32
      %dma_wait3A_533 = tpu.memref_slice %arg4[%dma_wait3A_531, %dma_wait3A_532] : memref<100000x32xf32, #tpu.memory_space<hbm>> -> memref<100000x32xf32, #tpu.memory_space<hbm>>
      tpu.wait_indirect_dma semaphore(%arg15 : memref<!tpu.dma_semaphore, #tpu.memory_space<semaphore_mem>>) src(%dma_wait3A_533 : memref<100000x32xf32, #tpu.memory_space<hbm>>) dst(%dma_wait3A_527 : memref<128x32xf32, #tpu.memory_space<vmem>>)
      %dma_wait3A_534 = arith.constant 1 : i32
      %dma_wait3A_535 = arith.constant 0 : i32
      %dma_wait3A_536 = arith.constant 0 : i32
      %dma_wait3A_537 = tpu.memref_slice %arg11[%dma_wait3A_534, %dma_wait3A_535, %dma_wait3A_536] : memref<3x128x32xf32, #tpu.memory_space<vmem>> -> memref<1x128x32xf32, #tpu.memory_space<vmem>>
      %dma_wait3A_538 = tpu.memref_squeeze %dma_wait3A_537 : memref<1x128x32xf32, #tpu.memory_space<vmem>> -> memref<128x32xf32, #tpu.memory_space<vmem>>
      %dma_wait3A_539 = arith.constant 0 : i32
      %dma_wait3A_540 = tpu.memref_slice %arg9[%add3A_498, %dma_wait3A_539] : memref<200x128xi32, #tpu.memory_space<vmem>> -> memref<1x128xi32, #tpu.memory_space<vmem>>
      %dma_wait3A_541 = tpu.memref_squeeze %dma_wait3A_540 : memref<1x128xi32, #tpu.memory_space<vmem>> -> memref<128xi32, #tpu.memory_space<vmem>>
      %dma_wait3A_542 = arith.constant 0 : i32
      %dma_wait3A_543 = arith.constant 0 : i32
      %dma_wait3A_544 = tpu.memref_slice %arg5[%dma_wait3A_542, %dma_wait3A_543] : memref<1000x32xf32, #tpu.memory_space<hbm>> -> memref<1000x32xf32, #tpu.memory_space<hbm>>
      tpu.wait_indirect_dma semaphore(%arg15 : memref<!tpu.dma_semaphore, #tpu.memory_space<semaphore_mem>>) src(%dma_wait3A_544 : memref<1000x32xf32, #tpu.memory_space<hbm>>) dst(%dma_wait3A_538 : memref<128x32xf32, #tpu.memory_space<vmem>>)
      %ge3A_545 = arith.constant 3 : i32
      %ge3A_546 = arith.cmpi sge, %add3A_498, %ge3A_545 : i32
      %convert_element_type3A_547 = arith.extui %ge3A_546 : i1 to i32
      %cond3A_548 = arith.constant 0 : i32
      %cond3A_549 = arith.cmpi ne, %convert_element_type3A_547, %cond3A_548 : i32
      scf.if %cond3A_549 {
        %sub3A = arith.constant 3 : i32
        %sub3A_753 = arith.subi %add3A_498, %sub3A : i32
        %dma_wait3A_754 = arith.constant 1 : i32
        %dma_wait3A_755 = arith.constant 0 : i32
        %dma_wait3A_756 = arith.constant 0 : i32
        %dma_wait3A_757 = arith.constant 0 : i32
        %dma_wait3A_758 = tpu.memref_slice %arg13[%dma_wait3A_754, %dma_wait3A_755, %dma_wait3A_756, %dma_wait3A_757] : memref<3x8x8x129xf32, #tpu.memory_space<vmem>> -> memref<1x8x8x128xf32, #tpu.memory_space<vmem>>
        %dma_wait3A_759 = tpu.memref_squeeze %dma_wait3A_758 : memref<1x8x8x128xf32, #tpu.memory_space<vmem>> -> memref<8x8x128xf32, #tpu.memory_space<vmem>>
        %dma_wait3A_760 = arith.constant 0 : i32
        %dma_wait3A_761 = arith.constant 0 : i32
        %dma_wait3A_762 = arith.constant 0 : i32
        %dma_wait3A_763 = tpu.memref_slice %arg7[%sub3A_753, %dma_wait3A_760, %add3A, %dma_wait3A_761, %dma_wait3A_762] : memref<200x8x32x8x128xf32, #tpu.memory_space<hbm>> -> memref<1x8x1x8x128xf32, #tpu.memory_space<hbm>>
        %dma_wait3A_764 = tpu.memref_squeeze %dma_wait3A_763 : memref<1x8x1x8x128xf32, #tpu.memory_space<hbm>> -> memref<8x8x128xf32, #tpu.memory_space<hbm>>
        %dma_wait3A_765 = arith.constant 0 : i32
        %dma_wait3A_766 = arith.constant 0 : i32
        %dma_wait3A_767 = arith.constant 0 : i32
        %dma_wait3A_768 = tpu.memref_slice %arg7[%sub3A_753, %dma_wait3A_765, %add3A, %dma_wait3A_766, %dma_wait3A_767] : memref<200x8x32x8x128xf32, #tpu.memory_space<hbm>> -> memref<1x8x1x8x128xf32, #tpu.memory_space<hbm>>
        %dma_wait3A_769 = tpu.memref_squeeze %dma_wait3A_768 : memref<1x8x1x8x128xf32, #tpu.memory_space<hbm>> -> memref<8x8x128xf32, #tpu.memory_space<hbm>>
        %dma_wait3A_770 = arith.constant 0 : i32
        %dma_wait3A_771 = arith.constant 0 : i32
        %dma_wait3A_772 = arith.constant 0 : i32
        %dma_wait3A_773 = tpu.memref_slice %arg13[%dma_wait3A_754, %dma_wait3A_770, %dma_wait3A_771, %dma_wait3A_772] : memref<3x8x8x129xf32, #tpu.memory_space<vmem>> -> memref<1x8x8x128xf32, #tpu.memory_space<vmem>>
        %dma_wait3A_774 = tpu.memref_squeeze %dma_wait3A_773 : memref<1x8x8x128xf32, #tpu.memory_space<vmem>> -> memref<8x8x128xf32, #tpu.memory_space<vmem>>
        tpu.wait_dma2 semaphore(%arg18 : memref<!tpu.dma_semaphore, #tpu.memory_space<semaphore_mem>>) src(%dma_wait3A_774 : memref<8x8x128xf32, #tpu.memory_space<vmem>>) dst(%dma_wait3A_769 : memref<8x8x128xf32, #tpu.memory_space<hbm>>)
      } else {
      }
      %get3A_550 = arith.index_cast %add3A_498 : i32 to index
      %get3A_551 = arith.constant 0 : index
      %get3A_552 = tpu.vector_load %arg12[%get3A_550, %get3A_551] {strides = array<i32>} : memref<200x64xf32, #tpu.memory_space<vmem>>, vector<16xf32>,
      %add3A_553 = arith.constant 0 : i32
      %add3A_554 = vector.broadcast %add3A_553 : i32 to vector<16xi32>
      %add3A_555 = arith.addi %iota3A, %add3A_554 : vector<16xi32>
      %shift_right_arithmetic3A_556 = arith.constant 3 : i32
      %shift_right_arithmetic3A_557 = vector.broadcast %shift_right_arithmetic3A_556 : i32 to vector<16xi32>
      %shift_right_arithmetic3A_558 = arith.shrsi %add3A_555, %shift_right_arithmetic3A_557 : vector<16xi32>
      %and3A_559 = arith.constant 7 : i32
      %and3A_560 = vector.broadcast %and3A_559 : i32 to vector<16xi32>
      %and3A_561 = arith.andi %add3A_555, %and3A_560 : vector<16xi32>
      %get3A_562 = arith.index_cast %add3A_498 : i32 to index
      %get3A_563 = arith.constant 16 : index
      %get3A_564 = tpu.vector_load %arg12[%get3A_562, %get3A_563] {strides = array<i32>} : memref<200x64xf32, #tpu.memory_space<vmem>>, vector<16xf32>,
      %add3A_565 = arith.constant 16 : i32
      %add3A_566 = vector.broadcast %add3A_565 : i32 to vector<16xi32>
      %add3A_567 = arith.addi %iota3A, %add3A_566 : vector<16xi32>
      %shift_right_arithmetic3A_568 = arith.constant 3 : i32
      %shift_right_arithmetic3A_569 = vector.broadcast %shift_right_arithmetic3A_568 : i32 to vector<16xi32>
      %shift_right_arithmetic3A_570 = arith.shrsi %add3A_567, %shift_right_arithmetic3A_569 : vector<16xi32>
      %and3A_571 = arith.constant 7 : i32
      %and3A_572 = vector.broadcast %and3A_571 : i32 to vector<16xi32>
      %and3A_573 = arith.andi %add3A_567, %and3A_572 : vector<16xi32>
      %get3A_574 = arith.index_cast %add3A_498 : i32 to index
      %get3A_575 = arith.constant 32 : index
      %get3A_576 = tpu.vector_load %arg12[%get3A_574, %get3A_575] {strides = array<i32>} : memref<200x64xf32, #tpu.memory_space<vmem>>, vector<16xf32>,
      %add3A_577 = arith.constant 32 : i32
      %add3A_578 = vector.broadcast %add3A_577 : i32 to vector<16xi32>
      %add3A_579 = arith.addi %iota3A, %add3A_578 : vector<16xi32>
      %shift_right_arithmetic3A_580 = arith.constant 3 : i32
      %shift_right_arithmetic3A_581 = vector.broadcast %shift_right_arithmetic3A_580 : i32 to vector<16xi32>
      %shift_right_arithmetic3A_582 = arith.shrsi %add3A_579, %shift_right_arithmetic3A_581 : vector<16xi32>
      %and3A_583 = arith.constant 7 : i32
      %and3A_584 = vector.broadcast %and3A_583 : i32 to vector<16xi32>
      %and3A_585 = arith.andi %add3A_579, %and3A_584 : vector<16xi32>
      %get3A_586 = arith.index_cast %add3A_498 : i32 to index
      %get3A_587 = arith.constant 48 : index
      %get3A_588 = tpu.vector_load %arg12[%get3A_586, %get3A_587] {strides = array<i32>} : memref<200x64xf32, #tpu.memory_space<vmem>>, vector<16xf32>,
      %add3A_589 = arith.constant 48 : i32
      %add3A_590 = vector.broadcast %add3A_589 : i32 to vector<16xi32>
      %add3A_591 = arith.addi %iota3A, %add3A_590 : vector<16xi32>
      %shift_right_arithmetic3A_592 = arith.constant 3 : i32
      %shift_right_arithmetic3A_593 = vector.broadcast %shift_right_arithmetic3A_592 : i32 to vector<16xi32>
      %shift_right_arithmetic3A_594 = arith.shrsi %add3A_591, %shift_right_arithmetic3A_593 : vector<16xi32>
      %and3A_595 = arith.constant 7 : i32
      %and3A_596 = vector.broadcast %and3A_595 : i32 to vector<16xi32>
      %and3A_597 = arith.andi %add3A_591, %and3A_596 : vector<16xi32>
      %parallel_loop3A_598 = arith.constant 0 : i32
      %parallel_loop3A_599 = arith.constant 128 : i32
      %parallel_loop3A_600 = arith.constant 1 : i32
      %parallel_loop3A_601 = arith.constant 1 : i32
      %parallel_loop3A_602 = arith.constant 1 : i32
      %parallel_loop3A_603 = arith.constant 1 : i32
      scf.for %parallel_loop3A_753 = %parallel_loop3A_598 to %parallel_loop3A_599 step %parallel_loop3A_600  : i32 {
        %parallel_loop3A_754 = vector.broadcast %parallel_loop3A_753 : i32 to vector<16xi32>
        %parallel_loop3A_755 = arith.constant 0 : i32
        %parallel_loop3A_756 = arith.constant 0 : i32
        %parallel_loop3A_757 = tpu.memref_slice %arg10[%parallel_loop3A_601, %parallel_loop3A_755, %parallel_loop3A_756] : memref<3x128x32xf32, #tpu.memory_space<vmem>> -> memref<1x128x32xf32, #tpu.memory_space<vmem>>
        %parallel_loop3A_758 = tpu.memref_squeeze %parallel_loop3A_757 : memref<1x128x32xf32, #tpu.memory_space<vmem>> -> memref<128x32xf32, #tpu.memory_space<vmem>>
        %parallel_loop3A_759 = arith.index_cast %parallel_loop3A_753 : i32 to index
        %parallel_loop3A_760 = arith.constant 0 : index
        %parallel_loop3A_761 = tpu.vector_load %parallel_loop3A_758[%parallel_loop3A_759, %parallel_loop3A_760] {strides = array<i32>} : memref<128x32xf32, #tpu.memory_space<vmem>>, vector<16xf32>,
        %parallel_loop3A_762 = arith.addf %parallel_loop3A_761, %get3A_552 : vector<16xf32>
        %parallel_loop3A_763 = arith.constant 0 : i32
        %parallel_loop3A_764 = arith.constant 0 : i32
        %parallel_loop3A_765 = arith.constant 0 : i32
        %parallel_loop3A_766 = tpu.memref_slice %arg13[%parallel_loop3A_602, %parallel_loop3A_763, %parallel_loop3A_764, %parallel_loop3A_765] : memref<3x8x8x129xf32, #tpu.memory_space<vmem>> -> memref<1x8x8x129xf32, #tpu.memory_space<vmem>>
        %parallel_loop3A_767 = tpu.memref_squeeze %parallel_loop3A_766 : memref<1x8x8x129xf32, #tpu.memory_space<vmem>> -> memref<8x8x129xf32, #tpu.memory_space<vmem>>
        tpu.vector_store_idx %parallel_loop3A_767[%shift_right_arithmetic3A_558, %and3A_561, %parallel_loop3A_754], %parallel_loop3A_762 : memref<8x8x129xf32, #tpu.memory_space<vmem>>[vector<16xi32>, vector<16xi32>, vector<16xi32>], vector<16xf32>,
        %parallel_loop3A_768 = arith.constant 0 : i32
        %parallel_loop3A_769 = arith.constant 0 : i32
        %parallel_loop3A_770 = tpu.memref_slice %arg10[%parallel_loop3A_601, %parallel_loop3A_768, %parallel_loop3A_769] : memref<3x128x32xf32, #tpu.memory_space<vmem>> -> memref<1x128x32xf32, #tpu.memory_space<vmem>>
        %parallel_loop3A_771 = tpu.memref_squeeze %parallel_loop3A_770 : memref<1x128x32xf32, #tpu.memory_space<vmem>> -> memref<128x32xf32, #tpu.memory_space<vmem>>
        %parallel_loop3A_772 = arith.index_cast %parallel_loop3A_753 : i32 to index
        %parallel_loop3A_773 = arith.constant 16 : index
        %parallel_loop3A_774 = tpu.vector_load %parallel_loop3A_771[%parallel_loop3A_772, %parallel_loop3A_773] {strides = array<i32>} : memref<128x32xf32, #tpu.memory_space<vmem>>, vector<16xf32>,
        %parallel_loop3A_775 = arith.addf %parallel_loop3A_774, %get3A_564 : vector<16xf32>
        %parallel_loop3A_776 = arith.constant 0 : i32
        %parallel_loop3A_777 = arith.constant 0 : i32
        %parallel_loop3A_778 = arith.constant 0 : i32
        %parallel_loop3A_779 = tpu.memref_slice %arg13[%parallel_loop3A_602, %parallel_loop3A_776, %parallel_loop3A_777, %parallel_loop3A_778] : memref<3x8x8x129xf32, #tpu.memory_space<vmem>> -> memref<1x8x8x129xf32, #tpu.memory_space<vmem>>
        %parallel_loop3A_780 = tpu.memref_squeeze %parallel_loop3A_779 : memref<1x8x8x129xf32, #tpu.memory_space<vmem>> -> memref<8x8x129xf32, #tpu.memory_space<vmem>>
        tpu.vector_store_idx %parallel_loop3A_780[%shift_right_arithmetic3A_570, %and3A_573, %parallel_loop3A_754], %parallel_loop3A_775 : memref<8x8x129xf32, #tpu.memory_space<vmem>>[vector<16xi32>, vector<16xi32>, vector<16xi32>], vector<16xf32>,
        %parallel_loop3A_781 = arith.constant 0 : i32
        %parallel_loop3A_782 = arith.constant 0 : i32
        %parallel_loop3A_783 = tpu.memref_slice %arg11[%parallel_loop3A_603, %parallel_loop3A_781, %parallel_loop3A_782] : memref<3x128x32xf32, #tpu.memory_space<vmem>> -> memref<1x128x32xf32, #tpu.memory_space<vmem>>
        %parallel_loop3A_784 = tpu.memref_squeeze %parallel_loop3A_783 : memref<1x128x32xf32, #tpu.memory_space<vmem>> -> memref<128x32xf32, #tpu.memory_space<vmem>>
        %parallel_loop3A_785 = arith.index_cast %parallel_loop3A_753 : i32 to index
        %parallel_loop3A_786 = arith.constant 0 : index
        %parallel_loop3A_787 = tpu.vector_load %parallel_loop3A_784[%parallel_loop3A_785, %parallel_loop3A_786] {strides = array<i32>} : memref<128x32xf32, #tpu.memory_space<vmem>>, vector<16xf32>,
        %parallel_loop3A_788 = arith.addf %parallel_loop3A_787, %get3A_576 : vector<16xf32>
        %parallel_loop3A_789 = arith.constant 0 : i32
        %parallel_loop3A_790 = arith.constant 0 : i32
        %parallel_loop3A_791 = arith.constant 0 : i32
        %parallel_loop3A_792 = tpu.memref_slice %arg13[%parallel_loop3A_602, %parallel_loop3A_789, %parallel_loop3A_790, %parallel_loop3A_791] : memref<3x8x8x129xf32, #tpu.memory_space<vmem>> -> memref<1x8x8x129xf32, #tpu.memory_space<vmem>>
        %parallel_loop3A_793 = tpu.memref_squeeze %parallel_loop3A_792 : memref<1x8x8x129xf32, #tpu.memory_space<vmem>> -> memref<8x8x129xf32, #tpu.memory_space<vmem>>
        tpu.vector_store_idx %parallel_loop3A_793[%shift_right_arithmetic3A_582, %and3A_585, %parallel_loop3A_754], %parallel_loop3A_788 : memref<8x8x129xf32, #tpu.memory_space<vmem>>[vector<16xi32>, vector<16xi32>, vector<16xi32>], vector<16xf32>,
        %parallel_loop3A_794 = arith.constant 0 : i32
        %parallel_loop3A_795 = arith.constant 0 : i32
        %parallel_loop3A_796 = tpu.memref_slice %arg11[%parallel_loop3A_603, %parallel_loop3A_794, %parallel_loop3A_795] : memref<3x128x32xf32, #tpu.memory_space<vmem>> -> memref<1x128x32xf32, #tpu.memory_space<vmem>>
        %parallel_loop3A_797 = tpu.memref_squeeze %parallel_loop3A_796 : memref<1x128x32xf32, #tpu.memory_space<vmem>> -> memref<128x32xf32, #tpu.memory_space<vmem>>
        %parallel_loop3A_798 = arith.index_cast %parallel_loop3A_753 : i32 to index
        %parallel_loop3A_799 = arith.constant 16 : index
        %parallel_loop3A_800 = tpu.vector_load %parallel_loop3A_797[%parallel_loop3A_798, %parallel_loop3A_799] {strides = array<i32>} : memref<128x32xf32, #tpu.memory_space<vmem>>, vector<16xf32>,
        %parallel_loop3A_801 = arith.addf %parallel_loop3A_800, %get3A_588 : vector<16xf32>
        %parallel_loop3A_802 = arith.constant 0 : i32
        %parallel_loop3A_803 = arith.constant 0 : i32
        %parallel_loop3A_804 = arith.constant 0 : i32
        %parallel_loop3A_805 = tpu.memref_slice %arg13[%parallel_loop3A_602, %parallel_loop3A_802, %parallel_loop3A_803, %parallel_loop3A_804] : memref<3x8x8x129xf32, #tpu.memory_space<vmem>> -> memref<1x8x8x129xf32, #tpu.memory_space<vmem>>
        %parallel_loop3A_806 = tpu.memref_squeeze %parallel_loop3A_805 : memref<1x8x8x129xf32, #tpu.memory_space<vmem>> -> memref<8x8x129xf32, #tpu.memory_space<vmem>>
        tpu.vector_store_idx %parallel_loop3A_806[%shift_right_arithmetic3A_594, %and3A_597, %parallel_loop3A_754], %parallel_loop3A_801 : memref<8x8x129xf32, #tpu.memory_space<vmem>>[vector<16xi32>, vector<16xi32>, vector<16xi32>], vector<16xf32>,
      } {sc.loop_unroll_factor = 4 : i64, sc.parallel_access}
      %dma_start3A_604 = arith.constant 1 : i32
      %dma_start3A_605 = arith.constant 0 : i32
      %dma_start3A_606 = arith.constant 0 : i32
      %dma_start3A_607 = arith.constant 0 : i32
      %dma_start3A_608 = tpu.memref_slice %arg13[%dma_start3A_604, %dma_start3A_605, %dma_start3A_606, %dma_start3A_607] : memref<3x8x8x129xf32, #tpu.memory_space<vmem>> -> memref<1x8x8x128xf32, #tpu.memory_space<vmem>>
      %dma_start3A_609 = tpu.memref_squeeze %dma_start3A_608 : memref<1x8x8x128xf32, #tpu.memory_space<vmem>> -> memref<8x8x128xf32, #tpu.memory_space<vmem>>
      %dma_start3A_610 = arith.constant 0 : i32
      %dma_start3A_611 = arith.constant 0 : i32
      %dma_start3A_612 = arith.constant 0 : i32
      %dma_start3A_613 = tpu.memref_slice %arg7[%add3A_498, %dma_start3A_610, %add3A, %dma_start3A_611, %dma_start3A_612] : memref<200x8x32x8x128xf32, #tpu.memory_space<hbm>> -> memref<1x8x1x8x128xf32, #tpu.memory_space<hbm>>
      %dma_start3A_614 = tpu.memref_squeeze %dma_start3A_613 : memref<1x8x1x8x128xf32, #tpu.memory_space<hbm>> -> memref<8x8x128xf32, #tpu.memory_space<hbm>>
      %dma_start3A_615 = arith.constant 0 : i32
      %dma_start3A_616 = arith.constant 0 : i32
      %dma_start3A_617 = arith.constant 0 : i32
      %dma_start3A_618 = tpu.memref_slice %arg7[%add3A_498, %dma_start3A_615, %add3A, %dma_start3A_616, %dma_start3A_617] : memref<200x8x32x8x128xf32, #tpu.memory_space<hbm>> -> memref<1x8x1x8x128xf32, #tpu.memory_space<hbm>>
      %dma_start3A_619 = tpu.memref_squeeze %dma_start3A_618 : memref<1x8x1x8x128xf32, #tpu.memory_space<hbm>> -> memref<8x8x128xf32, #tpu.memory_space<hbm>>
      %dma_start3A_620 = arith.constant 0 : i32
      %dma_start3A_621 = arith.constant 0 : i32
      %dma_start3A_622 = arith.constant 0 : i32
      %dma_start3A_623 = tpu.memref_slice %arg13[%dma_start3A_604, %dma_start3A_620, %dma_start3A_621, %dma_start3A_622] : memref<3x8x8x129xf32, #tpu.memory_space<vmem>> -> memref<1x8x8x128xf32, #tpu.memory_space<vmem>>
      %dma_start3A_624 = tpu.memref_squeeze %dma_start3A_623 : memref<1x8x8x128xf32, #tpu.memory_space<vmem>> -> memref<8x8x128xf32, #tpu.memory_space<vmem>>
      tpu.enqueue_dma source(%dma_start3A_624 : memref<8x8x128xf32, #tpu.memory_space<vmem>>) target(%dma_start3A_619 : memref<8x8x128xf32, #tpu.memory_space<hbm>>) target_semaphore(%arg18 : memref<!tpu.dma_semaphore, #tpu.memory_space<semaphore_mem>>)
      %add3A_625 = arith.constant 2 : i32
      %add3A_626 = arith.addi %add3A_371, %add3A_625 : i32
      %add3A_627 = arith.constant 2 : i32
      %add3A_628 = arith.addi %add3A_626, %add3A_627 : i32
      %dma_start3A_629 = arith.constant 1 : i32
      %dma_start3A_630 = arith.constant 0 : i32
      %dma_start3A_631 = arith.constant 0 : i32
      %dma_start3A_632 = tpu.memref_slice %arg10[%dma_start3A_629, %dma_start3A_630, %dma_start3A_631] : memref<3x128x32xf32, #tpu.memory_space<vmem>> -> memref<1x128x32xf32, #tpu.memory_space<vmem>>
      %dma_start3A_633 = tpu.memref_squeeze %dma_start3A_632 : memref<1x128x32xf32, #tpu.memory_space<vmem>> -> memref<128x32xf32, #tpu.memory_space<vmem>>
      %dma_start3A_634 = arith.constant 0 : i32
      %dma_start3A_635 = tpu.memref_slice %arg8[%add3A_628, %dma_start3A_634] : memref<200x128xi32, #tpu.memory_space<vmem>> -> memref<1x128xi32, #tpu.memory_space<vmem>>
      %dma_start3A_636 = tpu.memref_squeeze %dma_start3A_635 : memref<1x128xi32, #tpu.memory_space<vmem>> -> memref<128xi32, #tpu.memory_space<vmem>>
      %dma_start3A_637 = arith.constant 0 : i32
      %dma_start3A_638 = arith.constant 0 : i32
      %dma_start3A_639 = tpu.memref_slice %arg4[%dma_start3A_637, %dma_start3A_638] : memref<100000x32xf32, #tpu.memory_space<hbm>> -> memref<100000x32xf32, #tpu.memory_space<hbm>>
      tpu.enqueue_indirect_dma source(%dma_start3A_639 : memref<100000x32xf32, #tpu.memory_space<hbm>>) target(%dma_start3A_633 : memref<128x32xf32, #tpu.memory_space<vmem>>) offsets(%dma_start3A_636 : memref<128xi32, #tpu.memory_space<vmem>>) semaphore(%arg15 : memref<!tpu.dma_semaphore, #tpu.memory_space<semaphore_mem>>)
      %dma_start3A_640 = arith.constant 1 : i32
      %dma_start3A_641 = arith.constant 0 : i32
      %dma_start3A_642 = arith.constant 0 : i32
      %dma_start3A_643 = tpu.memref_slice %arg11[%dma_start3A_640, %dma_start3A_641, %dma_start3A_642] : memref<3x128x32xf32, #tpu.memory_space<vmem>> -> memref<1x128x32xf32, #tpu.memory_space<vmem>>
      %dma_start3A_644 = tpu.memref_squeeze %dma_start3A_643 : memref<1x128x32xf32, #tpu.memory_space<vmem>> -> memref<128x32xf32, #tpu.memory_space<vmem>>
      %dma_start3A_645 = arith.constant 0 : i32
      %dma_start3A_646 = tpu.memref_slice %arg9[%add3A_628, %dma_start3A_645] : memref<200x128xi32, #tpu.memory_space<vmem>> -> memref<1x128xi32, #tpu.memory_space<vmem>>
      %dma_start3A_647 = tpu.memref_squeeze %dma_start3A_646 : memref<1x128xi32, #tpu.memory_space<vmem>> -> memref<128xi32, #tpu.memory_space<vmem>>
      %dma_start3A_648 = arith.constant 0 : i32
      %dma_start3A_649 = arith.constant 0 : i32
      %dma_start3A_650 = tpu.memref_slice %arg5[%dma_start3A_648, %dma_start3A_649] : memref<1000x32xf32, #tpu.memory_space<hbm>> -> memref<1000x32xf32, #tpu.memory_space<hbm>>
      tpu.enqueue_indirect_dma source(%dma_start3A_650 : memref<1000x32xf32, #tpu.memory_space<hbm>>) target(%dma_start3A_644 : memref<128x32xf32, #tpu.memory_space<vmem>>) offsets(%dma_start3A_647 : memref<128xi32, #tpu.memory_space<vmem>>) semaphore(%arg15 : memref<!tpu.dma_semaphore, #tpu.memory_space<semaphore_mem>>)
      %dma_wait3A_651 = arith.constant 2 : i32
      %dma_wait3A_652 = arith.constant 0 : i32
      %dma_wait3A_653 = arith.constant 0 : i32
      %dma_wait3A_654 = tpu.memref_slice %arg10[%dma_wait3A_651, %dma_wait3A_652, %dma_wait3A_653] : memref<3x128x32xf32, #tpu.memory_space<vmem>> -> memref<1x128x32xf32, #tpu.memory_space<vmem>>
      %dma_wait3A_655 = tpu.memref_squeeze %dma_wait3A_654 : memref<1x128x32xf32, #tpu.memory_space<vmem>> -> memref<128x32xf32, #tpu.memory_space<vmem>>
      %dma_wait3A_656 = arith.constant 0 : i32
      %dma_wait3A_657 = tpu.memref_slice %arg8[%add3A_626, %dma_wait3A_656] : memref<200x128xi32, #tpu.memory_space<vmem>> -> memref<1x128xi32, #tpu.memory_space<vmem>>
      %dma_wait3A_658 = tpu.memref_squeeze %dma_wait3A_657 : memref<1x128xi32, #tpu.memory_space<vmem>> -> memref<128xi32, #tpu.memory_space<vmem>>
      %dma_wait3A_659 = arith.constant 0 : i32
      %dma_wait3A_660 = arith.constant 0 : i32
      %dma_wait3A_661 = tpu.memref_slice %arg4[%dma_wait3A_659, %dma_wait3A_660] : memref<100000x32xf32, #tpu.memory_space<hbm>> -> memref<100000x32xf32, #tpu.memory_space<hbm>>
      tpu.wait_indirect_dma semaphore(%arg16 : memref<!tpu.dma_semaphore, #tpu.memory_space<semaphore_mem>>) src(%dma_wait3A_661 : memref<100000x32xf32, #tpu.memory_space<hbm>>) dst(%dma_wait3A_655 : memref<128x32xf32, #tpu.memory_space<vmem>>)
      %dma_wait3A_662 = arith.constant 2 : i32
      %dma_wait3A_663 = arith.constant 0 : i32
      %dma_wait3A_664 = arith.constant 0 : i32
      %dma_wait3A_665 = tpu.memref_slice %arg11[%dma_wait3A_662, %dma_wait3A_663, %dma_wait3A_664] : memref<3x128x32xf32, #tpu.memory_space<vmem>> -> memref<1x128x32xf32, #tpu.memory_space<vmem>>
      %dma_wait3A_666 = tpu.memref_squeeze %dma_wait3A_665 : memref<1x128x32xf32, #tpu.memory_space<vmem>> -> memref<128x32xf32, #tpu.memory_space<vmem>>
      %dma_wait3A_667 = arith.constant 0 : i32
      %dma_wait3A_668 = tpu.memref_slice %arg9[%add3A_626, %dma_wait3A_667] : memref<200x128xi32, #tpu.memory_space<vmem>> -> memref<1x128xi32, #tpu.memory_space<vmem>>
      %dma_wait3A_669 = tpu.memref_squeeze %dma_wait3A_668 : memref<1x128xi32, #tpu.memory_space<vmem>> -> memref<128xi32, #tpu.memory_space<vmem>>
      %dma_wait3A_670 = arith.constant 0 : i32
      %dma_wait3A_671 = arith.constant 0 : i32
      %dma_wait3A_672 = tpu.memref_slice %arg5[%dma_wait3A_670, %dma_wait3A_671] : memref<1000x32xf32, #tpu.memory_space<hbm>> -> memref<1000x32xf32, #tpu.memory_space<hbm>>
      tpu.wait_indirect_dma semaphore(%arg16 : memref<!tpu.dma_semaphore, #tpu.memory_space<semaphore_mem>>) src(%dma_wait3A_672 : memref<1000x32xf32, #tpu.memory_space<hbm>>) dst(%dma_wait3A_666 : memref<128x32xf32, #tpu.memory_space<vmem>>)
      %ge3A_673 = arith.constant 3 : i32
      %ge3A_674 = arith.cmpi sge, %add3A_626, %ge3A_673 : i32
      %convert_element_type3A_675 = arith.extui %ge3A_674 : i1 to i32
      %cond3A_676 = arith.constant 0 : i32
      %cond3A_677 = arith.cmpi ne, %convert_element_type3A_675, %cond3A_676 : i32
      scf.if %cond3A_677 {
        %sub3A = arith.constant 3 : i32
        %sub3A_753 = arith.subi %add3A_626, %sub3A : i32
        %dma_wait3A_754 = arith.constant 2 : i32
        %dma_wait3A_755 = arith.constant 0 : i32
        %dma_wait3A_756 = arith.constant 0 : i32
        %dma_wait3A_757 = arith.constant 0 : i32
        %dma_wait3A_758 = tpu.memref_slice %arg13[%dma_wait3A_754, %dma_wait3A_755, %dma_wait3A_756, %dma_wait3A_757] : memref<3x8x8x129xf32, #tpu.memory_space<vmem>> -> memref<1x8x8x128xf32, #tpu.memory_space<vmem>>
        %dma_wait3A_759 = tpu.memref_squeeze %dma_wait3A_758 : memref<1x8x8x128xf32, #tpu.memory_space<vmem>> -> memref<8x8x128xf32, #tpu.memory_space<vmem>>
        %dma_wait3A_760 = arith.constant 0 : i32
        %dma_wait3A_761 = arith.constant 0 : i32
        %dma_wait3A_762 = arith.constant 0 : i32
        %dma_wait3A_763 = tpu.memref_slice %arg7[%sub3A_753, %dma_wait3A_760, %add3A, %dma_wait3A_761, %dma_wait3A_762] : memref<200x8x32x8x128xf32, #tpu.memory_space<hbm>> -> memref<1x8x1x8x128xf32, #tpu.memory_space<hbm>>
        %dma_wait3A_764 = tpu.memref_squeeze %dma_wait3A_763 : memref<1x8x1x8x128xf32, #tpu.memory_space<hbm>> -> memref<8x8x128xf32, #tpu.memory_space<hbm>>
        %dma_wait3A_765 = arith.constant 0 : i32
        %dma_wait3A_766 = arith.constant 0 : i32
        %dma_wait3A_767 = arith.constant 0 : i32
        %dma_wait3A_768 = tpu.memref_slice %arg7[%sub3A_753, %dma_wait3A_765, %add3A, %dma_wait3A_766, %dma_wait3A_767] : memref<200x8x32x8x128xf32, #tpu.memory_space<hbm>> -> memref<1x8x1x8x128xf32, #tpu.memory_space<hbm>>
        %dma_wait3A_769 = tpu.memref_squeeze %dma_wait3A_768 : memref<1x8x1x8x128xf32, #tpu.memory_space<hbm>> -> memref<8x8x128xf32, #tpu.memory_space<hbm>>
        %dma_wait3A_770 = arith.constant 0 : i32
        %dma_wait3A_771 = arith.constant 0 : i32
        %dma_wait3A_772 = arith.constant 0 : i32
        %dma_wait3A_773 = tpu.memref_slice %arg13[%dma_wait3A_754, %dma_wait3A_770, %dma_wait3A_771, %dma_wait3A_772] : memref<3x8x8x129xf32, #tpu.memory_space<vmem>> -> memref<1x8x8x128xf32, #tpu.memory_space<vmem>>
        %dma_wait3A_774 = tpu.memref_squeeze %dma_wait3A_773 : memref<1x8x8x128xf32, #tpu.memory_space<vmem>> -> memref<8x8x128xf32, #tpu.memory_space<vmem>>
        tpu.wait_dma2 semaphore(%arg19 : memref<!tpu.dma_semaphore, #tpu.memory_space<semaphore_mem>>) src(%dma_wait3A_774 : memref<8x8x128xf32, #tpu.memory_space<vmem>>) dst(%dma_wait3A_769 : memref<8x8x128xf32, #tpu.memory_space<hbm>>)
      } else {
      }
      %get3A_678 = arith.index_cast %add3A_626 : i32 to index
      %get3A_679 = arith.constant 0 : index
      %get3A_680 = tpu.vector_load %arg12[%get3A_678, %get3A_679] {strides = array<i32>} : memref<200x64xf32, #tpu.memory_space<vmem>>, vector<16xf32>,
      %add3A_681 = arith.constant 0 : i32
      %add3A_682 = vector.broadcast %add3A_681 : i32 to vector<16xi32>
      %add3A_683 = arith.addi %iota3A, %add3A_682 : vector<16xi32>
      %shift_right_arithmetic3A_684 = arith.constant 3 : i32
      %shift_right_arithmetic3A_685 = vector.broadcast %shift_right_arithmetic3A_684 : i32 to vector<16xi32>
      %shift_right_arithmetic3A_686 = arith.shrsi %add3A_683, %shift_right_arithmetic3A_685 : vector<16xi32>
      %and3A_687 = arith.constant 7 : i32
      %and3A_688 = vector.broadcast %and3A_687 : i32 to vector<16xi32>
      %and3A_689 = arith.andi %add3A_683, %and3A_688 : vector<16xi32>
      %get3A_690 = arith.index_cast %add3A_626 : i32 to index
      %get3A_691 = arith.constant 16 : index
      %get3A_692 = tpu.vector_load %arg12[%get3A_690, %get3A_691] {strides = array<i32>} : memref<200x64xf32, #tpu.memory_space<vmem>>, vector<16xf32>,
      %add3A_693 = arith.constant 16 : i32
      %add3A_694 = vector.broadcast %add3A_693 : i32 to vector<16xi32>
      %add3A_695 = arith.addi %iota3A, %add3A_694 : vector<16xi32>
      %shift_right_arithmetic3A_696 = arith.constant 3 : i32
      %shift_right_arithmetic3A_697 = vector.broadcast %shift_right_arithmetic3A_696 : i32 to vector<16xi32>
      %shift_right_arithmetic3A_698 = arith.shrsi %add3A_695, %shift_right_arithmetic3A_697 : vector<16xi32>
      %and3A_699 = arith.constant 7 : i32
      %and3A_700 = vector.broadcast %and3A_699 : i32 to vector<16xi32>
      %and3A_701 = arith.andi %add3A_695, %and3A_700 : vector<16xi32>
      %get3A_702 = arith.index_cast %add3A_626 : i32 to index
      %get3A_703 = arith.constant 32 : index
      %get3A_704 = tpu.vector_load %arg12[%get3A_702, %get3A_703] {strides = array<i32>} : memref<200x64xf32, #tpu.memory_space<vmem>>, vector<16xf32>,
      %add3A_705 = arith.constant 32 : i32
      %add3A_706 = vector.broadcast %add3A_705 : i32 to vector<16xi32>
      %add3A_707 = arith.addi %iota3A, %add3A_706 : vector<16xi32>
      %shift_right_arithmetic3A_708 = arith.constant 3 : i32
      %shift_right_arithmetic3A_709 = vector.broadcast %shift_right_arithmetic3A_708 : i32 to vector<16xi32>
      %shift_right_arithmetic3A_710 = arith.shrsi %add3A_707, %shift_right_arithmetic3A_709 : vector<16xi32>
      %and3A_711 = arith.constant 7 : i32
      %and3A_712 = vector.broadcast %and3A_711 : i32 to vector<16xi32>
      %and3A_713 = arith.andi %add3A_707, %and3A_712 : vector<16xi32>
      %get3A_714 = arith.index_cast %add3A_626 : i32 to index
      %get3A_715 = arith.constant 48 : index
      %get3A_716 = tpu.vector_load %arg12[%get3A_714, %get3A_715] {strides = array<i32>} : memref<200x64xf32, #tpu.memory_space<vmem>>, vector<16xf32>,
      %add3A_717 = arith.constant 48 : i32
      %add3A_718 = vector.broadcast %add3A_717 : i32 to vector<16xi32>
      %add3A_719 = arith.addi %iota3A, %add3A_718 : vector<16xi32>
      %shift_right_arithmetic3A_720 = arith.constant 3 : i32
      %shift_right_arithmetic3A_721 = vector.broadcast %shift_right_arithmetic3A_720 : i32 to vector<16xi32>
      %shift_right_arithmetic3A_722 = arith.shrsi %add3A_719, %shift_right_arithmetic3A_721 : vector<16xi32>
      %and3A_723 = arith.constant 7 : i32
      %and3A_724 = vector.broadcast %and3A_723 : i32 to vector<16xi32>
      %and3A_725 = arith.andi %add3A_719, %and3A_724 : vector<16xi32>
      %parallel_loop3A_726 = arith.constant 0 : i32
      %parallel_loop3A_727 = arith.constant 128 : i32
      %parallel_loop3A_728 = arith.constant 1 : i32
      %parallel_loop3A_729 = arith.constant 2 : i32
      %parallel_loop3A_730 = arith.constant 2 : i32
      %parallel_loop3A_731 = arith.constant 2 : i32
      scf.for %parallel_loop3A_753 = %parallel_loop3A_726 to %parallel_loop3A_727 step %parallel_loop3A_728  : i32 {
        %parallel_loop3A_754 = vector.broadcast %parallel_loop3A_753 : i32 to vector<16xi32>
        %parallel_loop3A_755 = arith.constant 0 : i32
        %parallel_loop3A_756 = arith.constant 0 : i32
        %parallel_loop3A_757 = tpu.memref_slice %arg10[%parallel_loop3A_729, %parallel_loop3A_755, %parallel_loop3A_756] : memref<3x128x32xf32, #tpu.memory_space<vmem>> -> memref<1x128x32xf32, #tpu.memory_space<vmem>>
        %parallel_loop3A_758 = tpu.memref_squeeze %parallel_loop3A_757 : memref<1x128x32xf32, #tpu.memory_space<vmem>> -> memref<128x32xf32, #tpu.memory_space<vmem>>
        %parallel_loop3A_759 = arith.index_cast %parallel_loop3A_753 : i32 to index
        %parallel_loop3A_760 = arith.constant 0 : index
        %parallel_loop3A_761 = tpu.vector_load %parallel_loop3A_758[%parallel_loop3A_759, %parallel_loop3A_760] {strides = array<i32>} : memref<128x32xf32, #tpu.memory_space<vmem>>, vector<16xf32>,
        %parallel_loop3A_762 = arith.addf %parallel_loop3A_761, %get3A_680 : vector<16xf32>
        %parallel_loop3A_763 = arith.constant 0 : i32
        %parallel_loop3A_764 = arith.constant 0 : i32
        %parallel_loop3A_765 = arith.constant 0 : i32
        %parallel_loop3A_766 = tpu.memref_slice %arg13[%parallel_loop3A_730, %parallel_loop3A_763, %parallel_loop3A_764, %parallel_loop3A_765] : memref<3x8x8x129xf32, #tpu.memory_space<vmem>> -> memref<1x8x8x129xf32, #tpu.memory_space<vmem>>
        %parallel_loop3A_767 = tpu.memref_squeeze %parallel_loop3A_766 : memref<1x8x8x129xf32, #tpu.memory_space<vmem>> -> memref<8x8x129xf32, #tpu.memory_space<vmem>>
        tpu.vector_store_idx %parallel_loop3A_767[%shift_right_arithmetic3A_686, %and3A_689, %parallel_loop3A_754], %parallel_loop3A_762 : memref<8x8x129xf32, #tpu.memory_space<vmem>>[vector<16xi32>, vector<16xi32>, vector<16xi32>], vector<16xf32>,
        %parallel_loop3A_768 = arith.constant 0 : i32
        %parallel_loop3A_769 = arith.constant 0 : i32
        %parallel_loop3A_770 = tpu.memref_slice %arg10[%parallel_loop3A_729, %parallel_loop3A_768, %parallel_loop3A_769] : memref<3x128x32xf32, #tpu.memory_space<vmem>> -> memref<1x128x32xf32, #tpu.memory_space<vmem>>
        %parallel_loop3A_771 = tpu.memref_squeeze %parallel_loop3A_770 : memref<1x128x32xf32, #tpu.memory_space<vmem>> -> memref<128x32xf32, #tpu.memory_space<vmem>>
        %parallel_loop3A_772 = arith.index_cast %parallel_loop3A_753 : i32 to index
        %parallel_loop3A_773 = arith.constant 16 : index
        %parallel_loop3A_774 = tpu.vector_load %parallel_loop3A_771[%parallel_loop3A_772, %parallel_loop3A_773] {strides = array<i32>} : memref<128x32xf32, #tpu.memory_space<vmem>>, vector<16xf32>,
        %parallel_loop3A_775 = arith.addf %parallel_loop3A_774, %get3A_692 : vector<16xf32>
        %parallel_loop3A_776 = arith.constant 0 : i32
        %parallel_loop3A_777 = arith.constant 0 : i32
        %parallel_loop3A_778 = arith.constant 0 : i32
        %parallel_loop3A_779 = tpu.memref_slice %arg13[%parallel_loop3A_730, %parallel_loop3A_776, %parallel_loop3A_777, %parallel_loop3A_778] : memref<3x8x8x129xf32, #tpu.memory_space<vmem>> -> memref<1x8x8x129xf32, #tpu.memory_space<vmem>>
        %parallel_loop3A_780 = tpu.memref_squeeze %parallel_loop3A_779 : memref<1x8x8x129xf32, #tpu.memory_space<vmem>> -> memref<8x8x129xf32, #tpu.memory_space<vmem>>
        tpu.vector_store_idx %parallel_loop3A_780[%shift_right_arithmetic3A_698, %and3A_701, %parallel_loop3A_754], %parallel_loop3A_775 : memref<8x8x129xf32, #tpu.memory_space<vmem>>[vector<16xi32>, vector<16xi32>, vector<16xi32>], vector<16xf32>,
        %parallel_loop3A_781 = arith.constant 0 : i32
        %parallel_loop3A_782 = arith.constant 0 : i32
        %parallel_loop3A_783 = tpu.memref_slice %arg11[%parallel_loop3A_731, %parallel_loop3A_781, %parallel_loop3A_782] : memref<3x128x32xf32, #tpu.memory_space<vmem>> -> memref<1x128x32xf32, #tpu.memory_space<vmem>>
        %parallel_loop3A_784 = tpu.memref_squeeze %parallel_loop3A_783 : memref<1x128x32xf32, #tpu.memory_space<vmem>> -> memref<128x32xf32, #tpu.memory_space<vmem>>
        %parallel_loop3A_785 = arith.index_cast %parallel_loop3A_753 : i32 to index
        %parallel_loop3A_786 = arith.constant 0 : index
        %parallel_loop3A_787 = tpu.vector_load %parallel_loop3A_784[%parallel_loop3A_785, %parallel_loop3A_786] {strides = array<i32>} : memref<128x32xf32, #tpu.memory_space<vmem>>, vector<16xf32>,
        %parallel_loop3A_788 = arith.addf %parallel_loop3A_787, %get3A_704 : vector<16xf32>
        %parallel_loop3A_789 = arith.constant 0 : i32
        %parallel_loop3A_790 = arith.constant 0 : i32
        %parallel_loop3A_791 = arith.constant 0 : i32
        %parallel_loop3A_792 = tpu.memref_slice %arg13[%parallel_loop3A_730, %parallel_loop3A_789, %parallel_loop3A_790, %parallel_loop3A_791] : memref<3x8x8x129xf32, #tpu.memory_space<vmem>> -> memref<1x8x8x129xf32, #tpu.memory_space<vmem>>
        %parallel_loop3A_793 = tpu.memref_squeeze %parallel_loop3A_792 : memref<1x8x8x129xf32, #tpu.memory_space<vmem>> -> memref<8x8x129xf32, #tpu.memory_space<vmem>>
        tpu.vector_store_idx %parallel_loop3A_793[%shift_right_arithmetic3A_710, %and3A_713, %parallel_loop3A_754], %parallel_loop3A_788 : memref<8x8x129xf32, #tpu.memory_space<vmem>>[vector<16xi32>, vector<16xi32>, vector<16xi32>], vector<16xf32>,
        %parallel_loop3A_794 = arith.constant 0 : i32
        %parallel_loop3A_795 = arith.constant 0 : i32
        %parallel_loop3A_796 = tpu.memref_slice %arg11[%parallel_loop3A_731, %parallel_loop3A_794, %parallel_loop3A_795] : memref<3x128x32xf32, #tpu.memory_space<vmem>> -> memref<1x128x32xf32, #tpu.memory_space<vmem>>
        %parallel_loop3A_797 = tpu.memref_squeeze %parallel_loop3A_796 : memref<1x128x32xf32, #tpu.memory_space<vmem>> -> memref<128x32xf32, #tpu.memory_space<vmem>>
        %parallel_loop3A_798 = arith.index_cast %parallel_loop3A_753 : i32 to index
        %parallel_loop3A_799 = arith.constant 16 : index
        %parallel_loop3A_800 = tpu.vector_load %parallel_loop3A_797[%parallel_loop3A_798, %parallel_loop3A_799] {strides = array<i32>} : memref<128x32xf32, #tpu.memory_space<vmem>>, vector<16xf32>,
        %parallel_loop3A_801 = arith.addf %parallel_loop3A_800, %get3A_716 : vector<16xf32>
        %parallel_loop3A_802 = arith.constant 0 : i32
        %parallel_loop3A_803 = arith.constant 0 : i32
        %parallel_loop3A_804 = arith.constant 0 : i32
        %parallel_loop3A_805 = tpu.memref_slice %arg13[%parallel_loop3A_730, %parallel_loop3A_802, %parallel_loop3A_803, %parallel_loop3A_804] : memref<3x8x8x129xf32, #tpu.memory_space<vmem>> -> memref<1x8x8x129xf32, #tpu.memory_space<vmem>>
        %parallel_loop3A_806 = tpu.memref_squeeze %parallel_loop3A_805 : memref<1x8x8x129xf32, #tpu.memory_space<vmem>> -> memref<8x8x129xf32, #tpu.memory_space<vmem>>
        tpu.vector_store_idx %parallel_loop3A_806[%shift_right_arithmetic3A_722, %and3A_725, %parallel_loop3A_754], %parallel_loop3A_801 : memref<8x8x129xf32, #tpu.memory_space<vmem>>[vector<16xi32>, vector<16xi32>, vector<16xi32>], vector<16xf32>,
      } {sc.loop_unroll_factor = 4 : i64, sc.parallel_access}
      %dma_start3A_732 = arith.constant 2 : i32
      %dma_start3A_733 = arith.constant 0 : i32
      %dma_start3A_734 = arith.constant 0 : i32
      %dma_start3A_735 = arith.constant 0 : i32
      %dma_start3A_736 = tpu.memref_slice %arg13[%dma_start3A_732, %dma_start3A_733, %dma_start3A_734, %dma_start3A_735] : memref<3x8x8x129xf32, #tpu.memory_space<vmem>> -> memref<1x8x8x128xf32, #tpu.memory_space<vmem>>
      %dma_start3A_737 = tpu.memref_squeeze %dma_start3A_736 : memref<1x8x8x128xf32, #tpu.memory_space<vmem>> -> memref<8x8x128xf32, #tpu.memory_space<vmem>>
      %dma_start3A_738 = arith.constant 0 : i32
      %dma_start3A_739 = arith.constant 0 : i32
      %dma_start3A_740 = arith.constant 0 : i32
      %dma_start3A_741 = tpu.memref_slice %arg7[%add3A_626, %dma_start3A_738, %add3A, %dma_start3A_739, %dma_start3A_740] : memref<200x8x32x8x128xf32, #tpu.memory_space<hbm>> -> memref<1x8x1x8x128xf32, #tpu.memory_space<hbm>>
      %dma_start3A_742 = tpu.memref_squeeze %dma_start3A_741 : memref<1x8x1x8x128xf32, #tpu.memory_space<hbm>> -> memref<8x8x128xf32, #tpu.memory_space<hbm>>
      %dma_start3A_743 = arith.constant 0 : i32
      %dma_start3A_744 = arith.constant 0 : i32
      %dma_start3A_745 = arith.constant 0 : i32
      %dma_start3A_746 = tpu.memref_slice %arg7[%add3A_626, %dma_start3A_743, %add3A, %dma_start3A_744, %dma_start3A_745] : memref<200x8x32x8x128xf32, #tpu.memory_space<hbm>> -> memref<1x8x1x8x128xf32, #tpu.memory_space<hbm>>
      %dma_start3A_747 = tpu.memref_squeeze %dma_start3A_746 : memref<1x8x1x8x128xf32, #tpu.memory_space<hbm>> -> memref<8x8x128xf32, #tpu.memory_space<hbm>>
      %dma_start3A_748 = arith.constant 0 : i32
      %dma_start3A_749 = arith.constant 0 : i32
      %dma_start3A_750 = arith.constant 0 : i32
      %dma_start3A_751 = tpu.memref_slice %arg13[%dma_start3A_732, %dma_start3A_748, %dma_start3A_749, %dma_start3A_750] : memref<3x8x8x129xf32, #tpu.memory_space<vmem>> -> memref<1x8x8x128xf32, #tpu.memory_space<vmem>>
      %dma_start3A_752 = tpu.memref_squeeze %dma_start3A_751 : memref<1x8x8x128xf32, #tpu.memory_space<vmem>> -> memref<8x8x128xf32, #tpu.memory_space<vmem>>
      tpu.enqueue_dma source(%dma_start3A_752 : memref<8x8x128xf32, #tpu.memory_space<vmem>>) target(%dma_start3A_747 : memref<8x8x128xf32, #tpu.memory_space<hbm>>) target_semaphore(%arg19 : memref<!tpu.dma_semaphore, #tpu.memory_space<semaphore_mem>>)
    }
    %scan3A_53 = arith.constant 66 : i32
    %dma_wait3A = arith.constant 198 : i32
    %dma_wait3A_54 = arith.constant 0 : i32
    %dma_wait3A_55 = arith.constant 0 : i32
    %dma_wait3A_56 = arith.constant 0 : i32
    %dma_wait3A_57 = tpu.memref_slice %arg10[%dma_wait3A_54, %dma_wait3A_55, %dma_wait3A_56] : memref<3x128x32xf32, #tpu.memory_space<vmem>> -> memref<1x128x32xf32, #tpu.memory_space<vmem>>
    %dma_wait3A_58 = tpu.memref_squeeze %dma_wait3A_57 : memref<1x128x32xf32, #tpu.memory_space<vmem>> -> memref<128x32xf32, #tpu.memory_space<vmem>>
    %dma_wait3A_59 = arith.constant 0 : i32
    %dma_wait3A_60 = tpu.memref_slice %arg8[%dma_wait3A, %dma_wait3A_59] : memref<200x128xi32, #tpu.memory_space<vmem>> -> memref<1x128xi32, #tpu.memory_space<vmem>>
    %dma_wait3A_61 = tpu.memref_squeeze %dma_wait3A_60 : memref<1x128xi32, #tpu.memory_space<vmem>> -> memref<128xi32, #tpu.memory_space<vmem>>
    %dma_wait3A_62 = arith.constant 0 : i32
    %dma_wait3A_63 = arith.constant 0 : i32
    %dma_wait3A_64 = tpu.memref_slice %arg4[%dma_wait3A_62, %dma_wait3A_63] : memref<100000x32xf32, #tpu.memory_space<hbm>> -> memref<100000x32xf32, #tpu.memory_space<hbm>>
    tpu.wait_indirect_dma semaphore(%arg14 : memref<!tpu.dma_semaphore, #tpu.memory_space<semaphore_mem>>) src(%dma_wait3A_64 : memref<100000x32xf32, #tpu.memory_space<hbm>>) dst(%dma_wait3A_58 : memref<128x32xf32, #tpu.memory_space<vmem>>)
    %dma_wait3A_65 = arith.constant 198 : i32
    %dma_wait3A_66 = arith.constant 0 : i32
    %dma_wait3A_67 = arith.constant 0 : i32
    %dma_wait3A_68 = arith.constant 0 : i32
    %dma_wait3A_69 = tpu.memref_slice %arg11[%dma_wait3A_66, %dma_wait3A_67, %dma_wait3A_68] : memref<3x128x32xf32, #tpu.memory_space<vmem>> -> memref<1x128x32xf32, #tpu.memory_space<vmem>>
    %dma_wait3A_70 = tpu.memref_squeeze %dma_wait3A_69 : memref<1x128x32xf32, #tpu.memory_space<vmem>> -> memref<128x32xf32, #tpu.memory_space<vmem>>
    %dma_wait3A_71 = arith.constant 0 : i32
    %dma_wait3A_72 = tpu.memref_slice %arg9[%dma_wait3A_65, %dma_wait3A_71] : memref<200x128xi32, #tpu.memory_space<vmem>> -> memref<1x128xi32, #tpu.memory_space<vmem>>
    %dma_wait3A_73 = tpu.memref_squeeze %dma_wait3A_72 : memref<1x128xi32, #tpu.memory_space<vmem>> -> memref<128xi32, #tpu.memory_space<vmem>>
    %dma_wait3A_74 = arith.constant 0 : i32
    %dma_wait3A_75 = arith.constant 0 : i32
    %dma_wait3A_76 = tpu.memref_slice %arg5[%dma_wait3A_74, %dma_wait3A_75] : memref<1000x32xf32, #tpu.memory_space<hbm>> -> memref<1000x32xf32, #tpu.memory_space<hbm>>
    tpu.wait_indirect_dma semaphore(%arg14 : memref<!tpu.dma_semaphore, #tpu.memory_space<semaphore_mem>>) src(%dma_wait3A_76 : memref<1000x32xf32, #tpu.memory_space<hbm>>) dst(%dma_wait3A_70 : memref<128x32xf32, #tpu.memory_space<vmem>>)
    %dma_wait3A_77 = arith.constant 0 : i32
    %dma_wait3A_78 = arith.constant 195 : i32
    %dma_wait3A_79 = arith.constant 0 : i32
    %dma_wait3A_80 = arith.constant 0 : i32
    %dma_wait3A_81 = arith.constant 0 : i32
    %dma_wait3A_82 = tpu.memref_slice %arg13[%dma_wait3A_77, %dma_wait3A_79, %dma_wait3A_80, %dma_wait3A_81] : memref<3x8x8x129xf32, #tpu.memory_space<vmem>> -> memref<1x8x8x128xf32, #tpu.memory_space<vmem>>
    %dma_wait3A_83 = tpu.memref_squeeze %dma_wait3A_82 : memref<1x8x8x128xf32, #tpu.memory_space<vmem>> -> memref<8x8x128xf32, #tpu.memory_space<vmem>>
    %dma_wait3A_84 = arith.constant 0 : i32
    %dma_wait3A_85 = arith.constant 0 : i32
    %dma_wait3A_86 = arith.constant 0 : i32
    %dma_wait3A_87 = tpu.memref_slice %arg7[%dma_wait3A_78, %dma_wait3A_84, %add3A, %dma_wait3A_85, %dma_wait3A_86] : memref<200x8x32x8x128xf32, #tpu.memory_space<hbm>> -> memref<1x8x1x8x128xf32, #tpu.memory_space<hbm>>
    %dma_wait3A_88 = tpu.memref_squeeze %dma_wait3A_87 : memref<1x8x1x8x128xf32, #tpu.memory_space<hbm>> -> memref<8x8x128xf32, #tpu.memory_space<hbm>>
    %dma_wait3A_89 = arith.constant 0 : i32
    %dma_wait3A_90 = arith.constant 0 : i32
    %dma_wait3A_91 = arith.constant 0 : i32
    %dma_wait3A_92 = tpu.memref_slice %arg7[%dma_wait3A_78, %dma_wait3A_89, %add3A, %dma_wait3A_90, %dma_wait3A_91] : memref<200x8x32x8x128xf32, #tpu.memory_space<hbm>> -> memref<1x8x1x8x128xf32, #tpu.memory_space<hbm>>
    %dma_wait3A_93 = tpu.memref_squeeze %dma_wait3A_92 : memref<1x8x1x8x128xf32, #tpu.memory_space<hbm>> -> memref<8x8x128xf32, #tpu.memory_space<hbm>>
    %dma_wait3A_94 = arith.constant 0 : i32
    %dma_wait3A_95 = arith.constant 0 : i32
    %dma_wait3A_96 = arith.constant 0 : i32
    %dma_wait3A_97 = tpu.memref_slice %arg13[%dma_wait3A_77, %dma_wait3A_94, %dma_wait3A_95, %dma_wait3A_96] : memref<3x8x8x129xf32, #tpu.memory_space<vmem>> -> memref<1x8x8x128xf32, #tpu.memory_space<vmem>>
    %dma_wait3A_98 = tpu.memref_squeeze %dma_wait3A_97 : memref<1x8x8x128xf32, #tpu.memory_space<vmem>> -> memref<8x8x128xf32, #tpu.memory_space<vmem>>
    tpu.wait_dma2 semaphore(%arg17 : memref<!tpu.dma_semaphore, #tpu.memory_space<semaphore_mem>>) src(%dma_wait3A_98 : memref<8x8x128xf32, #tpu.memory_space<vmem>>) dst(%dma_wait3A_93 : memref<8x8x128xf32, #tpu.memory_space<hbm>>)
    %get3A = arith.constant 198 : i32
    %get3A_99 = arith.index_cast %get3A : i32 to index
    %get3A_100 = arith.constant 0 : index
    %get3A_101 = tpu.vector_load %arg12[%get3A_99, %get3A_100] {strides = array<i32>} : memref<200x64xf32, #tpu.memory_space<vmem>>, vector<16xf32>,
    %add3A_102 = arith.constant 0 : i32
    %add3A_103 = vector.broadcast %add3A_102 : i32 to vector<16xi32>
    %add3A_104 = arith.addi %iota3A, %add3A_103 : vector<16xi32>
    %shift_right_arithmetic3A = arith.constant 3 : i32
    %shift_right_arithmetic3A_105 = vector.broadcast %shift_right_arithmetic3A : i32 to vector<16xi32>
    %shift_right_arithmetic3A_106 = arith.shrsi %add3A_104, %shift_right_arithmetic3A_105 : vector<16xi32>
    %and3A = arith.constant 7 : i32
    %and3A_107 = vector.broadcast %and3A : i32 to vector<16xi32>
    %and3A_108 = arith.andi %add3A_104, %and3A_107 : vector<16xi32>
    %get3A_109 = arith.constant 198 : i32
    %get3A_110 = arith.index_cast %get3A_109 : i32 to index
    %get3A_111 = arith.constant 16 : index
    %get3A_112 = tpu.vector_load %arg12[%get3A_110, %get3A_111] {strides = array<i32>} : memref<200x64xf32, #tpu.memory_space<vmem>>, vector<16xf32>,
    %add3A_113 = arith.constant 16 : i32
    %add3A_114 = vector.broadcast %add3A_113 : i32 to vector<16xi32>
    %add3A_115 = arith.addi %iota3A, %add3A_114 : vector<16xi32>
    %shift_right_arithmetic3A_116 = arith.constant 3 : i32
    %shift_right_arithmetic3A_117 = vector.broadcast %shift_right_arithmetic3A_116 : i32 to vector<16xi32>
    %shift_right_arithmetic3A_118 = arith.shrsi %add3A_115, %shift_right_arithmetic3A_117 : vector<16xi32>
    %and3A_119 = arith.constant 7 : i32
    %and3A_120 = vector.broadcast %and3A_119 : i32 to vector<16xi32>
    %and3A_121 = arith.andi %add3A_115, %and3A_120 : vector<16xi32>
    %get3A_122 = arith.constant 198 : i32
    %get3A_123 = arith.index_cast %get3A_122 : i32 to index
    %get3A_124 = arith.constant 32 : index
    %get3A_125 = tpu.vector_load %arg12[%get3A_123, %get3A_124] {strides = array<i32>} : memref<200x64xf32, #tpu.memory_space<vmem>>, vector<16xf32>,
    %add3A_126 = arith.constant 32 : i32
    %add3A_127 = vector.broadcast %add3A_126 : i32 to vector<16xi32>
    %add3A_128 = arith.addi %iota3A, %add3A_127 : vector<16xi32>
    %shift_right_arithmetic3A_129 = arith.constant 3 : i32
    %shift_right_arithmetic3A_130 = vector.broadcast %shift_right_arithmetic3A_129 : i32 to vector<16xi32>
    %shift_right_arithmetic3A_131 = arith.shrsi %add3A_128, %shift_right_arithmetic3A_130 : vector<16xi32>
    %and3A_132 = arith.constant 7 : i32
    %and3A_133 = vector.broadcast %and3A_132 : i32 to vector<16xi32>
    %and3A_134 = arith.andi %add3A_128, %and3A_133 : vector<16xi32>
    %get3A_135 = arith.constant 198 : i32
    %get3A_136 = arith.index_cast %get3A_135 : i32 to index
    %get3A_137 = arith.constant 48 : index
    %get3A_138 = tpu.vector_load %arg12[%get3A_136, %get3A_137] {strides = array<i32>} : memref<200x64xf32, #tpu.memory_space<vmem>>, vector<16xf32>,
    %add3A_139 = arith.constant 48 : i32
    %add3A_140 = vector.broadcast %add3A_139 : i32 to vector<16xi32>
    %add3A_141 = arith.addi %iota3A, %add3A_140 : vector<16xi32>
    %shift_right_arithmetic3A_142 = arith.constant 3 : i32
    %shift_right_arithmetic3A_143 = vector.broadcast %shift_right_arithmetic3A_142 : i32 to vector<16xi32>
    %shift_right_arithmetic3A_144 = arith.shrsi %add3A_141, %shift_right_arithmetic3A_143 : vector<16xi32>
    %and3A_145 = arith.constant 7 : i32
    %and3A_146 = vector.broadcast %and3A_145 : i32 to vector<16xi32>
    %and3A_147 = arith.andi %add3A_141, %and3A_146 : vector<16xi32>
    %parallel_loop3A = arith.constant 0 : i32
    %parallel_loop3A_148 = arith.constant 128 : i32
    %parallel_loop3A_149 = arith.constant 1 : i32
    %parallel_loop3A_150 = arith.constant 0 : i32
    %parallel_loop3A_151 = arith.constant 0 : i32
    %parallel_loop3A_152 = arith.constant 0 : i32
    scf.for %parallel_loop3A_367 = %parallel_loop3A to %parallel_loop3A_148 step %parallel_loop3A_149  : i32 {
      %parallel_loop3A_368 = vector.broadcast %parallel_loop3A_367 : i32 to vector<16xi32>
      %parallel_loop3A_369 = arith.constant 0 : i32
      %parallel_loop3A_370 = arith.constant 0 : i32
      %parallel_loop3A_371 = tpu.memref_slice %arg10[%parallel_loop3A_150, %parallel_loop3A_369, %parallel_loop3A_370] : memref<3x128x32xf32, #tpu.memory_space<vmem>> -> memref<1x128x32xf32, #tpu.memory_space<vmem>>
      %parallel_loop3A_372 = tpu.memref_squeeze %parallel_loop3A_371 : memref<1x128x32xf32, #tpu.memory_space<vmem>> -> memref<128x32xf32, #tpu.memory_space<vmem>>
      %parallel_loop3A_373 = arith.index_cast %parallel_loop3A_367 : i32 to index
      %parallel_loop3A_374 = arith.constant 0 : index
      %parallel_loop3A_375 = tpu.vector_load %parallel_loop3A_372[%parallel_loop3A_373, %parallel_loop3A_374] {strides = array<i32>} : memref<128x32xf32, #tpu.memory_space<vmem>>, vector<16xf32>,
      %parallel_loop3A_376 = arith.addf %parallel_loop3A_375, %get3A_101 : vector<16xf32>
      %parallel_loop3A_377 = arith.constant 0 : i32
      %parallel_loop3A_378 = arith.constant 0 : i32
      %parallel_loop3A_379 = arith.constant 0 : i32
      %parallel_loop3A_380 = tpu.memref_slice %arg13[%parallel_loop3A_151, %parallel_loop3A_377, %parallel_loop3A_378, %parallel_loop3A_379] : memref<3x8x8x129xf32, #tpu.memory_space<vmem>> -> memref<1x8x8x129xf32, #tpu.memory_space<vmem>>
      %parallel_loop3A_381 = tpu.memref_squeeze %parallel_loop3A_380 : memref<1x8x8x129xf32, #tpu.memory_space<vmem>> -> memref<8x8x129xf32, #tpu.memory_space<vmem>>
      tpu.vector_store_idx %parallel_loop3A_381[%shift_right_arithmetic3A_106, %and3A_108, %parallel_loop3A_368], %parallel_loop3A_376 : memref<8x8x129xf32, #tpu.memory_space<vmem>>[vector<16xi32>, vector<16xi32>, vector<16xi32>], vector<16xf32>,
      %parallel_loop3A_382 = arith.constant 0 : i32
      %parallel_loop3A_383 = arith.constant 0 : i32
      %parallel_loop3A_384 = tpu.memref_slice %arg10[%parallel_loop3A_150, %parallel_loop3A_382, %parallel_loop3A_383] : memref<3x128x32xf32, #tpu.memory_space<vmem>> -> memref<1x128x32xf32, #tpu.memory_space<vmem>>
      %parallel_loop3A_385 = tpu.memref_squeeze %parallel_loop3A_384 : memref<1x128x32xf32, #tpu.memory_space<vmem>> -> memref<128x32xf32, #tpu.memory_space<vmem>>
      %parallel_loop3A_386 = arith.index_cast %parallel_loop3A_367 : i32 to index
      %parallel_loop3A_387 = arith.constant 16 : index
      %parallel_loop3A_388 = tpu.vector_load %parallel_loop3A_385[%parallel_loop3A_386, %parallel_loop3A_387] {strides = array<i32>} : memref<128x32xf32, #tpu.memory_space<vmem>>, vector<16xf32>,
      %parallel_loop3A_389 = arith.addf %parallel_loop3A_388, %get3A_112 : vector<16xf32>
      %parallel_loop3A_390 = arith.constant 0 : i32
      %parallel_loop3A_391 = arith.constant 0 : i32
      %parallel_loop3A_392 = arith.constant 0 : i32
      %parallel_loop3A_393 = tpu.memref_slice %arg13[%parallel_loop3A_151, %parallel_loop3A_390, %parallel_loop3A_391, %parallel_loop3A_392] : memref<3x8x8x129xf32, #tpu.memory_space<vmem>> -> memref<1x8x8x129xf32, #tpu.memory_space<vmem>>
      %parallel_loop3A_394 = tpu.memref_squeeze %parallel_loop3A_393 : memref<1x8x8x129xf32, #tpu.memory_space<vmem>> -> memref<8x8x129xf32, #tpu.memory_space<vmem>>
      tpu.vector_store_idx %parallel_loop3A_394[%shift_right_arithmetic3A_118, %and3A_121, %parallel_loop3A_368], %parallel_loop3A_389 : memref<8x8x129xf32, #tpu.memory_space<vmem>>[vector<16xi32>, vector<16xi32>, vector<16xi32>], vector<16xf32>,
      %parallel_loop3A_395 = arith.constant 0 : i32
      %parallel_loop3A_396 = arith.constant 0 : i32
      %parallel_loop3A_397 = tpu.memref_slice %arg11[%parallel_loop3A_152, %parallel_loop3A_395, %parallel_loop3A_396] : memref<3x128x32xf32, #tpu.memory_space<vmem>> -> memref<1x128x32xf32, #tpu.memory_space<vmem>>
      %parallel_loop3A_398 = tpu.memref_squeeze %parallel_loop3A_397 : memref<1x128x32xf32, #tpu.memory_space<vmem>> -> memref<128x32xf32, #tpu.memory_space<vmem>>
      %parallel_loop3A_399 = arith.index_cast %parallel_loop3A_367 : i32 to index
      %parallel_loop3A_400 = arith.constant 0 : index
      %parallel_loop3A_401 = tpu.vector_load %parallel_loop3A_398[%parallel_loop3A_399, %parallel_loop3A_400] {strides = array<i32>} : memref<128x32xf32, #tpu.memory_space<vmem>>, vector<16xf32>,
      %parallel_loop3A_402 = arith.addf %parallel_loop3A_401, %get3A_125 : vector<16xf32>
      %parallel_loop3A_403 = arith.constant 0 : i32
      %parallel_loop3A_404 = arith.constant 0 : i32
      %parallel_loop3A_405 = arith.constant 0 : i32
      %parallel_loop3A_406 = tpu.memref_slice %arg13[%parallel_loop3A_151, %parallel_loop3A_403, %parallel_loop3A_404, %parallel_loop3A_405] : memref<3x8x8x129xf32, #tpu.memory_space<vmem>> -> memref<1x8x8x129xf32, #tpu.memory_space<vmem>>
      %parallel_loop3A_407 = tpu.memref_squeeze %parallel_loop3A_406 : memref<1x8x8x129xf32, #tpu.memory_space<vmem>> -> memref<8x8x129xf32, #tpu.memory_space<vmem>>
      tpu.vector_store_idx %parallel_loop3A_407[%shift_right_arithmetic3A_131, %and3A_134, %parallel_loop3A_368], %parallel_loop3A_402 : memref<8x8x129xf32, #tpu.memory_space<vmem>>[vector<16xi32>, vector<16xi32>, vector<16xi32>], vector<16xf32>,
      %parallel_loop3A_408 = arith.constant 0 : i32
      %parallel_loop3A_409 = arith.constant 0 : i32
      %parallel_loop3A_410 = tpu.memref_slice %arg11[%parallel_loop3A_152, %parallel_loop3A_408, %parallel_loop3A_409] : memref<3x128x32xf32, #tpu.memory_space<vmem>> -> memref<1x128x32xf32, #tpu.memory_space<vmem>>
      %parallel_loop3A_411 = tpu.memref_squeeze %parallel_loop3A_410 : memref<1x128x32xf32, #tpu.memory_space<vmem>> -> memref<128x32xf32, #tpu.memory_space<vmem>>
      %parallel_loop3A_412 = arith.index_cast %parallel_loop3A_367 : i32 to index
      %parallel_loop3A_413 = arith.constant 16 : index
      %parallel_loop3A_414 = tpu.vector_load %parallel_loop3A_411[%parallel_loop3A_412, %parallel_loop3A_413] {strides = array<i32>} : memref<128x32xf32, #tpu.memory_space<vmem>>, vector<16xf32>,
      %parallel_loop3A_415 = arith.addf %parallel_loop3A_414, %get3A_138 : vector<16xf32>
      %parallel_loop3A_416 = arith.constant 0 : i32
      %parallel_loop3A_417 = arith.constant 0 : i32
      %parallel_loop3A_418 = arith.constant 0 : i32
      %parallel_loop3A_419 = tpu.memref_slice %arg13[%parallel_loop3A_151, %parallel_loop3A_416, %parallel_loop3A_417, %parallel_loop3A_418] : memref<3x8x8x129xf32, #tpu.memory_space<vmem>> -> memref<1x8x8x129xf32, #tpu.memory_space<vmem>>
      %parallel_loop3A_420 = tpu.memref_squeeze %parallel_loop3A_419 : memref<1x8x8x129xf32, #tpu.memory_space<vmem>> -> memref<8x8x129xf32, #tpu.memory_space<vmem>>
      tpu.vector_store_idx %parallel_loop3A_420[%shift_right_arithmetic3A_144, %and3A_147, %parallel_loop3A_368], %parallel_loop3A_415 : memref<8x8x129xf32, #tpu.memory_space<vmem>>[vector<16xi32>, vector<16xi32>, vector<16xi32>], vector<16xf32>,
    } {sc.loop_unroll_factor = 4 : i64, sc.parallel_access}
    %dma_start3A_153 = arith.constant 0 : i32
    %dma_start3A_154 = arith.constant 198 : i32
    %dma_start3A_155 = arith.constant 0 : i32
    %dma_start3A_156 = arith.constant 0 : i32
    %dma_start3A_157 = arith.constant 0 : i32
    %dma_start3A_158 = tpu.memref_slice %arg13[%dma_start3A_153, %dma_start3A_155, %dma_start3A_156, %dma_start3A_157] : memref<3x8x8x129xf32, #tpu.memory_space<vmem>> -> memref<1x8x8x128xf32, #tpu.memory_space<vmem>>
    %dma_start3A_159 = tpu.memref_squeeze %dma_start3A_158 : memref<1x8x8x128xf32, #tpu.memory_space<vmem>> -> memref<8x8x128xf32, #tpu.memory_space<vmem>>
    %dma_start3A_160 = arith.constant 0 : i32
    %dma_start3A_161 = arith.constant 0 : i32
    %dma_start3A_162 = arith.constant 0 : i32
    %dma_start3A_163 = tpu.memref_slice %arg7[%dma_start3A_154, %dma_start3A_160, %add3A, %dma_start3A_161, %dma_start3A_162] : memref<200x8x32x8x128xf32, #tpu.memory_space<hbm>> -> memref<1x8x1x8x128xf32, #tpu.memory_space<hbm>>
    %dma_start3A_164 = tpu.memref_squeeze %dma_start3A_163 : memref<1x8x1x8x128xf32, #tpu.memory_space<hbm>> -> memref<8x8x128xf32, #tpu.memory_space<hbm>>
    %dma_start3A_165 = arith.constant 0 : i32
    %dma_start3A_166 = arith.constant 0 : i32
    %dma_start3A_167 = arith.constant 0 : i32
    %dma_start3A_168 = tpu.memref_slice %arg7[%dma_start3A_154, %dma_start3A_165, %add3A, %dma_start3A_166, %dma_start3A_167] : memref<200x8x32x8x128xf32, #tpu.memory_space<hbm>> -> memref<1x8x1x8x128xf32, #tpu.memory_space<hbm>>
    %dma_start3A_169 = tpu.memref_squeeze %dma_start3A_168 : memref<1x8x1x8x128xf32, #tpu.memory_space<hbm>> -> memref<8x8x128xf32, #tpu.memory_space<hbm>>
    %dma_start3A_170 = arith.constant 0 : i32
    %dma_start3A_171 = arith.constant 0 : i32
    %dma_start3A_172 = arith.constant 0 : i32
    %dma_start3A_173 = tpu.memref_slice %arg13[%dma_start3A_153, %dma_start3A_170, %dma_start3A_171, %dma_start3A_172] : memref<3x8x8x129xf32, #tpu.memory_space<vmem>> -> memref<1x8x8x128xf32, #tpu.memory_space<vmem>>
    %dma_start3A_174 = tpu.memref_squeeze %dma_start3A_173 : memref<1x8x8x128xf32, #tpu.memory_space<vmem>> -> memref<8x8x128xf32, #tpu.memory_space<vmem>>
    tpu.enqueue_dma source(%dma_start3A_174 : memref<8x8x128xf32, #tpu.memory_space<vmem>>) target(%dma_start3A_169 : memref<8x8x128xf32, #tpu.memory_space<hbm>>) target_semaphore(%arg17 : memref<!tpu.dma_semaphore, #tpu.memory_space<semaphore_mem>>)
    %dma_wait3A_175 = arith.constant 199 : i32
    %dma_wait3A_176 = arith.constant 1 : i32
    %dma_wait3A_177 = arith.constant 0 : i32
    %dma_wait3A_178 = arith.constant 0 : i32
    %dma_wait3A_179 = tpu.memref_slice %arg10[%dma_wait3A_176, %dma_wait3A_177, %dma_wait3A_178] : memref<3x128x32xf32, #tpu.memory_space<vmem>> -> memref<1x128x32xf32, #tpu.memory_space<vmem>>
    %dma_wait3A_180 = tpu.memref_squeeze %dma_wait3A_179 : memref<1x128x32xf32, #tpu.memory_space<vmem>> -> memref<128x32xf32, #tpu.memory_space<vmem>>
    %dma_wait3A_181 = arith.constant 0 : i32
    %dma_wait3A_182 = tpu.memref_slice %arg8[%dma_wait3A_175, %dma_wait3A_181] : memref<200x128xi32, #tpu.memory_space<vmem>> -> memref<1x128xi32, #tpu.memory_space<vmem>>
    %dma_wait3A_183 = tpu.memref_squeeze %dma_wait3A_182 : memref<1x128xi32, #tpu.memory_space<vmem>> -> memref<128xi32, #tpu.memory_space<vmem>>
    %dma_wait3A_184 = arith.constant 0 : i32
    %dma_wait3A_185 = arith.constant 0 : i32
    %dma_wait3A_186 = tpu.memref_slice %arg4[%dma_wait3A_184, %dma_wait3A_185] : memref<100000x32xf32, #tpu.memory_space<hbm>> -> memref<100000x32xf32, #tpu.memory_space<hbm>>
    tpu.wait_indirect_dma semaphore(%arg15 : memref<!tpu.dma_semaphore, #tpu.memory_space<semaphore_mem>>) src(%dma_wait3A_186 : memref<100000x32xf32, #tpu.memory_space<hbm>>) dst(%dma_wait3A_180 : memref<128x32xf32, #tpu.memory_space<vmem>>)
    %dma_wait3A_187 = arith.constant 199 : i32
    %dma_wait3A_188 = arith.constant 1 : i32
    %dma_wait3A_189 = arith.constant 0 : i32
    %dma_wait3A_190 = arith.constant 0 : i32
    %dma_wait3A_191 = tpu.memref_slice %arg11[%dma_wait3A_188, %dma_wait3A_189, %dma_wait3A_190] : memref<3x128x32xf32, #tpu.memory_space<vmem>> -> memref<1x128x32xf32, #tpu.memory_space<vmem>>
    %dma_wait3A_192 = tpu.memref_squeeze %dma_wait3A_191 : memref<1x128x32xf32, #tpu.memory_space<vmem>> -> memref<128x32xf32, #tpu.memory_space<vmem>>
    %dma_wait3A_193 = arith.constant 0 : i32
    %dma_wait3A_194 = tpu.memref_slice %arg9[%dma_wait3A_187, %dma_wait3A_193] : memref<200x128xi32, #tpu.memory_space<vmem>> -> memref<1x128xi32, #tpu.memory_space<vmem>>
    %dma_wait3A_195 = tpu.memref_squeeze %dma_wait3A_194 : memref<1x128xi32, #tpu.memory_space<vmem>> -> memref<128xi32, #tpu.memory_space<vmem>>
    %dma_wait3A_196 = arith.constant 0 : i32
    %dma_wait3A_197 = arith.constant 0 : i32
    %dma_wait3A_198 = tpu.memref_slice %arg5[%dma_wait3A_196, %dma_wait3A_197] : memref<1000x32xf32, #tpu.memory_space<hbm>> -> memref<1000x32xf32, #tpu.memory_space<hbm>>
    tpu.wait_indirect_dma semaphore(%arg15 : memref<!tpu.dma_semaphore, #tpu.memory_space<semaphore_mem>>) src(%dma_wait3A_198 : memref<1000x32xf32, #tpu.memory_space<hbm>>) dst(%dma_wait3A_192 : memref<128x32xf32, #tpu.memory_space<vmem>>)
    %dma_wait3A_199 = arith.constant 1 : i32
    %dma_wait3A_200 = arith.constant 196 : i32
    %dma_wait3A_201 = arith.constant 0 : i32
    %dma_wait3A_202 = arith.constant 0 : i32
    %dma_wait3A_203 = arith.constant 0 : i32
    %dma_wait3A_204 = tpu.memref_slice %arg13[%dma_wait3A_199, %dma_wait3A_201, %dma_wait3A_202, %dma_wait3A_203] : memref<3x8x8x129xf32, #tpu.memory_space<vmem>> -> memref<1x8x8x128xf32, #tpu.memory_space<vmem>>
    %dma_wait3A_205 = tpu.memref_squeeze %dma_wait3A_204 : memref<1x8x8x128xf32, #tpu.memory_space<vmem>> -> memref<8x8x128xf32, #tpu.memory_space<vmem>>
    %dma_wait3A_206 = arith.constant 0 : i32
    %dma_wait3A_207 = arith.constant 0 : i32
    %dma_wait3A_208 = arith.constant 0 : i32
    %dma_wait3A_209 = tpu.memref_slice %arg7[%dma_wait3A_200, %dma_wait3A_206, %add3A, %dma_wait3A_207, %dma_wait3A_208] : memref<200x8x32x8x128xf32, #tpu.memory_space<hbm>> -> memref<1x8x1x8x128xf32, #tpu.memory_space<hbm>>
    %dma_wait3A_210 = tpu.memref_squeeze %dma_wait3A_209 : memref<1x8x1x8x128xf32, #tpu.memory_space<hbm>> -> memref<8x8x128xf32, #tpu.memory_space<hbm>>
    %dma_wait3A_211 = arith.constant 0 : i32
    %dma_wait3A_212 = arith.constant 0 : i32
    %dma_wait3A_213 = arith.constant 0 : i32
    %dma_wait3A_214 = tpu.memref_slice %arg7[%dma_wait3A_200, %dma_wait3A_211, %add3A, %dma_wait3A_212, %dma_wait3A_213] : memref<200x8x32x8x128xf32, #tpu.memory_space<hbm>> -> memref<1x8x1x8x128xf32, #tpu.memory_space<hbm>>
    %dma_wait3A_215 = tpu.memref_squeeze %dma_wait3A_214 : memref<1x8x1x8x128xf32, #tpu.memory_space<hbm>> -> memref<8x8x128xf32, #tpu.memory_space<hbm>>
    %dma_wait3A_216 = arith.constant 0 : i32
    %dma_wait3A_217 = arith.constant 0 : i32
    %dma_wait3A_218 = arith.constant 0 : i32
    %dma_wait3A_219 = tpu.memref_slice %arg13[%dma_wait3A_199, %dma_wait3A_216, %dma_wait3A_217, %dma_wait3A_218] : memref<3x8x8x129xf32, #tpu.memory_space<vmem>> -> memref<1x8x8x128xf32, #tpu.memory_space<vmem>>
    %dma_wait3A_220 = tpu.memref_squeeze %dma_wait3A_219 : memref<1x8x8x128xf32, #tpu.memory_space<vmem>> -> memref<8x8x128xf32, #tpu.memory_space<vmem>>
    tpu.wait_dma2 semaphore(%arg18 : memref<!tpu.dma_semaphore, #tpu.memory_space<semaphore_mem>>) src(%dma_wait3A_220 : memref<8x8x128xf32, #tpu.memory_space<vmem>>) dst(%dma_wait3A_215 : memref<8x8x128xf32, #tpu.memory_space<hbm>>)
    %get3A_221 = arith.constant 199 : i32
    %get3A_222 = arith.index_cast %get3A_221 : i32 to index
    %get3A_223 = arith.constant 0 : index
    %get3A_224 = tpu.vector_load %arg12[%get3A_222, %get3A_223] {strides = array<i32>} : memref<200x64xf32, #tpu.memory_space<vmem>>, vector<16xf32>,
    %add3A_225 = arith.constant 0 : i32
    %add3A_226 = vector.broadcast %add3A_225 : i32 to vector<16xi32>
    %add3A_227 = arith.addi %iota3A, %add3A_226 : vector<16xi32>
    %shift_right_arithmetic3A_228 = arith.constant 3 : i32
    %shift_right_arithmetic3A_229 = vector.broadcast %shift_right_arithmetic3A_228 : i32 to vector<16xi32>
    %shift_right_arithmetic3A_230 = arith.shrsi %add3A_227, %shift_right_arithmetic3A_229 : vector<16xi32>
    %and3A_231 = arith.constant 7 : i32
    %and3A_232 = vector.broadcast %and3A_231 : i32 to vector<16xi32>
    %and3A_233 = arith.andi %add3A_227, %and3A_232 : vector<16xi32>
    %get3A_234 = arith.constant 199 : i32
    %get3A_235 = arith.index_cast %get3A_234 : i32 to index
    %get3A_236 = arith.constant 16 : index
    %get3A_237 = tpu.vector_load %arg12[%get3A_235, %get3A_236] {strides = array<i32>} : memref<200x64xf32, #tpu.memory_space<vmem>>, vector<16xf32>,
    %add3A_238 = arith.constant 16 : i32
    %add3A_239 = vector.broadcast %add3A_238 : i32 to vector<16xi32>
    %add3A_240 = arith.addi %iota3A, %add3A_239 : vector<16xi32>
    %shift_right_arithmetic3A_241 = arith.constant 3 : i32
    %shift_right_arithmetic3A_242 = vector.broadcast %shift_right_arithmetic3A_241 : i32 to vector<16xi32>
    %shift_right_arithmetic3A_243 = arith.shrsi %add3A_240, %shift_right_arithmetic3A_242 : vector<16xi32>
    %and3A_244 = arith.constant 7 : i32
    %and3A_245 = vector.broadcast %and3A_244 : i32 to vector<16xi32>
    %and3A_246 = arith.andi %add3A_240, %and3A_245 : vector<16xi32>
    %get3A_247 = arith.constant 199 : i32
    %get3A_248 = arith.index_cast %get3A_247 : i32 to index
    %get3A_249 = arith.constant 32 : index
    %get3A_250 = tpu.vector_load %arg12[%get3A_248, %get3A_249] {strides = array<i32>} : memref<200x64xf32, #tpu.memory_space<vmem>>, vector<16xf32>,
    %add3A_251 = arith.constant 32 : i32
    %add3A_252 = vector.broadcast %add3A_251 : i32 to vector<16xi32>
    %add3A_253 = arith.addi %iota3A, %add3A_252 : vector<16xi32>
    %shift_right_arithmetic3A_254 = arith.constant 3 : i32
    %shift_right_arithmetic3A_255 = vector.broadcast %shift_right_arithmetic3A_254 : i32 to vector<16xi32>
    %shift_right_arithmetic3A_256 = arith.shrsi %add3A_253, %shift_right_arithmetic3A_255 : vector<16xi32>
    %and3A_257 = arith.constant 7 : i32
    %and3A_258 = vector.broadcast %and3A_257 : i32 to vector<16xi32>
    %and3A_259 = arith.andi %add3A_253, %and3A_258 : vector<16xi32>
    %get3A_260 = arith.constant 199 : i32
    %get3A_261 = arith.index_cast %get3A_260 : i32 to index
    %get3A_262 = arith.constant 48 : index
    %get3A_263 = tpu.vector_load %arg12[%get3A_261, %get3A_262] {strides = array<i32>} : memref<200x64xf32, #tpu.memory_space<vmem>>, vector<16xf32>,
    %add3A_264 = arith.constant 48 : i32
    %add3A_265 = vector.broadcast %add3A_264 : i32 to vector<16xi32>
    %add3A_266 = arith.addi %iota3A, %add3A_265 : vector<16xi32>
    %shift_right_arithmetic3A_267 = arith.constant 3 : i32
    %shift_right_arithmetic3A_268 = vector.broadcast %shift_right_arithmetic3A_267 : i32 to vector<16xi32>
    %shift_right_arithmetic3A_269 = arith.shrsi %add3A_266, %shift_right_arithmetic3A_268 : vector<16xi32>
    %and3A_270 = arith.constant 7 : i32
    %and3A_271 = vector.broadcast %and3A_270 : i32 to vector<16xi32>
    %and3A_272 = arith.andi %add3A_266, %and3A_271 : vector<16xi32>
    %parallel_loop3A_273 = arith.constant 0 : i32
    %parallel_loop3A_274 = arith.constant 128 : i32
    %parallel_loop3A_275 = arith.constant 1 : i32
    %parallel_loop3A_276 = arith.constant 1 : i32
    %parallel_loop3A_277 = arith.constant 1 : i32
    %parallel_loop3A_278 = arith.constant 1 : i32
    scf.for %parallel_loop3A_367 = %parallel_loop3A_273 to %parallel_loop3A_274 step %parallel_loop3A_275  : i32 {
      %parallel_loop3A_368 = vector.broadcast %parallel_loop3A_367 : i32 to vector<16xi32>
      %parallel_loop3A_369 = arith.constant 0 : i32
      %parallel_loop3A_370 = arith.constant 0 : i32
      %parallel_loop3A_371 = tpu.memref_slice %arg10[%parallel_loop3A_276, %parallel_loop3A_369, %parallel_loop3A_370] : memref<3x128x32xf32, #tpu.memory_space<vmem>> -> memref<1x128x32xf32, #tpu.memory_space<vmem>>
      %parallel_loop3A_372 = tpu.memref_squeeze %parallel_loop3A_371 : memref<1x128x32xf32, #tpu.memory_space<vmem>> -> memref<128x32xf32, #tpu.memory_space<vmem>>
      %parallel_loop3A_373 = arith.index_cast %parallel_loop3A_367 : i32 to index
      %parallel_loop3A_374 = arith.constant 0 : index
      %parallel_loop3A_375 = tpu.vector_load %parallel_loop3A_372[%parallel_loop3A_373, %parallel_loop3A_374] {strides = array<i32>} : memref<128x32xf32, #tpu.memory_space<vmem>>, vector<16xf32>,
      %parallel_loop3A_376 = arith.addf %parallel_loop3A_375, %get3A_224 : vector<16xf32>
      %parallel_loop3A_377 = arith.constant 0 : i32
      %parallel_loop3A_378 = arith.constant 0 : i32
      %parallel_loop3A_379 = arith.constant 0 : i32
      %parallel_loop3A_380 = tpu.memref_slice %arg13[%parallel_loop3A_277, %parallel_loop3A_377, %parallel_loop3A_378, %parallel_loop3A_379] : memref<3x8x8x129xf32, #tpu.memory_space<vmem>> -> memref<1x8x8x129xf32, #tpu.memory_space<vmem>>
      %parallel_loop3A_381 = tpu.memref_squeeze %parallel_loop3A_380 : memref<1x8x8x129xf32, #tpu.memory_space<vmem>> -> memref<8x8x129xf32, #tpu.memory_space<vmem>>
      tpu.vector_store_idx %parallel_loop3A_381[%shift_right_arithmetic3A_230, %and3A_233, %parallel_loop3A_368], %parallel_loop3A_376 : memref<8x8x129xf32, #tpu.memory_space<vmem>>[vector<16xi32>, vector<16xi32>, vector<16xi32>], vector<16xf32>,
      %parallel_loop3A_382 = arith.constant 0 : i32
      %parallel_loop3A_383 = arith.constant 0 : i32
      %parallel_loop3A_384 = tpu.memref_slice %arg10[%parallel_loop3A_276, %parallel_loop3A_382, %parallel_loop3A_383] : memref<3x128x32xf32, #tpu.memory_space<vmem>> -> memref<1x128x32xf32, #tpu.memory_space<vmem>>
      %parallel_loop3A_385 = tpu.memref_squeeze %parallel_loop3A_384 : memref<1x128x32xf32, #tpu.memory_space<vmem>> -> memref<128x32xf32, #tpu.memory_space<vmem>>
      %parallel_loop3A_386 = arith.index_cast %parallel_loop3A_367 : i32 to index
      %parallel_loop3A_387 = arith.constant 16 : index
      %parallel_loop3A_388 = tpu.vector_load %parallel_loop3A_385[%parallel_loop3A_386, %parallel_loop3A_387] {strides = array<i32>} : memref<128x32xf32, #tpu.memory_space<vmem>>, vector<16xf32>,
      %parallel_loop3A_389 = arith.addf %parallel_loop3A_388, %get3A_237 : vector<16xf32>
      %parallel_loop3A_390 = arith.constant 0 : i32
      %parallel_loop3A_391 = arith.constant 0 : i32
      %parallel_loop3A_392 = arith.constant 0 : i32
      %parallel_loop3A_393 = tpu.memref_slice %arg13[%parallel_loop3A_277, %parallel_loop3A_390, %parallel_loop3A_391, %parallel_loop3A_392] : memref<3x8x8x129xf32, #tpu.memory_space<vmem>> -> memref<1x8x8x129xf32, #tpu.memory_space<vmem>>
      %parallel_loop3A_394 = tpu.memref_squeeze %parallel_loop3A_393 : memref<1x8x8x129xf32, #tpu.memory_space<vmem>> -> memref<8x8x129xf32, #tpu.memory_space<vmem>>
      tpu.vector_store_idx %parallel_loop3A_394[%shift_right_arithmetic3A_243, %and3A_246, %parallel_loop3A_368], %parallel_loop3A_389 : memref<8x8x129xf32, #tpu.memory_space<vmem>>[vector<16xi32>, vector<16xi32>, vector<16xi32>], vector<16xf32>,
      %parallel_loop3A_395 = arith.constant 0 : i32
      %parallel_loop3A_396 = arith.constant 0 : i32
      %parallel_loop3A_397 = tpu.memref_slice %arg11[%parallel_loop3A_278, %parallel_loop3A_395, %parallel_loop3A_396] : memref<3x128x32xf32, #tpu.memory_space<vmem>> -> memref<1x128x32xf32, #tpu.memory_space<vmem>>
      %parallel_loop3A_398 = tpu.memref_squeeze %parallel_loop3A_397 : memref<1x128x32xf32, #tpu.memory_space<vmem>> -> memref<128x32xf32, #tpu.memory_space<vmem>>
      %parallel_loop3A_399 = arith.index_cast %parallel_loop3A_367 : i32 to index
      %parallel_loop3A_400 = arith.constant 0 : index
      %parallel_loop3A_401 = tpu.vector_load %parallel_loop3A_398[%parallel_loop3A_399, %parallel_loop3A_400] {strides = array<i32>} : memref<128x32xf32, #tpu.memory_space<vmem>>, vector<16xf32>,
      %parallel_loop3A_402 = arith.addf %parallel_loop3A_401, %get3A_250 : vector<16xf32>
      %parallel_loop3A_403 = arith.constant 0 : i32
      %parallel_loop3A_404 = arith.constant 0 : i32
      %parallel_loop3A_405 = arith.constant 0 : i32
      %parallel_loop3A_406 = tpu.memref_slice %arg13[%parallel_loop3A_277, %parallel_loop3A_403, %parallel_loop3A_404, %parallel_loop3A_405] : memref<3x8x8x129xf32, #tpu.memory_space<vmem>> -> memref<1x8x8x129xf32, #tpu.memory_space<vmem>>
      %parallel_loop3A_407 = tpu.memref_squeeze %parallel_loop3A_406 : memref<1x8x8x129xf32, #tpu.memory_space<vmem>> -> memref<8x8x129xf32, #tpu.memory_space<vmem>>
      tpu.vector_store_idx %parallel_loop3A_407[%shift_right_arithmetic3A_256, %and3A_259, %parallel_loop3A_368], %parallel_loop3A_402 : memref<8x8x129xf32, #tpu.memory_space<vmem>>[vector<16xi32>, vector<16xi32>, vector<16xi32>], vector<16xf32>,
      %parallel_loop3A_408 = arith.constant 0 : i32
      %parallel_loop3A_409 = arith.constant 0 : i32
      %parallel_loop3A_410 = tpu.memref_slice %arg11[%parallel_loop3A_278, %parallel_loop3A_408, %parallel_loop3A_409] : memref<3x128x32xf32, #tpu.memory_space<vmem>> -> memref<1x128x32xf32, #tpu.memory_space<vmem>>
      %parallel_loop3A_411 = tpu.memref_squeeze %parallel_loop3A_410 : memref<1x128x32xf32, #tpu.memory_space<vmem>> -> memref<128x32xf32, #tpu.memory_space<vmem>>
      %parallel_loop3A_412 = arith.index_cast %parallel_loop3A_367 : i32 to index
      %parallel_loop3A_413 = arith.constant 16 : index
      %parallel_loop3A_414 = tpu.vector_load %parallel_loop3A_411[%parallel_loop3A_412, %parallel_loop3A_413] {strides = array<i32>} : memref<128x32xf32, #tpu.memory_space<vmem>>, vector<16xf32>,
      %parallel_loop3A_415 = arith.addf %parallel_loop3A_414, %get3A_263 : vector<16xf32>
      %parallel_loop3A_416 = arith.constant 0 : i32
      %parallel_loop3A_417 = arith.constant 0 : i32
      %parallel_loop3A_418 = arith.constant 0 : i32
      %parallel_loop3A_419 = tpu.memref_slice %arg13[%parallel_loop3A_277, %parallel_loop3A_416, %parallel_loop3A_417, %parallel_loop3A_418] : memref<3x8x8x129xf32, #tpu.memory_space<vmem>> -> memref<1x8x8x129xf32, #tpu.memory_space<vmem>>
      %parallel_loop3A_420 = tpu.memref_squeeze %parallel_loop3A_419 : memref<1x8x8x129xf32, #tpu.memory_space<vmem>> -> memref<8x8x129xf32, #tpu.memory_space<vmem>>
      tpu.vector_store_idx %parallel_loop3A_420[%shift_right_arithmetic3A_269, %and3A_272, %parallel_loop3A_368], %parallel_loop3A_415 : memref<8x8x129xf32, #tpu.memory_space<vmem>>[vector<16xi32>, vector<16xi32>, vector<16xi32>], vector<16xf32>,
    } {sc.loop_unroll_factor = 4 : i64, sc.parallel_access}
    %dma_start3A_279 = arith.constant 1 : i32
    %dma_start3A_280 = arith.constant 199 : i32
    %dma_start3A_281 = arith.constant 0 : i32
    %dma_start3A_282 = arith.constant 0 : i32
    %dma_start3A_283 = arith.constant 0 : i32
    %dma_start3A_284 = tpu.memref_slice %arg13[%dma_start3A_279, %dma_start3A_281, %dma_start3A_282, %dma_start3A_283] : memref<3x8x8x129xf32, #tpu.memory_space<vmem>> -> memref<1x8x8x128xf32, #tpu.memory_space<vmem>>
    %dma_start3A_285 = tpu.memref_squeeze %dma_start3A_284 : memref<1x8x8x128xf32, #tpu.memory_space<vmem>> -> memref<8x8x128xf32, #tpu.memory_space<vmem>>
    %dma_start3A_286 = arith.constant 0 : i32
    %dma_start3A_287 = arith.constant 0 : i32
    %dma_start3A_288 = arith.constant 0 : i32
    %dma_start3A_289 = tpu.memref_slice %arg7[%dma_start3A_280, %dma_start3A_286, %add3A, %dma_start3A_287, %dma_start3A_288] : memref<200x8x32x8x128xf32, #tpu.memory_space<hbm>> -> memref<1x8x1x8x128xf32, #tpu.memory_space<hbm>>
    %dma_start3A_290 = tpu.memref_squeeze %dma_start3A_289 : memref<1x8x1x8x128xf32, #tpu.memory_space<hbm>> -> memref<8x8x128xf32, #tpu.memory_space<hbm>>
    %dma_start3A_291 = arith.constant 0 : i32
    %dma_start3A_292 = arith.constant 0 : i32
    %dma_start3A_293 = arith.constant 0 : i32
    %dma_start3A_294 = tpu.memref_slice %arg7[%dma_start3A_280, %dma_start3A_291, %add3A, %dma_start3A_292, %dma_start3A_293] : memref<200x8x32x8x128xf32, #tpu.memory_space<hbm>> -> memref<1x8x1x8x128xf32, #tpu.memory_space<hbm>>
    %dma_start3A_295 = tpu.memref_squeeze %dma_start3A_294 : memref<1x8x1x8x128xf32, #tpu.memory_space<hbm>> -> memref<8x8x128xf32, #tpu.memory_space<hbm>>
    %dma_start3A_296 = arith.constant 0 : i32
    %dma_start3A_297 = arith.constant 0 : i32
    %dma_start3A_298 = arith.constant 0 : i32
    %dma_start3A_299 = tpu.memref_slice %arg13[%dma_start3A_279, %dma_start3A_296, %dma_start3A_297, %dma_start3A_298] : memref<3x8x8x129xf32, #tpu.memory_space<vmem>> -> memref<1x8x8x128xf32, #tpu.memory_space<vmem>>
    %dma_start3A_300 = tpu.memref_squeeze %dma_start3A_299 : memref<1x8x8x128xf32, #tpu.memory_space<vmem>> -> memref<8x8x128xf32, #tpu.memory_space<vmem>>
    tpu.enqueue_dma source(%dma_start3A_300 : memref<8x8x128xf32, #tpu.memory_space<vmem>>) target(%dma_start3A_295 : memref<8x8x128xf32, #tpu.memory_space<hbm>>) target_semaphore(%arg18 : memref<!tpu.dma_semaphore, #tpu.memory_space<semaphore_mem>>)
    %dma_wait3A_301 = arith.constant 2 : i32
    %dma_wait3A_302 = arith.constant 197 : i32
    %dma_wait3A_303 = arith.constant 0 : i32
    %dma_wait3A_304 = arith.constant 0 : i32
    %dma_wait3A_305 = arith.constant 0 : i32
    %dma_wait3A_306 = tpu.memref_slice %arg13[%dma_wait3A_301, %dma_wait3A_303, %dma_wait3A_304, %dma_wait3A_305] : memref<3x8x8x129xf32, #tpu.memory_space<vmem>> -> memref<1x8x8x128xf32, #tpu.memory_space<vmem>>
    %dma_wait3A_307 = tpu.memref_squeeze %dma_wait3A_306 : memref<1x8x8x128xf32, #tpu.memory_space<vmem>> -> memref<8x8x128xf32, #tpu.memory_space<vmem>>
    %dma_wait3A_308 = arith.constant 0 : i32
    %dma_wait3A_309 = arith.constant 0 : i32
    %dma_wait3A_310 = arith.constant 0 : i32
    %dma_wait3A_311 = tpu.memref_slice %arg7[%dma_wait3A_302, %dma_wait3A_308, %add3A, %dma_wait3A_309, %dma_wait3A_310] : memref<200x8x32x8x128xf32, #tpu.memory_space<hbm>> -> memref<1x8x1x8x128xf32, #tpu.memory_space<hbm>>
    %dma_wait3A_312 = tpu.memref_squeeze %dma_wait3A_311 : memref<1x8x1x8x128xf32, #tpu.memory_space<hbm>> -> memref<8x8x128xf32, #tpu.memory_space<hbm>>
    %dma_wait3A_313 = arith.constant 0 : i32
    %dma_wait3A_314 = arith.constant 0 : i32
    %dma_wait3A_315 = arith.constant 0 : i32
    %dma_wait3A_316 = tpu.memref_slice %arg7[%dma_wait3A_302, %dma_wait3A_313, %add3A, %dma_wait3A_314, %dma_wait3A_315] : memref<200x8x32x8x128xf32, #tpu.memory_space<hbm>> -> memref<1x8x1x8x128xf32, #tpu.memory_space<hbm>>
    %dma_wait3A_317 = tpu.memref_squeeze %dma_wait3A_316 : memref<1x8x1x8x128xf32, #tpu.memory_space<hbm>> -> memref<8x8x128xf32, #tpu.memory_space<hbm>>
    %dma_wait3A_318 = arith.constant 0 : i32
    %dma_wait3A_319 = arith.constant 0 : i32
    %dma_wait3A_320 = arith.constant 0 : i32
    %dma_wait3A_321 = tpu.memref_slice %arg13[%dma_wait3A_301, %dma_wait3A_318, %dma_wait3A_319, %dma_wait3A_320] : memref<3x8x8x129xf32, #tpu.memory_space<vmem>> -> memref<1x8x8x128xf32, #tpu.memory_space<vmem>>
    %dma_wait3A_322 = tpu.memref_squeeze %dma_wait3A_321 : memref<1x8x8x128xf32, #tpu.memory_space<vmem>> -> memref<8x8x128xf32, #tpu.memory_space<vmem>>
    tpu.wait_dma2 semaphore(%arg19 : memref<!tpu.dma_semaphore, #tpu.memory_space<semaphore_mem>>) src(%dma_wait3A_322 : memref<8x8x128xf32, #tpu.memory_space<vmem>>) dst(%dma_wait3A_317 : memref<8x8x128xf32, #tpu.memory_space<hbm>>)
    %dma_wait3A_323 = arith.constant 0 : i32
    %dma_wait3A_324 = arith.constant 198 : i32
    %dma_wait3A_325 = arith.constant 0 : i32
    %dma_wait3A_326 = arith.constant 0 : i32
    %dma_wait3A_327 = arith.constant 0 : i32
    %dma_wait3A_328 = tpu.memref_slice %arg13[%dma_wait3A_323, %dma_wait3A_325, %dma_wait3A_326, %dma_wait3A_327] : memref<3x8x8x129xf32, #tpu.memory_space<vmem>> -> memref<1x8x8x128xf32, #tpu.memory_space<vmem>>
    %dma_wait3A_329 = tpu.memref_squeeze %dma_wait3A_328 : memref<1x8x8x128xf32, #tpu.memory_space<vmem>> -> memref<8x8x128xf32, #tpu.memory_space<vmem>>
    %dma_wait3A_330 = arith.constant 0 : i32
    %dma_wait3A_331 = arith.constant 0 : i32
    %dma_wait3A_332 = arith.constant 0 : i32
    %dma_wait3A_333 = tpu.memref_slice %arg7[%dma_wait3A_324, %dma_wait3A_330, %add3A, %dma_wait3A_331, %dma_wait3A_332] : memref<200x8x32x8x128xf32, #tpu.memory_space<hbm>> -> memref<1x8x1x8x128xf32, #tpu.memory_space<hbm>>
    %dma_wait3A_334 = tpu.memref_squeeze %dma_wait3A_333 : memref<1x8x1x8x128xf32, #tpu.memory_space<hbm>> -> memref<8x8x128xf32, #tpu.memory_space<hbm>>
    %dma_wait3A_335 = arith.constant 0 : i32
    %dma_wait3A_336 = arith.constant 0 : i32
    %dma_wait3A_337 = arith.constant 0 : i32
    %dma_wait3A_338 = tpu.memref_slice %arg7[%dma_wait3A_324, %dma_wait3A_335, %add3A, %dma_wait3A_336, %dma_wait3A_337] : memref<200x8x32x8x128xf32, #tpu.memory_space<hbm>> -> memref<1x8x1x8x128xf32, #tpu.memory_space<hbm>>
    %dma_wait3A_339 = tpu.memref_squeeze %dma_wait3A_338 : memref<1x8x1x8x128xf32, #tpu.memory_space<hbm>> -> memref<8x8x128xf32, #tpu.memory_space<hbm>>
    %dma_wait3A_340 = arith.constant 0 : i32
    %dma_wait3A_341 = arith.constant 0 : i32
    %dma_wait3A_342 = arith.constant 0 : i32
    %dma_wait3A_343 = tpu.memref_slice %arg13[%dma_wait3A_323, %dma_wait3A_340, %dma_wait3A_341, %dma_wait3A_342] : memref<3x8x8x129xf32, #tpu.memory_space<vmem>> -> memref<1x8x8x128xf32, #tpu.memory_space<vmem>>
    %dma_wait3A_344 = tpu.memref_squeeze %dma_wait3A_343 : memref<1x8x8x128xf32, #tpu.memory_space<vmem>> -> memref<8x8x128xf32, #tpu.memory_space<vmem>>
    tpu.wait_dma2 semaphore(%arg17 : memref<!tpu.dma_semaphore, #tpu.memory_space<semaphore_mem>>) src(%dma_wait3A_344 : memref<8x8x128xf32, #tpu.memory_space<vmem>>) dst(%dma_wait3A_339 : memref<8x8x128xf32, #tpu.memory_space<hbm>>)
    %dma_wait3A_345 = arith.constant 1 : i32
    %dma_wait3A_346 = arith.constant 199 : i32
    %dma_wait3A_347 = arith.constant 0 : i32
    %dma_wait3A_348 = arith.constant 0 : i32
    %dma_wait3A_349 = arith.constant 0 : i32
    %dma_wait3A_350 = tpu.memref_slice %arg13[%dma_wait3A_345, %dma_wait3A_347, %dma_wait3A_348, %dma_wait3A_349] : memref<3x8x8x129xf32, #tpu.memory_space<vmem>> -> memref<1x8x8x128xf32, #tpu.memory_space<vmem>>
    %dma_wait3A_351 = tpu.memref_squeeze %dma_wait3A_350 : memref<1x8x8x128xf32, #tpu.memory_space<vmem>> -> memref<8x8x128xf32, #tpu.memory_space<vmem>>
    %dma_wait3A_352 = arith.constant 0 : i32
    %dma_wait3A_353 = arith.constant 0 : i32
    %dma_wait3A_354 = arith.constant 0 : i32
    %dma_wait3A_355 = tpu.memref_slice %arg7[%dma_wait3A_346, %dma_wait3A_352, %add3A, %dma_wait3A_353, %dma_wait3A_354] : memref<200x8x32x8x128xf32, #tpu.memory_space<hbm>> -> memref<1x8x1x8x128xf32, #tpu.memory_space<hbm>>
    %dma_wait3A_356 = tpu.memref_squeeze %dma_wait3A_355 : memref<1x8x1x8x128xf32, #tpu.memory_space<hbm>> -> memref<8x8x128xf32, #tpu.memory_space<hbm>>
    %dma_wait3A_357 = arith.constant 0 : i32
    %dma_wait3A_358 = arith.constant 0 : i32
    %dma_wait3A_359 = arith.constant 0 : i32
    %dma_wait3A_360 = tpu.memref_slice %arg7[%dma_wait3A_346, %dma_wait3A_357, %add3A, %dma_wait3A_358, %dma_wait3A_359] : memref<200x8x32x8x128xf32, #tpu.memory_space<hbm>> -> memref<1x8x1x8x128xf32, #tpu.memory_space<hbm>>
    %dma_wait3A_361 = tpu.memref_squeeze %dma_wait3A_360 : memref<1x8x1x8x128xf32, #tpu.memory_space<hbm>> -> memref<8x8x128xf32, #tpu.memory_space<hbm>>
    %dma_wait3A_362 = arith.constant 0 : i32
    %dma_wait3A_363 = arith.constant 0 : i32
    %dma_wait3A_364 = arith.constant 0 : i32
    %dma_wait3A_365 = tpu.memref_slice %arg13[%dma_wait3A_345, %dma_wait3A_362, %dma_wait3A_363, %dma_wait3A_364] : memref<3x8x8x129xf32, #tpu.memory_space<vmem>> -> memref<1x8x8x128xf32, #tpu.memory_space<vmem>>
    %dma_wait3A_366 = tpu.memref_squeeze %dma_wait3A_365 : memref<1x8x8x128xf32, #tpu.memory_space<vmem>> -> memref<8x8x128xf32, #tpu.memory_space<vmem>>
    tpu.wait_dma2 semaphore(%arg18 : memref<!tpu.dma_semaphore, #tpu.memory_space<semaphore_mem>>) src(%dma_wait3A_366 : memref<8x8x128xf32, #tpu.memory_space<vmem>>) dst(%dma_wait3A_361 : memref<8x8x128xf32, #tpu.memory_space<hbm>>)
    return
  }
}

</mosaic_0001>

<sc_bundles>
// kernel: kernel.3.cloned.1.call-start
scs
__scs_entry_jumppad:
0x0: {  	(pc) =	sbr.rel $0x88, $3  }
0x1: {  	(tag) =	ssettag $0x0;
	lr =	simm.s32 $0x1  }
0x2: {  	[smem:$0x3F9C] =	sst lr;
	_ =	strace $0xD0000000  }
0x3: {  	_ = 	snop  }
0x4: {  	_ = 	snop  }
0x5: {  	_ = 	snop  }
0x6: {  	_ = 	snop  }
0x7: {  	_ = 	snop  }
__scs_overlays_trampoline_lowered:
0x8: {  	[smem:$0x3FAB] =	sst s0  }
0x9: {  	[smem:$0x3FAC] =	sst s1  }
0xa: {  	[smem:$0x3FAD] =	sst s2  }
0xb: {  	[smem:$0x3FAE] =	sst s3  }
0xc: {  	[smem:$0x3FAF] =	sst s4  }
0xd: {  	[smem:$0x3FB0] =	sst s5  }
0xe: {  	[smem:$0x3FB1] =	sst s6  }
0xf: {  	[smem:$0x3FB2] =	sst s7  }
0x10: {  	[smem:$0x3FB3] =	sst s8  }
0x11: {  	[smem:$0x3FB4] =	sst s9;
	s0 =	simm.s32 @!p0 $0x0  }
0x12: {  	s1 =	sld [smem:$0x3F9A];
	s0 =	simm.s32 @p0 $0x1  }
0x13: {  	[smem:$0x3FB5] =	sst s0;
	s0 =	simm.s32 @!p1 $0x0  }
0x14: {  	s2 =	sld [smem:$0x3F99];
	s0 =	simm.s32 @p1 $0x1  }
0x15: {  	[smem:$0x3FB6] =	sst s0;
	s0 =	simm.s32 @!p2 $0x0  }
0x16: {  	s3 =	sld [smem:$0x3FDB];
	s0 =	simm.s32 @p2 $0x1  }
0x17: {  	s4 =	simm.s32 $0x1BF5;
	[smem:$0x3FB8] =	sst s0  }
0x18: {  	s0 =	sld [smem:$0x3F9B];
	_ =	swait.ge [sflag:s4], $0x0  }
0x19: {  	s7 =	sld [smem:$0x3F9C]  }
0x1a: {  	s8 =	sadd.s32 $0xFFFFE003, lr  }
0x1b: {  	s9 =	sadd.s32 $0xFFFFFEF7, lr;
	s5 =	simm.s32 $0xFFFFFFFF;
	p2 =	slt.u32 s8, $0xFFFFF086  }
0x1c: {  	p1 =	slt.u32 s9, $0xF7A;
	s5 =	simm.s32 @!p2 $0x0  }
0x1d: {  	s5 =	simm.s32 @p1 $0x1;
	p0 =	seq.s32 s7, s2  }
0x1e: {  	s7 =	smul.u32 @!p0 $0xF7A, s2;
	p2 =	seq.s32 @!p0 s5, $0x0  }
0x1f: {  	s9 =	smul.u32 $0xF7A, s1;
	s8 =	simm.s32 @!p0 $0x1BF5;
	p2 =	por !p2, p0  }
0x20: {  	[sflag:s8] =	ssyncset.s32 @!p0 $0xFFFFF086;
	s6 =	sadd.s32 @!p0 s3, s7;
	s7 =	simm.s32 @!p0 $0x108  }
0x21: {  	s3 =	sadd.s32 s3, s9;
	s6 =	sadd.s32 @!p0 $0x88, s6;
	s7 =	simm.s32 @p2 $0x1082  }
0x22: {  	[simem:s7], [sflag:s8] =	dma.local @!p0 [hbm:s6], $0xF7A  }
0x23: {  	s9 =	sor.u32 $0xD0000000, s2;
	s6 =	simm.s32 $0x108;
	_ =	swait.ge @!p0 [sflag:s8], $0x0  }
0x24: {  	s3 =	sadd.s32 $0x88, s3;
	s6 =	simm.s32 @!p1 $0x1082;
	[sflag:s4] =	ssyncset.s32 $0xFFFFF086  }
0x25: {  	[simem:s6], [sflag:s4] =	dma.local [hbm:s3], $0xF7A  }
0x26: {  	[smem:$0x3F9C] =	sst s1;
	(tag) =	ssettag s2;
	_ =	strace s9  }
0x27: {  	s1 =	sld [smem:$0x3FAC]  }
0x28: {  	s2 =	sld [smem:$0x3FAD]  }
0x29: {  	s4 =	sld [smem:$0x3FAF]  }
0x2a: {  	p0 =	seq.s32 s5, $0x0;
	s5 =	sld [smem:$0x3FB0]  }
0x2b: {  	s6 =	sld [smem:$0x3FB1]  }
0x2c: {  	s7 =	sld [smem:$0x3FB2]  }
0x2d: {  	s3 =	simm.s32 $0x108;
	s8 =	sld [smem:$0x3FB3]  }
0x2e: {  	s3 =	simm.s32 @!p0 $0x1082;
	s9 =	sld [smem:$0x3FB4]  }
0x2f: {  	lr =	sadd.s32 s0, s3;
	s0 =	sld [smem:$0x3FAB]  }
0x30: {  	s3 =	sld [smem:$0x3FAE]  }
0x31: {  	[smem:$0x3FB7] =	sst s10  }
0x32: {  	s10 =	sld [smem:$0x3FB5];
	_ =	sdelay $0x3  }
0x33: {  	p0 =	seq.s32 s10, $0x1;
	s10 =	sld [smem:$0x3FB7];
	_ =	sdelay $0x3  }
0x34: {  	[smem:$0x3FB7] =	sst s10  }
0x35: {  	s10 =	sld [smem:$0x3FB6];
	_ =	sdelay $0x3  }
0x36: {  	p1 =	seq.s32 s10, $0x1;
	s10 =	sld [smem:$0x3FB7];
	_ =	sdelay $0x3  }
0x37: {  	[smem:$0x3FB7] =	sst s10  }
0x38: {  	s10 =	sld [smem:$0x3FB8]  }
0x39: {  	_ = 	snop;
	(pc) =	sbr.ind lr, $3  }
0x3a: {  	_ = 	snop  }
0x3b: {  	_ = 	snop  }
0x3c: {  	p2 =	seq.s32 s10, $0x1;
	s10 =	sld [smem:$0x3FB7]  }
0x3d: {  	_ =	shalt  }
0x3e: {  	_ =	shalt  }
0x3f: {  	_ =	shalt  }
0x40: {  	_ =	shalt  }
0x41: {  	_ =	shalt  }
0x42: {  	_ =	shalt  }
0x43: {  	_ =	shalt  }
0x44: {  	_ =	shalt  }
0x45: {  	_ =	shalt  }
0x46: {  	_ =	shalt  }
0x47: {  	_ =	shalt  }
0x48: {  	_ =	shalt  }
0x49: {  	_ =	shalt  }
0x4a: {  	_ =	shalt  }
0x4b: {  	_ =	shalt  }
0x4c: {  	_ =	shalt  }
0x4d: {  	_ =	shalt  }
0x4e: {  	_ =	shalt  }
0x4f: {  	_ =	shalt  }
0x50: {  	_ =	shalt  }
0x51: {  	_ =	shalt  }
0x52: {  	_ =	shalt  }
0x53: {  	_ =	shalt  }
0x54: {  	_ =	shalt  }
0x55: {  	_ =	shalt  }
0x56: {  	_ =	shalt  }
0x57: {  	_ =	shalt  }
0x58: {  	_ =	shalt  }
0x59: {  	_ =	shalt  }
0x5a: {  	_ =	shalt  }
0x5b: {  	_ =	shalt  }
0x5c: {  	_ =	shalt  }
0x5d: {  	_ =	shalt  }
0x5e: {  	_ =	shalt  }
0x5f: {  	_ =	shalt  }
0x60: {  	_ =	shalt  }
0x61: {  	_ =	shalt  }
0x62: {  	_ =	shalt  }
0x63: {  	_ =	shalt  }
0x64: {  	_ =	shalt  }
0x65: {  	_ =	shalt  }
0x66: {  	_ =	shalt  }
0x67: {  	_ =	shalt  }
0x68: {  	_ =	shalt  }
0x69: {  	_ =	shalt  }
0x6a: {  	_ =	shalt  }
0x6b: {  	_ =	shalt  }
0x6c: {  	_ =	shalt  }
0x6d: {  	_ =	shalt  }
0x6e: {  	_ =	shalt  }
0x6f: {  	_ =	shalt  }
0x70: {  	_ =	shalt  }
0x71: {  	_ =	shalt  }
0x72: {  	_ =	shalt  }
0x73: {  	_ =	shalt  }
0x74: {  	_ =	shalt  }
0x75: {  	_ =	shalt  }
0x76: {  	_ =	shalt  }
0x77: {  	_ =	shalt  }
0x78: {  	_ =	shalt  }
0x79: {  	_ =	shalt  }
0x7a: {  	_ =	shalt  }
0x7b: {  	_ =	shalt  }
0x7c: {  	_ =	shalt  }
0x7d: {  	_ =	shalt  }
0x7e: {  	_ =	shalt  }
0x7f: {  	_ =	shalt  }
0x80: {  	_ =	shalt  }
0x81: {  	_ =	shalt  }
0x82: {  	_ =	shalt  }
0x83: {  	_ =	shalt  }
0x84: {  	_ =	shalt  }
0x85: {  	_ =	shalt  }
0x86: {  	_ =	shalt  }
0x87: {  	_ =	shalt  }
.Lfunc_end0:
.L_simem_size_0:
called_computation_lowered:
.L_overlay_start_0:
0x88: {  	s2 =	sld [smem:$0x3FD9]  }
0x89: {  	s3 =	sld [smem:$0x3FFE];
	_ =	sdelay $0x1  }
0x8a: {  	s1 =	srdreg.scid  }
0x8b: {  	s0 =	sand.u32 $0x1, s1  }
0x8c: {  	s17 =	sshll.u32 s0, $0xA;
	s2 =	sadd.s32 s3, s2  }
0x8d: {  	s2 =	sadd.s32 s2, s17  }
0x8e: {  	[smem:$0x3FC3] =	sst s2  }
0x8f: {  	_ = 	snop  }
0x90: {  	s2 =	sld [smem:$0x3FD0];
	(tm) =	ssettm $0x1  }
0x91: {  	s18 =	sld [smem:$0x3FFB];
	_ =	sdelay $0x3  }
0x92: {  	_ =	strace s18  }
0x93: {  	s3 =	sld [smem:$0x3FFC];
	_ =	sdelay $0x3  }
0x94: {  	_ =	strace s3  }
0x95: {  	s3 =	sld [smem:$0x3FFD];
	_ =	sdelay $0x3  }
0x96: {  	_ =	strace s3  }
0x97: {  	_ =	strace $0x8FFFFFFF  }
0x98: {  	s19 =	sld [smem:$0x3FDB];
	_ =	sdelay $0x1  }
0x99: {  	s4 =	simm.s32 $_scs_section_size  }
0x9a: {  	s5 =	simm.s32 $_size__tile_overlayer_lowered;
	s6 =	simm.s32 $_tile_overlayer_lowered  }
0x9b: {  	s22 =	simm.s32 $0x1BFF;
	s21 =	sshll.u32 s6, $0x1;
	s3 =	sadd.s32 s4, s19  }
0x9c: {  	s7 =	simm.s32 $0x0;
	s20 =	sshll.u32 s5, $0x1;
	s5 =	sadd.s32 s21, s3  }
0x9d: {  	[timem:s7], [sflag:s22] =	dma.local [hbm:s5], s20  }
0x9e: {  	_ =	swait.ge [sflag:s22], s20  }
0x9f: {  	s4 =	ssub.s32 $0x0, s20;
	[sflag:s22] =	ssyncset.done $0x0  }
0xa0: {  	[sflag:s22] =	ssyncadd.s32 s4;
	_ =	sdelay $0x1  }
0xa1: {  	s23 =	simm.s32 $0x1B8B  }
0xa2: {  	_ =	swait.ge [sflag:s23], $0x1  }
0xa3: {  	[sflag:s23] =	ssyncset.done $0x0  }
0xa4: {  	s25 =	simm.s32 $0x1B8E;
	s24 =	sld [smem:$0x3FFE];
	[sflag:s23] =	ssyncadd.s32 $0xFFFFFFFF  }
0xa5: {  	s26 =	simm.s32 $execute0_lowered;
	[smem:$0x3FD2] =	sst s25  }
0xa6: {  	s5 =	sshll.u32 s26, $0x1;
	_ =	strace $0x80000046;
	[dreg:$0x1] =	wrdreg $0xFFFFFFFF  }
0xa7: {  	s28 =	simm.s32 $_size_execute0_lowered;
	s3 =	sadd.s32 s3, s5;
	[dreg:$0x0] =	wrdreg $0x0  }
0xa8: {  	s5 =	sshll.u32 s28, $0x1;
	[dreg:$0x2] =	wrdreg s3  }
0xa9: {  	[dreg:$0x3] =	wrdreg s5  }
0xaa: {  	[dreg:$0x4] =	wrdreg $0xC0  }
0xab: {  	_ =	task [dreg:s7], $0x5FFFF  }
0xac: {  	[dreg:$0x1] =	wrdreg $0xFFFFFFFF  }
0xad: {  	[dreg:$0x0] =	wrdreg $0x60  }
0xae: {  	[dreg:$0x2] =	wrdreg s24  }
0xaf: {  	[dreg:$0x3] =	wrdreg s2  }
0xb0: {  	[dreg:$0x4] =	wrdreg $0x9  }
0xb1: {  	_ =	task.clear_ibuf [dreg:s7], $0x5FFFF;
	_ =	strace $0x90000046  }
0xb2: {  	s29 =	simm.s32 $0x9;
	_ =	strace $0x80000048  }
0xb3: {  	_ =	swait.ge [sflag:s29], $0x1  }
0xb4: {  	[sflag:s29] =	ssyncadd.s32 $0xFFFFFFFF  }
0xb5: {  	_ =	strace $0x90000048  }
0xb6: {  	_ =	sfence  }
0xb7: {  	s30 =	sld [smem:$0x0];
	_ =	sdelay $0x2  }
0xb8: {  	s31 =	sshll.u32 s1, $0xD;
	s1 =	sshrl.u32 s1, $0x2  }
0xb9: {  	s3 =	sand.u32 $0x4000, s31;
	s1 =	sadd.s32 s1, s30  }
0xba: {  	s0 =	sor.u32 s3, s0;
	s1 =	sshll.u32 s1, $0x11  }
0xbb: {  	s0 =	sor.u32 s1, s0  }
0xbc: {  	s0 =	sadd.s32 $0x8F2B, s0  }
0xbd: {  	[sflag:s0] =	ssyncadd.remote.s32 $0x1  }
0xbe: {  	_ =	sfence.sel $0xFFFF  }
0xbf: {  	[dreg:$0x0] =	wrdreg $0xFFFFFFFF;
	(pc) =	sbr.abs _section_cstart, $3  }
0xc0: {  	[dreg:$0x1] =	wrdreg $0xFFFFFFFF  }
0xc1: {  	_ =	task.clear_ibuf [dreg:s7], $0x2FFFF;
	_ =	strace $0x9FFFFFFF  }
0xc2: {  	(tm) =	ssettm $0x7FFFFFFF  }
0xc3: {  	_ =	shalt  }
tec
execute0_lowered:
.L_overlay_start_1:
0x0: {  	(tag) =	ssettag $0x1  }
0x1: {  	s0 =	rddreg [dreg:$0x0];
	s1 =	srdreg.scid  }
0x2: {  	s3 =	stileid.u32;
	s2 =	rddreg [dreg:$0x1];
	s15 =	simm.s32 $0x80  }
0x3: {  	s18 =	simm.s32 $0xC800;
	s19 =	simm.s32 $0xF800;
	s20 =	simm.s32 $0xD800  }
0x4: {  	s22 =	simm.s32 $0x10800;
	s23 =	simm.s32 $0xE800;
	s28 =	simm.s32 $0x2  }
0x5: {  	s29 =	simm.s32 $0x17C00;
	s30 =	simm.s32 $0x3;
	s31 =	simm.s32 $0x19E00  }
0x6: {  	s21 =	simm.s32 $0x0;
	s1 =	sand.u32 $0x1, s1;
	s4 =	sshll.u32 s3, $0x1  }
0x7: {  	s3 =	simm.s32 $0x0;
	s5 =	sadd.s32 $0xE00, s0;
	s6 =	sor.u32 s1, s4  }
0x8: {  	[smem:$0x7FF] =	sst s3;
	s1 =	ssub.s32 $0x2, s1;
	s4 =	sshll.u32 s6, $0x4  }
0x9: {  	_ =	strace $0x80000047;
	s24 =	sshrl.u32 s1, $0x1;
	s8 =	sshll.u32 s6, $0x7  }
0xa: {  	s7 =	sadd.s32 s4, s0;
	s4 =	sadd.s32 $0x33E00, s0;
	s0 =	sadd.s32 $0x600, s0  }
0xb: {  	s9 =	sshll.u32 s6, $0xA;
	s26 =	sadd.s32 s8, s2;
	[dreg:$0x3] =	wrdreg s0  }
0xc: {  	v0 =	vlaneseq.u32;
	s0 =	ssub.s32 s1, s24;
	s25 =	sadd.s32 $0x1E00, s7;
	s7 =	sadd.s32 $0x1AE00, s7  }
0xd: {  	v0 =	vmul.u32 $0x88, v0;
	s10 =	sadd.s32 $0x630000, s26;
	s11 =	sadd.s32 $0x638000, s26;
	[dreg:$0x4] =	wrdreg s25  }
0xe: {  	s24 =	simm.s32 $0x11800;
	[dreg:$0x5] =	wrdreg s7;
	s0 =	smax.u32 s0, $0x1  }
0xf: {  	v1 =	vadd.s32 $0x880, v0;
	v2 =	vadd.s32 $0x1100, v0;
	v3 =	vadd.s32 $0x1980, v0;
	s26 =	simm.s32 $0x15A00;
	s25 =	simm.s32 $0x1;
	[dreg:$0x6] =	wrdreg s0  }
.LBB2_1:
0x10: {  	s0 =	rddreg [dreg:$0x3];
	s1 =	simm.s32 $0x12800;
	s13 =	simm.s32 $0x7  }
0x11: {  	[tilespmem:s1], [sflag:$0x7] =	stream.linear.gather [hbm4b:s0+s3], $0x3200, $0x38;
	[tilespmem:$0x1C000] =	vst v63  }
0x12: {  	_ =	swait.ge [sflag:s13], $0x3200  }
0x13: {  	[sflag:s13] =	ssyncset.done $0x0  }
0x14: {  	s6 =	simm.s32 $0x1000;
	s14 =	rddreg [dreg:$0x4];
	[sflag:s13] =	ssyncadd.s32 $0xFFFFCE00  }
0x15: {  	[tilespmem:s3], [sflag:$0x7] =	stream.strided.gather [hbm4b:s14+s15], $0x6400, s6, s15, $0x38;
	[tilespmem:$0x1C000] =	vst v63  }
0x16: {  	_ =	swait.ge [sflag:s13], $0x6400  }
0x17: {  	[sflag:s13] =	ssyncset.done $0x0  }
0x18: {  	s7 =	simm.s32 $0x6400;
	s16 =	rddreg [dreg:$0x5];
	[sflag:s13] =	ssyncadd.s32 $0xFFFF9C00  }
0x19: {  	[tilespmem:s7], [sflag:$0x7] =	stream.strided.gather [hbm4b:s16+s15], $0x6400, s6, s15, $0x38;
	[tilespmem:$0x1C000] =	vst v63  }
0x1a: {  	_ =	swait.ge [sflag:s13], $0x6400  }
0x1b: {  	[sflag:s13] =	ssyncset.done $0x0  }
0x1c: {  	[sflag:s13] =	ssyncadd.s32 $0xFFFF9C00  }
0x1d: {  	[tilespmem:s18], [sflag:$0x1] =	stream.indirect.gather [hbm4b:s4+s15], $0x20, s3, s15, $0xb8;
	[tilespmem:$0x1C000] =	vst v63  }
0x1e: {  	_ = 	snop  }
0x1f: {  	[tilespmem:s19], [sflag:$0x1] =	stream.indirect.gather [hbm4b:s5+s15], $0x20, s7, s15, $0xb8;
	[tilespmem:$0x1C000] =	vst v63  }
0x20: {  	_ = 	snop  }
0x21: {  	[tilespmem:s20], [sflag:$0x2] =	stream.indirect.gather [hbm4b:s4+s15], $0x20, s15, s15, $0xb8;
	[tilespmem:$0x1C000] =	vst v63  }
0x22: {  	s17 =	simm.s32 $0x6480;
	s16 =	simm.s32 $0x0  }
0x23: {  	[tilespmem:s22], [sflag:$0x2] =	stream.indirect.gather [hbm4b:s5+s15], $0x20, s17, s15, $0xb8;
	[tilespmem:$0x1C000] =	vst v63  }
.LBB2_2:
0x24: {  	s6 =	smul.u32 $0x3, s16;
	_ =	sdelay $0x1  }
0x25: {  	s17 =	sadd.s32 $0x2, s6  }
0x26: {  	s1 =	sshll.u32 s17, $0x7  }
0x27: {  	[tilespmem:s23], [sflag:$0x3] =	stream.indirect.gather [hbm4b:s4+s15], $0x20, s1, s15, $0xb8;
	[tilespmem:$0x1C000] =	vst v63  }
0x28: {  	s1 =	sadd.s32 $0x6400, s1  }
0x29: {  	[tilespmem:s24], [sflag:$0x3] =	stream.indirect.gather [hbm4b:s5+s15], $0x20, s1, s15, $0xb8;
	[tilespmem:$0x1C000] =	vst v63  }
0x2a: {  	_ =	swait.ge [sflag:s25], $0x1000  }
0x2b: {  	[sflag:s25] =	ssyncset.done $0x0  }
0x2c: {  	[sflag:s25] =	ssyncadd.s32 $0xFFFFF000  }
0x2d: {  	_ =	swait.ge [sflag:s25], $0x1000  }
0x2e: {  	p0 =	seq.s32 s16, $0x0;
	[sflag:s25] =	ssyncset.done $0x0  }
0x2f: {  	s1 =	simm.s32 @!p0 $0x4;
	[sflag:s25] =	ssyncadd.s32 $0xFFFFF000  }
0x30: {  	s7 =	smul.u32 $0x300, s16;
	_ =	swait.ge @!p0 [sflag:s1], $0x2000  }
0x31: {  	[sflag:s1] =	ssyncset.done @!p0 $0x0  }
0x32: {  	s7 =	sshra.s32 s7, $0x2;
	[sflag:s1] =	ssyncadd.s32 @!p0 $0xFFFFE000  }
0x33: {  	s13 =	simm.s32 $0xC840;
	s8 =	simm.s32 $0x3;
	v9 =	vld [tilespmem:s7+$0x12800]  }
0x34: {  	v4 =	vmov s8;
	v7 =	vld [tilespmem:s13+$0x20]  }
0x35: {  	v13 =	vand.u32 $0x7F, v4  }
0x36: {  	s14 =	simm.s32 $0x0;
	v8 =	vadd.s32 v0, v13;
	v6 =	vld [tilespmem:s7+$0x12810]  }
0x37: {  	s0 =	simm.s32 $0x1;
	s12 =	simm.s32 $0x2;
	v4 =	vmov s14;
	v10 =	vld [tilespmem:s13+$0xFFFFFFC0]  }
0x38: {  	v14 =	vmov s12;
	v12 =	vand.u32 $0x7C, v4;
	v4 =	vmov s0;
	v11 =	vld [tilespmem:s13+$0xFFFFFFE0]  }
0x39: {  	v15 =	vadd.s32 v0, v12;
	v19 =	vand.u32 $0x7D, v4;
	v16 =	vld [tilespmem:s13+$0x0];
	v7 =	vadd.f32 v7, v9  }
0x3a: {  	v20 =	vand.u32 $0x7E, v14;
	v17 =	vadd.s32 v0, v19;
	v5 =	vld [tilespmem:s7+$0x12820]  }
0x3b: {  	v14 =	vadd.s32 v0, v20;
	v4 =	vld [tilespmem:s7+$0x12830];
	[tilespmem:v8+s26+$0x0] =	vst.idx.msk $0xffff, v7  }
0x3c: {  	v7 =	vadd.f32 v10, v9;
	v8 =	vld [tilespmem:s13+$0x30]  }
0x3d: {  	v10 =	vadd.f32 v11, v9  }
0x3e: {  	v11 =	vadd.s32 v1, v13;
	[tilespmem:v15+s26+$0x0] =	vst.idx.msk $0xffff, v7;
	v7 =	vadd.f32 v16, v9  }
0x3f: {  	[tilespmem:v17+s26+$0x0] =	vst.idx.msk $0xffff, v10;
	v15 =	vld [tilespmem:s13+$0xFFFFFFD0]  }
0x40: {  	v10 =	vld [tilespmem:s13+$0xFFFFFFF0];
	[tilespmem:v14+s26+$0x0] =	vst.idx.msk $0xffff, v7  }
0x41: {  	v14 =	vld [tilespmem:s13+$0x10];
	v7 =	vadd.f32 v8, v6  }
0x42: {  	s14 =	simm.s32 $0xC8C0;
	v16 =	vadd.s32 v1, v19;
	s13 =	simm.s32 $0x7  }
0x43: {  	s12 =	simm.s32 $0x4;
	s0 =	simm.s32 $0xF840;
	v26 =	vadd.s32 v2, v13;
	v18 =	vld [tilespmem:s14+$0x20];
	v17 =	vadd.s32 v1, v20;
	[tilespmem:v11+s26+$0x0] =	vst.idx.msk $0xffff, v7;
	v7 =	vmov s13  }
0x44: {  	v21 =	vadd.s32 v1, v12;
	v8 =	vmov s12;
	v7 =	vand.u32 $0x7F, v7;
	v22 =	vld [tilespmem:s0+$0x20]  }
0x45: {  	s8 =	simm.s32 $0x5;
	v23 =	vld [tilespmem:s14+$0xFFFFFFC0];
	v8 =	vand.u32 $0x7C, v8;
	v10 =	vadd.f32 v10, v6;
	v24 =	vadd.s32 v0, v7  }
0x46: {  	v25 =	vld [tilespmem:s14+$0xFFFFFFE0];
	v15 =	vadd.f32 v15, v6;
	s13 =	simm.s32 $0x6;
	v11 =	vadd.f32 v14, v6;
	v14 =	vmov s8  }
0x47: {  	v27 =	vadd.s32 v0, v8;
	[tilespmem:v16+s26+$0x0] =	vst.idx.msk $0xffff, v10;
	v16 =	vmov s13;
	v10 =	vand.u32 $0x7D, v14;
	v14 =	vld [tilespmem:s14+$0x0]  }
0x48: {  	[tilespmem:v17+s26+$0x0] =	vst.idx.msk $0xffff, v11;
	v17 =	vadd.s32 v0, v10;
	v11 =	vand.u32 $0x7E, v16;
	v16 =	vadd.f32 v18, v9;
	v18 =	vld [tilespmem:s0+$0xFFFFFFE0]  }
0x49: {  	[tilespmem:v21+s26+$0x0] =	vst.idx.msk $0xffff, v15;
	v15 =	vadd.s32 v0, v11;
	v21 =	vld [tilespmem:s0+$0x0];
	v22 =	vadd.f32 v22, v5  }
0x4a: {  	v23 =	vadd.f32 v23, v9;
	[tilespmem:v24+s26+$0x0] =	vst.idx.msk $0xffff, v16;
	v16 =	vld [tilespmem:s0+$0xFFFFFFC0];
	v24 =	vadd.s32 v2, v19  }
0x4b: {  	v29 =	vadd.s32 v2, v20;
	v25 =	vadd.f32 v25, v9;
	v28 =	vld [tilespmem:s14+$0x30];
	[tilespmem:v26+s26+$0x0] =	vst.idx.msk $0xffff, v22  }
0x4c: {  	[tilespmem:v27+s26+$0x0] =	vst.idx.msk $0xffff, v23;
	v23 =	vadd.s32 v2, v12;
	v14 =	vadd.f32 v14, v9;
	v26 =	vld [tilespmem:s0+$0x30]  }
0x4d: {  	v27 =	vld [tilespmem:s14+$0xFFFFFFD0];
	[tilespmem:v17+s26+$0x0] =	vst.idx.msk $0xffff, v25;
	v25 =	vadd.s32 v1, v7;
	v18 =	vadd.f32 v18, v5  }
0x4e: {  	v31 =	vadd.s32 v3, v13;
	v30 =	vld [tilespmem:s14+$0xFFFFFFF0];
	[tilespmem:v15+s26+$0x0] =	vst.idx.msk $0xffff, v14;
	v14 =	vadd.f32 v21, v5  }
0x4f: {  	v22 =	vadd.s32 v1, v8;
	v17 =	vld [tilespmem:s14+$0x10];
	v13 =	vadd.f32 v16, v5;
	[tilespmem:v24+s26+$0x0] =	vst.idx.msk $0xffff, v18  }
0x50: {  	s12 =	simm.s32 $0x8;
	v21 =	vadd.s32 v1, v10;
	[tilespmem:v29+s26+$0x0] =	vst.idx.msk $0xffff, v14;
	v18 =	vadd.f32 v28, v6;
	v16 =	vld [tilespmem:s0+$0xFFFFFFF0]  }
0x51: {  	v24 =	vmov s12;
	v14 =	vadd.s32 v1, v11;
	v15 =	vld [tilespmem:s0+$0x10];
	[tilespmem:v23+s26+$0x0] =	vst.idx.msk $0xffff, v13;
	v63 =	vadd.f32 v26, v4  }
0x52: {  	s8 =	simm.s32 $0xC940;
	v19 =	vadd.s32 v3, v19;
	s14 =	simm.s32 $0xB;
	v13 =	vand.u32 $0x7C, v24;
	v24 =	vadd.f32 v27, v6;
	[tilespmem:v25+s26+$0x0] =	vst.idx.msk $0xffff, v18;
	v18 =	vld [tilespmem:s0+$0xFFFFFFD0]  }
0x53: {  	s7 =	simm.s32 $0xF8C0;
	v20 =	vadd.s32 v3, v20;
	s13 =	simm.s32 $0xC;
	v26 =	vmov s14;
	v23 =	vld [tilespmem:s8+$0x20];
	v25 =	vadd.f32 v30, v6;
	[tilespmem:v31+s26+$0x0] =	vst.idx.msk $0xffff, v63  }
.LBB2_3:
0x54: {  	p1 =	slt.u32 s13, $0x7C;
	s1 =	sadd.s32 $0x1, s12;
	v26 =	vand.u32 $0x7F, v26;
	[tilespmem:v22+s26+$0x0] =	vst.idx.msk $0xffff, v24;
	v17 =	vadd.f32 v17, v6;
	v22 =	vld [tilespmem:s7+$0x20];
	v24 =	vadd.s32 v3, v12  }
0x55: {  	v30 =	vmovc v11;
	v27 =	vld [tilespmem:s8+$0xFFFFFFC0];
	v28 =	vmov s1;
	s1 =	sadd.s32 $0x2, s12;
	v29 =	vadd.s32 v0, v26;
	[tilespmem:v21+s26+$0x0] =	vst.idx.msk $0xffff, v25;
	v16 =	vadd.f32 v16, v4;
	s12 =	smov.u32 s13  }
0x56: {  	v12 =	vmovc v8;
	v21 =	vld [tilespmem:s8+$0xFFFFFFE0];
	v11 =	vmov s1;
	[tilespmem:v14+s26+$0x0] =	vst.idx.msk $0xffff, v17;
	v14 =	vadd.s32 v2, v7;
	v15 =	vadd.f32 v15, v4  }
0x57: {  	v17 =	vadd.s32 v0, v13;
	v28 =	vand.u32 $0x7D, v28;
	v25 =	vld [tilespmem:s8+$0x0];
	v31 =	vadd.f32 v18, v4;
	[tilespmem:v19+s26+$0x0] =	vst.idx.msk $0xffff, v16  }
0x58: {  	v16 =	vadd.s32 v0, v28;
	v11 =	vand.u32 $0x7E, v11;
	v18 =	vadd.f32 v23, v9;
	v19 =	vld [tilespmem:s7+$0xFFFFFFE0];
	[tilespmem:v20+s26+$0x0] =	vst.idx.msk $0xffff, v15  }
0x59: {  	v8 =	vmov v13;
	v15 =	vadd.s32 v0, v11;
	v20 =	vld [tilespmem:s7+$0x0];
	v22 =	vadd.f32 v22, v5;
	[tilespmem:v24+s26+$0x0] =	vst.idx.msk $0xffff, v31  }
0x5a: {  	v23 =	vadd.s32 v2, v10;
	v13 =	vadd.f32 v27, v9;
	[tilespmem:v29+s26+$0x0] =	vst.idx.msk $0xffff, v18;
	v18 =	vld [tilespmem:s7+$0xFFFFFFC0]  }
0x5b: {  	v27 =	vadd.s32 v2, v30;
	v21 =	vadd.f32 v21, v9;
	v24 =	vld [tilespmem:s8+$0x30];
	[tilespmem:v14+s26+$0x0] =	vst.idx.msk $0xffff, v22  }
0x5c: {  	[tilespmem:v17+s26+$0x0] =	vst.idx.msk $0xffff, v13;
	v13 =	vadd.f32 v25, v9;
	v25 =	vadd.s32 v2, v12;
	v29 =	vld [tilespmem:s7+$0x30]  }
0x5d: {  	v32 =	vadd.s32 v1, v26;
	v31 =	vld [tilespmem:s8+$0xFFFFFFD0];
	[tilespmem:v16+s26+$0x0] =	vst.idx.msk $0xffff, v21;
	v14 =	vadd.f32 v19, v5  }
0x5e: {  	v34 =	vadd.s32 v3, v7;
	v7 =	vmov v26;
	v33 =	vld [tilespmem:s8+$0xFFFFFFF0];
	[tilespmem:v15+s26+$0x0] =	vst.idx.msk $0xffff, v13;
	v13 =	vadd.f32 v20, v5  }
.Ltmp0:
0x5f: {  	v22 =	vadd.s32 v1, v8;
	v17 =	vld [tilespmem:s8+$0x10];
	v15 =	vadd.f32 v18, v5;
	[tilespmem:v23+s26+$0x0] =	vst.idx.msk $0xffff, v14;
	(pc) =	sbr.rel @p1 .LBB2_3-.Ltmp0, $4  }
0x60: {  	v21 =	vadd.s32 v1, v28;
	v18 =	vadd.f32 v24, v6;
	v16 =	vld [tilespmem:s7+$0xFFFFFFF0];
	[tilespmem:v27+s26+$0x0] =	vst.idx.msk $0xffff, v13  }
0x61: {  	v14 =	vadd.s32 v1, v11;
	v13 =	vmov s13;
	[tilespmem:v25+s26+$0x0] =	vst.idx.msk $0xffff, v15;
	v15 =	vld [tilespmem:s7+$0x10];
	v27 =	vadd.f32 v29, v4  }
0x62: {  	s1 =	sadd.s32 $0x3, s13;
	v19 =	vadd.s32 v3, v10;
	s8 =	sadd.s32 $0x80, s8;
	v13 =	vand.u32 $0x7C, v13;
	v24 =	vadd.f32 v31, v6;
	[tilespmem:v32+s26+$0x0] =	vst.idx.msk $0xffff, v18;
	v18 =	vld [tilespmem:s7+$0xFFFFFFD0]  }
0x63: {  	v26 =	vmov s1;
	v10 =	vmovc v28;
	v20 =	vadd.s32 v3, v30;
	s13 =	sadd.s32 $0x4, s13;
	s7 =	sadd.s32 $0x80, s7;
	v23 =	vld [tilespmem:s8+$0x20];
	v25 =	vadd.f32 v33, v6;
	[tilespmem:v34+s26+$0x0] =	vst.idx.msk $0xffff, v27  }
0x64: {  	s1 =	sadd.s32 $0x1, s12  }
0x65: {  	v26 =	vand.u32 $0x7F, v26;
	s14 =	sadd.s32 $0x2, s12;
	v28 =	vld [tilespmem:s8+$0xFFFFFFE0];
	v27 =	vmov s1  }
0x66: {  	v31 =	vld [tilespmem:s8+$0x0];
	v29 =	vadd.s32 v0, v26;
	v30 =	vmov s14;
	v27 =	vand.u32 $0x7D, v27  }
0x67: {  	v32 =	vld [tilespmem:s8+$0xFFFFFFC0];
	v30 =	vand.u32 $0x7E, v30;
	v33 =	vadd.s32 v0, v27  }
0x68: {  	v34 =	vadd.s32 v0, v30  }
0x69: {  	[tilespmem:v22+s26+$0x0] =	vst.idx.msk $0xffff, v24;
	v44 =	vadd.s32 v0, v13;
	v23 =	vadd.f32 v23, v9  }
0x6a: {  	[tilespmem:v21+s26+$0x0] =	vst.idx.msk $0xffff, v25;
	v45 =	vadd.f32 v28, v9  }
0x6b: {  	v46 =	vadd.f32 v31, v9;
	[tilespmem:v29+s26+$0x0] =	vst.idx.msk $0xffff, v23  }
0x6c: {  	v47 =	vadd.f32 v32, v9;
	v48 =	vld [tilespmem:s8+$0x30];
	[tilespmem:v33+s26+$0x0] =	vst.idx.msk $0xffff, v45  }
0x6d: {  	v17 =	vadd.f32 v17, v6;
	v12 =	vadd.s32 v3, v12;
	[tilespmem:v34+s26+$0x0] =	vst.idx.msk $0xffff, v46;
	v21 =	vld [tilespmem:s8+$0xFFFFFFF0]  }
0x6e: {  	v16 =	vadd.f32 v16, v4;
	v49 =	vadd.s32 v1, v26;
	[tilespmem:v44+s26+$0x0] =	vst.idx.msk $0xffff, v47;
	v50 =	vld [tilespmem:s8+$0x10]  }
0x6f: {  	[tilespmem:v14+s26+$0x0] =	vst.idx.msk $0xffff, v17;
	v51 =	vadd.f32 v15, v4;
	v53 =	vadd.s32 v1, v27;
	v52 =	vld [tilespmem:s8+$0xFFFFFFD0]  }
0x70: {  	v54 =	vld [tilespmem:s7+$0x20];
	v18 =	vadd.f32 v18, v4;
	[tilespmem:v19+s26+$0x0] =	vst.idx.msk $0xffff, v16;
	v55 =	vadd.s32 v1, v30  }
0x71: {  	v57 =	vadd.s32 v1, v13;
	v60 =	vld [tilespmem:s7+$0x0];
	[tilespmem:v20+s26+$0x0] =	vst.idx.msk $0xffff, v51;
	v58 =	vadd.f32 v48, v6  }
0x72: {  	v59 =	vadd.s32 v2, v7;
	v56 =	vld [tilespmem:s7+$0xFFFFFFE0];
	[tilespmem:v12+s26+$0x0] =	vst.idx.msk $0xffff, v18;
	v61 =	vadd.f32 v21, v6  }
0x73: {  	s0 =	sadd.s32 $0x80, s7;
	v62 =	vld [tilespmem:s7+$0xFFFFFFC0];
	v29 =	vadd.s32 v2, v11;
	[tilespmem:v49+s26+$0x0] =	vst.idx.msk $0xffff, v58;
	v28 =	vadd.f32 v50, v6  }
0x74: {  	v63 =	vadd.s32 v2, v10;
	v31 =	vadd.f32 v52, v6;
	v32 =	vld [tilespmem:s0+$0x20];
	[tilespmem:v53+s26+$0x0] =	vst.idx.msk $0xffff, v61  }
0x75: {  	v33 =	vadd.f32 v54, v5;
	v34 =	vadd.s32 v2, v8;
	[tilespmem:v55+s26+$0x0] =	vst.idx.msk $0xffff, v28;
	v35 =	vld [tilespmem:s0+$0xFFFFFFE0]  }
0x76: {  	v37 =	vadd.s32 v2, v26;
	v39 =	vadd.f32 v60, v5;
	[tilespmem:v57+s26+$0x0] =	vst.idx.msk $0xffff, v31;
	v38 =	vld [tilespmem:s0+$0x0]  }
0x77: {  	v41 =	vadd.s32 v2, v27;
	v36 =	vadd.f32 v56, v5;
	[tilespmem:v59+s26+$0x0] =	vst.idx.msk $0xffff, v33;
	v40 =	vld [tilespmem:s0+$0xFFFFFFC0]  }
0x78: {  	v43 =	vadd.s32 v2, v30;
	v18 =	vadd.f32 v62, v5;
	v42 =	vld [tilespmem:s7+$0x30];
	[tilespmem:v29+s26+$0x0] =	vst.idx.msk $0xffff, v39  }
0x79: {  	v45 =	vadd.s32 v2, v13;
	[tilespmem:v63+s26+$0x0] =	vst.idx.msk $0xffff, v36;
	v47 =	vld [tilespmem:s7+$0x10];
	v44 =	vadd.f32 v32, v5  }
0x7a: {  	v46 =	vadd.s32 v3, v7;
	[tilespmem:v34+s26+$0x0] =	vst.idx.msk $0xffff, v18;
	v21 =	vld [tilespmem:s7+$0xFFFFFFF0];
	v9 =	vadd.f32 v35, v5  }
0x7b: {  	v18 =	vld [tilespmem:s7+$0xFFFFFFD0];
	v50 =	vadd.s32 v3, v11;
	[tilespmem:v37+s26+$0x0] =	vst.idx.msk $0xffff, v44;
	v49 =	vadd.f32 v38, v5  }
0x7c: {  	v48 =	vadd.s32 v3, v10;
	v5 =	vadd.f32 v40, v5;
	v12 =	vld [tilespmem:s0+$0x30];
	[tilespmem:v41+s26+$0x0] =	vst.idx.msk $0xffff, v9  }
0x7d: {  	v52 =	vadd.s32 v3, v8;
	v51 =	vadd.f32 v42, v4;
	[tilespmem:v43+s26+$0x0] =	vst.idx.msk $0xffff, v49;
	v53 =	vld [tilespmem:s0+$0xFFFFFFF0]  }
0x7e: {  	v55 =	vadd.s32 v3, v26;
	v56 =	vadd.f32 v47, v4;
	[tilespmem:v45+s26+$0x0] =	vst.idx.msk $0xffff, v5;
	v5 =	vld [tilespmem:s0+$0x10]  }
0x7f: {  	v58 =	vadd.s32 v3, v27;
	[tilespmem:v46+s26+$0x0] =	vst.idx.msk $0xffff, v51;
	v54 =	vadd.f32 v21, v4;
	v57 =	vld [tilespmem:s0+$0xFFFFFFD0]  }
0x80: {  	v60 =	vadd.s32 v3, v30;
	v59 =	vadd.f32 v18, v4;
	[tilespmem:v50+s26+$0x0] =	vst.idx.msk $0xffff, v56  }
0x81: {  	v62 =	vadd.s32 v3, v13;
	[tilespmem:v48+s26+$0x0] =	vst.idx.msk $0xffff, v54;
	v61 =	vadd.f32 v12, v4  }
0x82: {  	s7 =	smul.u32 $0xC0000, s16;
	[tilespmem:v52+s26+$0x0] =	vst.idx.msk $0xffff, v59;
	v63 =	vadd.f32 v53, v4  }
0x83: {  	[tilespmem:v55+s26+$0x0] =	vst.idx.msk $0xffff, v61;
	v5 =	vadd.f32 v5, v4  }
0x84: {  	s1 =	sor.u32 s9, s7;
	v4 =	vadd.f32 v57, v4;
	[tilespmem:v58+s26+$0x0] =	vst.idx.msk $0xffff, v63  }
0x85: {  	s1 =	sshrl.u32 s1, $0x3;
	[tilespmem:v60+s26+$0x0] =	vst.idx.msk $0xffff, v5  }
0x86: {  	s8 =	simm.s32 $0x15A00;
	s7 =	sadd.s32 s2, s1;
	[tilespmem:v62+s26+$0x0] =	vst.idx.msk $0xffff, v4  }
0x87: {  	[hbm4b:s7+s3] =	stream.linear.scatter [tilespmem:s8], [sflag:$0x4], $0x80, $0x38;
	[tilespmem:$0x1C000] =	vst v63  }
0x88: {  	s12 =	simm.s32 $0x15A88;
	s13 =	sadd.s32 $0x10, s7  }
0x89: {  	[hbm4b:s13+s3] =	stream.linear.scatter [tilespmem:s12], [sflag:$0x4], $0x80, $0x38;
	[tilespmem:$0x1C000] =	vst v63  }
0x8a: {  	s14 =	simm.s32 $0x15B10;
	s0 =	sadd.s32 $0x20, s7  }
0x8b: {  	[hbm4b:s0+s3] =	stream.linear.scatter [tilespmem:s14], [sflag:$0x4], $0x80, $0x38;
	[tilespmem:$0x1C000] =	vst v63  }
0x8c: {  	s12 =	simm.s32 $0x15B98;
	s13 =	sadd.s32 $0x30, s7  }
0x8d: {  	[hbm4b:s13+s3] =	stream.linear.scatter [tilespmem:s12], [sflag:$0x4], $0x80, $0x38;
	[tilespmem:$0x1C000] =	vst v63  }
0x8e: {  	s14 =	simm.s32 $0x15C20;
	s0 =	sadd.s32 $0x40, s7  }
0x8f: {  	[hbm4b:s0+s3] =	stream.linear.scatter [tilespmem:s14], [sflag:$0x4], $0x80, $0x38;
	[tilespmem:$0x1C000] =	vst v63  }
0x90: {  	s1 =	simm.s32 $0x440;
	s8 =	simm.s32 $0x15CA8;
	s12 =	sadd.s32 $0x50, s7  }
0x91: {  	[hbm4b:s12+s3] =	stream.linear.scatter [tilespmem:s8], [sflag:$0x4], $0x80, $0x38;
	[tilespmem:$0x1C000] =	vst v63  }
0x92: {  	s13 =	simm.s32 $0x15D30;
	s14 =	sadd.s32 $0x60, s7;
	s8 =	simm.s32 $0x2200  }
0x93: {  	[hbm4b:s14+s3] =	stream.linear.scatter [tilespmem:s13], [sflag:$0x4], $0x80, $0x38;
	[tilespmem:$0x1C000] =	vst v63  }
0x94: {  	s12 =	simm.s32 $0x15DB8;
	s13 =	sadd.s32 $0x70, s7;
	s7 =	sadd.s32 $0x1000, s7  }
.LBB2_5:
0x95: {  	[hbm4b:s13+s3] =	stream.linear.scatter [tilespmem:s12], [sflag:$0x4], $0x80, $0x38;
	[tilespmem:$0x1C000] =	vst v63  }
0x96: {  	s12 =	smov.u32 s1;
	s1 =	smov.u32 s8  }
0x97: {  	s0 =	sadd.s32 $0x1100, s8;
	s1 =	sshra.s32 s1, $0x2;
	s13 =	sadd.s32 $0x15A00, s12  }
0x98: {  	[hbm4b:s7+s3] =	stream.linear.scatter [tilespmem:s13], [sflag:$0x4], $0x80, $0x38;
	[tilespmem:$0x1C000] =	vst v63  }
0x99: {  	p1 =	sne.s32 s8, $0x7700;
	s8 =	sadd.s32 $0x15A88, s12;
	s13 =	sadd.s32 $0x10, s7  }
0x9a: {  	[hbm4b:s13+s3] =	stream.linear.scatter [tilespmem:s8], [sflag:$0x4], $0x80, $0x38;
	[tilespmem:$0x1C000] =	vst v63  }
0x9b: {  	s8 =	sadd.s32 $0x15B10, s12;
	s13 =	sadd.s32 $0x20, s7  }
0x9c: {  	[hbm4b:s13+s3] =	stream.linear.scatter [tilespmem:s8], [sflag:$0x4], $0x80, $0x38;
	[tilespmem:$0x1C000] =	vst v63  }
0x9d: {  	s8 =	sadd.s32 $0x15B98, s12;
	s13 =	sadd.s32 $0x30, s7  }
0x9e: {  	[hbm4b:s13+s3] =	stream.linear.scatter [tilespmem:s8], [sflag:$0x4], $0x80, $0x38;
	[tilespmem:$0x1C000] =	vst v63  }
0x9f: {  	s8 =	sadd.s32 $0x15C20, s12;
	s13 =	sadd.s32 $0x40, s7  }
0xa0: {  	[hbm4b:s13+s3] =	stream.linear.scatter [tilespmem:s8], [sflag:$0x4], $0x80, $0x38;
	[tilespmem:$0x1C000] =	vst v63  }
.Ltmp1:
0xa1: {  	s8 =	sadd.s32 $0x15CA8, s12;
	s13 =	sadd.s32 $0x50, s7;
	(pc) =	sbr.rel @p1 .LBB2_5-.Ltmp1, $4  }
0xa2: {  	[hbm4b:s13+s3] =	stream.linear.scatter [tilespmem:s8], [sflag:$0x4], $0x80, $0x38;
	[tilespmem:$0x1C000] =	vst v63  }
0xa3: {  	s8 =	sadd.s32 $0x15D30, s12;
	s13 =	sadd.s32 $0x60, s7;
	s12 =	sadd.s32 $0x15DB8, s12  }
0xa4: {  	[hbm4b:s13+s3] =	stream.linear.scatter [tilespmem:s8], [sflag:$0x4], $0x80, $0x38;
	[tilespmem:$0x1C000] =	vst v63  }
0xa5: {  	s13 =	sadd.s32 $0x70, s7;
	s7 =	sadd.s32 $0x1000, s7;
	s8 =	smov.u32 s0  }
0xa6: {  	[hbm4b:s13+s3] =	stream.linear.scatter [tilespmem:s12], [sflag:$0x4], $0x80, $0x38;
	[tilespmem:$0x1C000] =	vst v63  }
0xa7: {  	s0 =	sadd.s32 $0x15A00, s1  }
0xa8: {  	[hbm4b:s7+s3] =	stream.linear.scatter [tilespmem:s0], [sflag:$0x4], $0x80, $0x38;
	[tilespmem:$0x1C000] =	vst v63  }
0xa9: {  	s14 =	sadd.s32 $0x15A88, s1;
	s8 =	sadd.s32 $0x10, s7  }
0xaa: {  	[hbm4b:s8+s3] =	stream.linear.scatter [tilespmem:s14], [sflag:$0x4], $0x80, $0x38;
	[tilespmem:$0x1C000] =	vst v63  }
0xab: {  	s12 =	sadd.s32 $0x20, s7;
	s8 =	sadd.s32 $0x15B10, s1  }
0xac: {  	[hbm4b:s12+s3] =	stream.linear.scatter [tilespmem:s8], [sflag:$0x4], $0x80, $0x38;
	[tilespmem:$0x1C000] =	vst v63  }
0xad: {  	s13 =	sadd.s32 $0x15B98, s1;
	s14 =	sadd.s32 $0x30, s7  }
0xae: {  	[hbm4b:s14+s3] =	stream.linear.scatter [tilespmem:s13], [sflag:$0x4], $0x80, $0x38;
	[tilespmem:$0x1C000] =	vst v63  }
0xaf: {  	s8 =	sadd.s32 $0x15C20, s1;
	s12 =	sadd.s32 $0x40, s7  }
0xb0: {  	[hbm4b:s12+s3] =	stream.linear.scatter [tilespmem:s8], [sflag:$0x4], $0x80, $0x38;
	[tilespmem:$0x1C000] =	vst v63  }
0xb1: {  	s13 =	sadd.s32 $0x15CA8, s1;
	s14 =	sadd.s32 $0x50, s7  }
0xb2: {  	[hbm4b:s14+s3] =	stream.linear.scatter [tilespmem:s13], [sflag:$0x4], $0x80, $0x38;
	[tilespmem:$0x1C000] =	vst v63  }
0xb3: {  	s8 =	sadd.s32 $0x15D30, s1;
	s12 =	sadd.s32 $0x60, s7  }
0xb4: {  	[hbm4b:s12+s3] =	stream.linear.scatter [tilespmem:s8], [sflag:$0x4], $0x80, $0x38;
	[tilespmem:$0x1C000] =	vst v63  }
0xb5: {  	s13 =	sadd.s32 $0x15DB8, s1;
	s14 =	sadd.s32 $0x70, s7;
	s7 =	smul.u32 $0x180, s16  }
0xb6: {  	[hbm4b:s14+s3] =	stream.linear.scatter [tilespmem:s13], [sflag:$0x4], $0x80, $0x38;
	[tilespmem:$0x1C000] =	vst v63  }
0xb7: {  	s8 =	sadd.s32 $0x180, s7  }
0xb8: {  	[tilespmem:s18], [sflag:$0x1] =	stream.indirect.gather [hbm4b:s4+s15], $0x20, s8, s15, $0xb8;
	[tilespmem:$0x1C000] =	vst v63  }
0xb9: {  	s12 =	sadd.s32 $0x6580, s7  }
0xba: {  	[tilespmem:s19], [sflag:$0x1] =	stream.indirect.gather [hbm4b:s5+s15], $0x20, s12, s15, $0xb8;
	[tilespmem:$0x1C000] =	vst v63  }
0xbb: {  	_ =	swait.ge [sflag:s28], $0x1000  }
0xbc: {  	[sflag:s28] =	ssyncset.done $0x0  }
0xbd: {  	[sflag:s28] =	ssyncadd.s32 $0xFFFFF000  }
0xbe: {  	_ =	swait.ge [sflag:s28], $0x1000  }
0xbf: {  	[sflag:s28] =	ssyncset.done $0x0  }
0xc0: {  	s0 =	simm.s32 @!p0 $0x5;
	[sflag:s28] =	ssyncadd.s32 $0xFFFFF000  }
0xc1: {  	s6 =	sadd.s32 $0x1, s6;
	_ =	swait.ge @!p0 [sflag:s0], $0x2000  }
0xc2: {  	s13 =	sshll.u32 s6, $0x6;
	[sflag:s0] =	ssyncset.done @!p0 $0x0  }
0xc3: {  	[sflag:s0] =	ssyncadd.s32 @!p0 $0xFFFFE000;
	s0 =	sand.u32 $0x3FFFFFC0, s13  }
0xc4: {  	s1 =	simm.s32 $0xD870;
	s14 =	simm.s32 $0x3;
	v9 =	vld [tilespmem:s0+$0x12800]  }
0xc5: {  	v4 =	vmov s14;
	v7 =	vld [tilespmem:s1+$0xFFFFFFF0]  }
0xc6: {  	v13 =	vand.u32 $0x7F, v4  }
0xc7: {  	v8 =	vadd.s32 v0, v13;
	s12 =	simm.s32 $0x0;
	v6 =	vld [tilespmem:s0+$0x12810]  }
0xc8: {  	s14 =	simm.s32 $0x2;
	v4 =	vmov s12;
	s13 =	simm.s32 $0x1;
	v10 =	vld [tilespmem:s1+$0xFFFFFF90]  }
0xc9: {  	v14 =	vmov s14;
	v12 =	vand.u32 $0x7C, v4;
	v4 =	vmov s13;
	v11 =	vld [tilespmem:s1+$0xFFFFFFB0]  }
0xca: {  	v15 =	vadd.s32 v0, v12;
	v16 =	vld [tilespmem:s1+$0xFFFFFFD0];
	v19 =	vand.u32 $0x7D, v4;
	v7 =	vadd.f32 v7, v9  }
0xcb: {  	v20 =	vand.u32 $0x7E, v14;
	v5 =	vld [tilespmem:s0+$0x12820];
	v17 =	vadd.s32 v0, v19  }
0xcc: {  	v14 =	vadd.s32 v0, v20;
	v4 =	vld [tilespmem:s0+$0x12830];
	[tilespmem:v8+s29+$0x0] =	vst.idx.msk $0xffff, v7  }
0xcd: {  	v7 =	vadd.f32 v10, v9;
	v8 =	vld [tilespmem:s1+$0x0]  }
0xce: {  	v10 =	vadd.f32 v11, v9  }
0xcf: {  	v11 =	vadd.s32 v1, v13;
	[tilespmem:v15+s29+$0x0] =	vst.idx.msk $0xffff, v7;
	v7 =	vadd.f32 v16, v9  }
0xd0: {  	[tilespmem:v17+s29+$0x0] =	vst.idx.msk $0xffff, v10;
	v15 =	vld [tilespmem:s1+$0xFFFFFFA0]  }
0xd1: {  	v10 =	vld [tilespmem:s1+$0xFFFFFFC0];
	[tilespmem:v14+s29+$0x0] =	vst.idx.msk $0xffff, v7  }
0xd2: {  	v14 =	vld [tilespmem:s1+$0xFFFFFFE0];
	v7 =	vadd.f32 v8, v6  }
0xd3: {  	s14 =	simm.s32 $0xD8F0;
	s13 =	simm.s32 $0x7;
	v16 =	vadd.s32 v1, v19  }
0xd4: {  	v26 =	vadd.s32 v2, v13;
	s12 =	simm.s32 $0x4;
	v18 =	vld [tilespmem:s14+$0xFFFFFFF0];
	v17 =	vadd.s32 v1, v20;
	s1 =	simm.s32 $0x10870;
	[tilespmem:v11+s29+$0x0] =	vst.idx.msk $0xffff, v7;
	v7 =	vmov s13  }
0xd5: {  	v21 =	vadd.s32 v1, v12;
	v8 =	vmov s12;
	v7 =	vand.u32 $0x7F, v7;
	v22 =	vld [tilespmem:s1+$0xFFFFFFF0]  }
0xd6: {  	s8 =	simm.s32 $0x5;
	v23 =	vld [tilespmem:s14+$0xFFFFFF90];
	v8 =	vand.u32 $0x7C, v8;
	v10 =	vadd.f32 v10, v6;
	v24 =	vadd.s32 v0, v7  }
0xd7: {  	v25 =	vld [tilespmem:s14+$0xFFFFFFB0];
	v15 =	vadd.f32 v15, v6;
	s13 =	simm.s32 $0x6;
	v11 =	vadd.f32 v14, v6;
	v14 =	vmov s8  }
0xd8: {  	v27 =	vadd.s32 v0, v8;
	[tilespmem:v16+s29+$0x0] =	vst.idx.msk $0xffff, v10;
	v16 =	vmov s13;
	v10 =	vand.u32 $0x7D, v14;
	v14 =	vld [tilespmem:s14+$0xFFFFFFD0]  }
0xd9: {  	[tilespmem:v17+s29+$0x0] =	vst.idx.msk $0xffff, v11;
	v17 =	vadd.s32 v0, v10;
	v11 =	vand.u32 $0x7E, v16;
	v16 =	vadd.f32 v18, v9;
	v18 =	vld [tilespmem:s1+$0xFFFFFFB0]  }
0xda: {  	[tilespmem:v21+s29+$0x0] =	vst.idx.msk $0xffff, v15;
	v15 =	vadd.s32 v0, v11;
	v21 =	vld [tilespmem:s1+$0xFFFFFFD0];
	v22 =	vadd.f32 v22, v5  }
0xdb: {  	v23 =	vadd.f32 v23, v9;
	[tilespmem:v24+s29+$0x0] =	vst.idx.msk $0xffff, v16;
	v16 =	vld [tilespmem:s1+$0xFFFFFF90];
	v24 =	vadd.s32 v2, v19  }
0xdc: {  	v29 =	vadd.s32 v2, v20;
	v25 =	vadd.f32 v25, v9;
	v28 =	vld [tilespmem:s14+$0x0];
	[tilespmem:v26+s29+$0x0] =	vst.idx.msk $0xffff, v22  }
0xdd: {  	[tilespmem:v27+s29+$0x0] =	vst.idx.msk $0xffff, v23;
	v23 =	vadd.s32 v2, v12;
	v14 =	vadd.f32 v14, v9;
	v26 =	vld [tilespmem:s1+$0x0]  }
0xde: {  	v27 =	vld [tilespmem:s14+$0xFFFFFFA0];
	[tilespmem:v17+s29+$0x0] =	vst.idx.msk $0xffff, v25;
	v25 =	vadd.s32 v1, v7;
	v18 =	vadd.f32 v18, v5  }
0xdf: {  	v31 =	vadd.s32 v3, v13;
	v30 =	vld [tilespmem:s14+$0xFFFFFFC0];
	[tilespmem:v15+s29+$0x0] =	vst.idx.msk $0xffff, v14;
	v14 =	vadd.f32 v21, v5  }
0xe0: {  	v22 =	vadd.s32 v1, v8;
	v17 =	vld [tilespmem:s14+$0xFFFFFFE0];
	v13 =	vadd.f32 v16, v5;
	[tilespmem:v24+s29+$0x0] =	vst.idx.msk $0xffff, v18  }
0xe1: {  	s13 =	simm.s32 $0x8;
	v21 =	vadd.s32 v1, v10;
	[tilespmem:v29+s29+$0x0] =	vst.idx.msk $0xffff, v14;
	v18 =	vadd.f32 v28, v6;
	v16 =	vld [tilespmem:s1+$0xFFFFFFC0]  }
0xe2: {  	v24 =	vmov s13;
	v14 =	vadd.s32 v1, v11;
	v15 =	vld [tilespmem:s1+$0xFFFFFFE0];
	[tilespmem:v23+s29+$0x0] =	vst.idx.msk $0xffff, v13;
	v63 =	vadd.f32 v26, v4  }
0xe3: {  	s12 =	simm.s32 $0xD970;
	v19 =	vadd.s32 v3, v19;
	s14 =	simm.s32 $0xB;
	v13 =	vand.u32 $0x7C, v24;
	v24 =	vadd.f32 v27, v6;
	[tilespmem:v25+s29+$0x0] =	vst.idx.msk $0xffff, v18;
	v18 =	vld [tilespmem:s1+$0xFFFFFFA0]  }
0xe4: {  	v20 =	vadd.s32 v3, v20;
	s8 =	simm.s32 $0x108F0;
	v26 =	vmov s14;
	v23 =	vld [tilespmem:s12+$0xFFFFFFF0];
	s1 =	simm.s32 $0xC;
	v25 =	vadd.f32 v30, v6;
	[tilespmem:v31+s29+$0x0] =	vst.idx.msk $0xffff, v63  }
.LBB2_7:
0xe5: {  	p1 =	slt.u32 s1, $0x7C;
	s0 =	sadd.s32 $0x1, s13;
	v26 =	vand.u32 $0x7F, v26;
	[tilespmem:v22+s29+$0x0] =	vst.idx.msk $0xffff, v24;
	v17 =	vadd.f32 v17, v6;
	v22 =	vld [tilespmem:s8+$0xFFFFFFF0];
	v24 =	vadd.s32 v3, v12  }
0xe6: {  	v30 =	vmovc v11;
	v27 =	vld [tilespmem:s12+$0xFFFFFF90];
	v28 =	vmov s0;
	s0 =	sadd.s32 $0x2, s13;
	v29 =	vadd.s32 v0, v26;
	[tilespmem:v21+s29+$0x0] =	vst.idx.msk $0xffff, v25;
	v16 =	vadd.f32 v16, v4;
	s13 =	smov.u32 s1  }
0xe7: {  	v12 =	vmovc v8;
	v21 =	vld [tilespmem:s12+$0xFFFFFFB0];
	v11 =	vmov s0;
	[tilespmem:v14+s29+$0x0] =	vst.idx.msk $0xffff, v17;
	v14 =	vadd.s32 v2, v7;
	v15 =	vadd.f32 v15, v4  }
0xe8: {  	v17 =	vadd.s32 v0, v13;
	v28 =	vand.u32 $0x7D, v28;
	v25 =	vld [tilespmem:s12+$0xFFFFFFD0];
	v31 =	vadd.f32 v18, v4;
	[tilespmem:v19+s29+$0x0] =	vst.idx.msk $0xffff, v16  }
0xe9: {  	v16 =	vadd.s32 v0, v28;
	v11 =	vand.u32 $0x7E, v11;
	v18 =	vadd.f32 v23, v9;
	v19 =	vld [tilespmem:s8+$0xFFFFFFB0];
	[tilespmem:v20+s29+$0x0] =	vst.idx.msk $0xffff, v15  }
0xea: {  	v8 =	vmov v13;
	v15 =	vadd.s32 v0, v11;
	v20 =	vld [tilespmem:s8+$0xFFFFFFD0];
	v22 =	vadd.f32 v22, v5;
	[tilespmem:v24+s29+$0x0] =	vst.idx.msk $0xffff, v31  }
0xeb: {  	v23 =	vadd.s32 v2, v10;
	v13 =	vadd.f32 v27, v9;
	[tilespmem:v29+s29+$0x0] =	vst.idx.msk $0xffff, v18;
	v18 =	vld [tilespmem:s8+$0xFFFFFF90]  }
0xec: {  	v27 =	vadd.s32 v2, v30;
	v21 =	vadd.f32 v21, v9;
	v24 =	vld [tilespmem:s12+$0x0];
	[tilespmem:v14+s29+$0x0] =	vst.idx.msk $0xffff, v22  }
0xed: {  	[tilespmem:v17+s29+$0x0] =	vst.idx.msk $0xffff, v13;
	v13 =	vadd.f32 v25, v9;
	v25 =	vadd.s32 v2, v12;
	v29 =	vld [tilespmem:s8+$0x0]  }
0xee: {  	v32 =	vadd.s32 v1, v26;
	v31 =	vld [tilespmem:s12+$0xFFFFFFA0];
	[tilespmem:v16+s29+$0x0] =	vst.idx.msk $0xffff, v21;
	v14 =	vadd.f32 v19, v5  }
0xef: {  	v34 =	vadd.s32 v3, v7;
	v7 =	vmov v26;
	v33 =	vld [tilespmem:s12+$0xFFFFFFC0];
	[tilespmem:v15+s29+$0x0] =	vst.idx.msk $0xffff, v13;
	v13 =	vadd.f32 v20, v5  }
.Ltmp2:
0xf0: {  	v22 =	vadd.s32 v1, v8;
	v17 =	vld [tilespmem:s12+$0xFFFFFFE0];
	v15 =	vadd.f32 v18, v5;
	[tilespmem:v23+s29+$0x0] =	vst.idx.msk $0xffff, v14;
	(pc) =	sbr.rel @p1 .LBB2_7-.Ltmp2, $4  }
0xf1: {  	v21 =	vadd.s32 v1, v28;
	v18 =	vadd.f32 v24, v6;
	v16 =	vld [tilespmem:s8+$0xFFFFFFC0];
	[tilespmem:v27+s29+$0x0] =	vst.idx.msk $0xffff, v13  }
0xf2: {  	v14 =	vadd.s32 v1, v11;
	v13 =	vmov s1;
	[tilespmem:v25+s29+$0x0] =	vst.idx.msk $0xffff, v15;
	v15 =	vld [tilespmem:s8+$0xFFFFFFE0];
	v27 =	vadd.f32 v29, v4  }
0xf3: {  	s0 =	sadd.s32 $0x3, s1;
	v19 =	vadd.s32 v3, v10;
	s12 =	sadd.s32 $0x80, s12;
	v13 =	vand.u32 $0x7C, v13;
	v24 =	vadd.f32 v31, v6;
	[tilespmem:v32+s29+$0x0] =	vst.idx.msk $0xffff, v18;
	v18 =	vld [tilespmem:s8+$0xFFFFFFA0]  }
0xf4: {  	v26 =	vmov s0;
	v10 =	vmovc v28;
	v20 =	vadd.s32 v3, v30;
	s1 =	sadd.s32 $0x4, s1;
	s8 =	sadd.s32 $0x80, s8;
	v23 =	vld [tilespmem:s12+$0xFFFFFFF0];
	v25 =	vadd.f32 v33, v6;
	[tilespmem:v34+s29+$0x0] =	vst.idx.msk $0xffff, v27  }
0xf5: {  	s0 =	sadd.s32 $0x1, s13  }
0xf6: {  	v26 =	vand.u32 $0x7F, v26;
	s14 =	sadd.s32 $0x2, s13;
	v28 =	vld [tilespmem:s12+$0xFFFFFFB0];
	v27 =	vmov s0  }
0xf7: {  	v31 =	vld [tilespmem:s12+$0xFFFFFFD0];
	v29 =	vadd.s32 v0, v26;
	v30 =	vmov s14;
	v27 =	vand.u32 $0x7D, v27  }
0xf8: {  	v32 =	vld [tilespmem:s12+$0xFFFFFF90];
	v30 =	vand.u32 $0x7E, v30;
	v33 =	vadd.s32 v0, v27  }
0xf9: {  	v34 =	vadd.s32 v0, v30  }
0xfa: {  	[tilespmem:v22+s29+$0x0] =	vst.idx.msk $0xffff, v24;
	v44 =	vadd.s32 v0, v13;
	v23 =	vadd.f32 v23, v9  }
0xfb: {  	[tilespmem:v21+s29+$0x0] =	vst.idx.msk $0xffff, v25;
	v45 =	vadd.f32 v28, v9  }
0xfc: {  	v46 =	vadd.f32 v31, v9;
	[tilespmem:v29+s29+$0x0] =	vst.idx.msk $0xffff, v23  }
0xfd: {  	v47 =	vadd.f32 v32, v9;
	v48 =	vld [tilespmem:s12+$0x0];
	[tilespmem:v33+s29+$0x0] =	vst.idx.msk $0xffff, v45  }
0xfe: {  	v17 =	vadd.f32 v17, v6;
	v12 =	vadd.s32 v3, v12;
	[tilespmem:v34+s29+$0x0] =	vst.idx.msk $0xffff, v46;
	v21 =	vld [tilespmem:s12+$0xFFFFFFC0]  }
0xff: {  	v16 =	vadd.f32 v16, v4;
	v49 =	vadd.s32 v1, v26;
	[tilespmem:v44+s29+$0x0] =	vst.idx.msk $0xffff, v47;
	v50 =	vld [tilespmem:s12+$0xFFFFFFE0]  }
0x100: {  	[tilespmem:v14+s29+$0x0] =	vst.idx.msk $0xffff, v17;
	v51 =	vadd.f32 v15, v4;
	v53 =	vadd.s32 v1, v27;
	v52 =	vld [tilespmem:s12+$0xFFFFFFA0]  }
0x101: {  	v54 =	vld [tilespmem:s8+$0xFFFFFFF0];
	v18 =	vadd.f32 v18, v4;
	[tilespmem:v19+s29+$0x0] =	vst.idx.msk $0xffff, v16;
	v55 =	vadd.s32 v1, v30  }
0x102: {  	v57 =	vadd.s32 v1, v13;
	v60 =	vld [tilespmem:s8+$0xFFFFFFD0];
	[tilespmem:v20+s29+$0x0] =	vst.idx.msk $0xffff, v51;
	v58 =	vadd.f32 v48, v6  }
0x103: {  	v59 =	vadd.s32 v2, v7;
	v56 =	vld [tilespmem:s8+$0xFFFFFFB0];
	[tilespmem:v12+s29+$0x0] =	vst.idx.msk $0xffff, v18;
	v61 =	vadd.f32 v21, v6  }
0x104: {  	s1 =	sadd.s32 $0x80, s8;
	v62 =	vld [tilespmem:s8+$0xFFFFFF90];
	v29 =	vadd.s32 v2, v11;
	[tilespmem:v49+s29+$0x0] =	vst.idx.msk $0xffff, v58;
	v28 =	vadd.f32 v50, v6  }
0x105: {  	v63 =	vadd.s32 v2, v10;
	v31 =	vadd.f32 v52, v6;
	v32 =	vld [tilespmem:s1+$0xFFFFFFF0];
	[tilespmem:v53+s29+$0x0] =	vst.idx.msk $0xffff, v61  }
0x106: {  	v33 =	vadd.f32 v54, v5;
	v34 =	vadd.s32 v2, v8;
	[tilespmem:v55+s29+$0x0] =	vst.idx.msk $0xffff, v28;
	v35 =	vld [tilespmem:s1+$0xFFFFFFB0]  }
0x107: {  	v37 =	vadd.s32 v2, v26;
	v39 =	vadd.f32 v60, v5;
	[tilespmem:v57+s29+$0x0] =	vst.idx.msk $0xffff, v31;
	v38 =	vld [tilespmem:s1+$0xFFFFFFD0]  }
0x108: {  	v41 =	vadd.s32 v2, v27;
	v36 =	vadd.f32 v56, v5;
	[tilespmem:v59+s29+$0x0] =	vst.idx.msk $0xffff, v33;
	v40 =	vld [tilespmem:s1+$0xFFFFFF90]  }
0x109: {  	v43 =	vadd.s32 v2, v30;
	v18 =	vadd.f32 v62, v5;
	v42 =	vld [tilespmem:s8+$0x0];
	[tilespmem:v29+s29+$0x0] =	vst.idx.msk $0xffff, v39  }
0x10a: {  	v45 =	vadd.s32 v2, v13;
	[tilespmem:v63+s29+$0x0] =	vst.idx.msk $0xffff, v36;
	v47 =	vld [tilespmem:s8+$0xFFFFFFE0];
	v44 =	vadd.f32 v32, v5  }
0x10b: {  	v46 =	vadd.s32 v3, v7;
	[tilespmem:v34+s29+$0x0] =	vst.idx.msk $0xffff, v18;
	v21 =	vld [tilespmem:s8+$0xFFFFFFC0];
	v9 =	vadd.f32 v35, v5  }
0x10c: {  	v18 =	vld [tilespmem:s8+$0xFFFFFFA0];
	v50 =	vadd.s32 v3, v11;
	[tilespmem:v37+s29+$0x0] =	vst.idx.msk $0xffff, v44;
	v49 =	vadd.f32 v38, v5  }
0x10d: {  	v48 =	vadd.s32 v3, v10;
	v5 =	vadd.f32 v40, v5;
	v12 =	vld [tilespmem:s1+$0x0];
	[tilespmem:v41+s29+$0x0] =	vst.idx.msk $0xffff, v9  }
0x10e: {  	v52 =	vadd.s32 v3, v8;
	v51 =	vadd.f32 v42, v4;
	[tilespmem:v43+s29+$0x0] =	vst.idx.msk $0xffff, v49;
	v53 =	vld [tilespmem:s1+$0xFFFFFFC0]  }
0x10f: {  	v55 =	vadd.s32 v3, v26;
	v56 =	vadd.f32 v47, v4;
	[tilespmem:v45+s29+$0x0] =	vst.idx.msk $0xffff, v5;
	v5 =	vld [tilespmem:s1+$0xFFFFFFE0]  }
0x110: {  	v58 =	vadd.s32 v3, v27;
	[tilespmem:v46+s29+$0x0] =	vst.idx.msk $0xffff, v51;
	v54 =	vadd.f32 v21, v4;
	v57 =	vld [tilespmem:s1+$0xFFFFFFA0]  }
0x111: {  	v60 =	vadd.s32 v3, v30;
	v59 =	vadd.f32 v18, v4;
	[tilespmem:v50+s29+$0x0] =	vst.idx.msk $0xffff, v56  }
0x112: {  	v62 =	vadd.s32 v3, v13;
	[tilespmem:v48+s29+$0x0] =	vst.idx.msk $0xffff, v54;
	v61 =	vadd.f32 v12, v4  }
0x113: {  	[tilespmem:v52+s29+$0x0] =	vst.idx.msk $0xffff, v59;
	v63 =	vadd.f32 v53, v4  }
0x114: {  	s6 =	sshll.u32 s6, $0x12;
	[tilespmem:v55+s29+$0x0] =	vst.idx.msk $0xffff, v61;
	v5 =	vadd.f32 v5, v4  }
0x115: {  	s0 =	sor.u32 s9, s6;
	v4 =	vadd.f32 v57, v4;
	[tilespmem:v58+s29+$0x0] =	vst.idx.msk $0xffff, v63  }
0x116: {  	s0 =	sshrl.u32 s0, $0x3;
	[tilespmem:v60+s29+$0x0] =	vst.idx.msk $0xffff, v5  }
0x117: {  	s0 =	sadd.s32 s2, s0;
	s1 =	simm.s32 $0x17C00;
	[tilespmem:v62+s29+$0x0] =	vst.idx.msk $0xffff, v4  }
0x118: {  	[hbm4b:s0+s3] =	stream.linear.scatter [tilespmem:s1], [sflag:$0x5], $0x80, $0x38;
	[tilespmem:$0x1C000] =	vst v63  }
0x119: {  	s12 =	sadd.s32 $0x10, s0;
	s8 =	simm.s32 $0x17C88  }
0x11a: {  	[hbm4b:s12+s3] =	stream.linear.scatter [tilespmem:s8], [sflag:$0x5], $0x80, $0x38;
	[tilespmem:$0x1C000] =	vst v63  }
0x11b: {  	s13 =	simm.s32 $0x17D10;
	s14 =	sadd.s32 $0x20, s0  }
0x11c: {  	[hbm4b:s14+s3] =	stream.linear.scatter [tilespmem:s13], [sflag:$0x5], $0x80, $0x38;
	[tilespmem:$0x1C000] =	vst v63  }
0x11d: {  	s8 =	simm.s32 $0x17D98;
	s12 =	sadd.s32 $0x30, s0  }
0x11e: {  	[hbm4b:s12+s3] =	stream.linear.scatter [tilespmem:s8], [sflag:$0x5], $0x80, $0x38;
	[tilespmem:$0x1C000] =	vst v63  }
0x11f: {  	s13 =	simm.s32 $0x17E20;
	s14 =	sadd.s32 $0x40, s0  }
0x120: {  	[hbm4b:s14+s3] =	stream.linear.scatter [tilespmem:s13], [sflag:$0x5], $0x80, $0x38;
	[tilespmem:$0x1C000] =	vst v63  }
0x121: {  	s6 =	sadd.s32 $0x1000, s0;
	s8 =	simm.s32 $0x17EA8;
	s12 =	sadd.s32 $0x50, s0  }
0x122: {  	[hbm4b:s12+s3] =	stream.linear.scatter [tilespmem:s8], [sflag:$0x5], $0x80, $0x38;
	[tilespmem:$0x1C000] =	vst v63  }
0x123: {  	s1 =	simm.s32 $0x440;
	s13 =	simm.s32 $0x17F30;
	s14 =	sadd.s32 $0x60, s0  }
0x124: {  	[hbm4b:s14+s3] =	stream.linear.scatter [tilespmem:s13], [sflag:$0x5], $0x80, $0x38;
	[tilespmem:$0x1C000] =	vst v63  }
0x125: {  	s8 =	simm.s32 $0x2200;
	s12 =	simm.s32 $0x17FB8;
	s13 =	sadd.s32 $0x70, s0  }
.LBB2_9:
0x126: {  	[hbm4b:s13+s3] =	stream.linear.scatter [tilespmem:s12], [sflag:$0x5], $0x80, $0x38;
	[tilespmem:$0x1C000] =	vst v63  }
0x127: {  	s0 =	smov.u32 s1;
	s1 =	smov.u32 s8  }
0x128: {  	s14 =	sadd.s32 $0x1100, s8;
	s1 =	sshra.s32 s1, $0x2;
	s12 =	sadd.s32 $0x17C00, s0  }
0x129: {  	[hbm4b:s6+s3] =	stream.linear.scatter [tilespmem:s12], [sflag:$0x5], $0x80, $0x38;
	[tilespmem:$0x1C000] =	vst v63  }
0x12a: {  	p1 =	sne.s32 s8, $0x7700;
	s8 =	sadd.s32 $0x17C88, s0;
	s12 =	sadd.s32 $0x10, s6  }
0x12b: {  	[hbm4b:s12+s3] =	stream.linear.scatter [tilespmem:s8], [sflag:$0x5], $0x80, $0x38;
	[tilespmem:$0x1C000] =	vst v63  }
0x12c: {  	s8 =	sadd.s32 $0x17D10, s0;
	s12 =	sadd.s32 $0x20, s6  }
0x12d: {  	[hbm4b:s12+s3] =	stream.linear.scatter [tilespmem:s8], [sflag:$0x5], $0x80, $0x38;
	[tilespmem:$0x1C000] =	vst v63  }
0x12e: {  	s8 =	sadd.s32 $0x17D98, s0;
	s12 =	sadd.s32 $0x30, s6  }
0x12f: {  	[hbm4b:s12+s3] =	stream.linear.scatter [tilespmem:s8], [sflag:$0x5], $0x80, $0x38;
	[tilespmem:$0x1C000] =	vst v63  }
0x130: {  	s8 =	sadd.s32 $0x17E20, s0;
	s12 =	sadd.s32 $0x40, s6  }
0x131: {  	[hbm4b:s12+s3] =	stream.linear.scatter [tilespmem:s8], [sflag:$0x5], $0x80, $0x38;
	[tilespmem:$0x1C000] =	vst v63  }
.Ltmp3:
0x132: {  	s8 =	sadd.s32 $0x17EA8, s0;
	s12 =	sadd.s32 $0x50, s6;
	(pc) =	sbr.rel @p1 .LBB2_9-.Ltmp3, $4  }
0x133: {  	[hbm4b:s12+s3] =	stream.linear.scatter [tilespmem:s8], [sflag:$0x5], $0x80, $0x38;
	[tilespmem:$0x1C000] =	vst v63  }
0x134: {  	s13 =	sadd.s32 $0x70, s6;
	s8 =	sadd.s32 $0x17F30, s0;
	s12 =	sadd.s32 $0x60, s6  }
0x135: {  	[hbm4b:s12+s3] =	stream.linear.scatter [tilespmem:s8], [sflag:$0x5], $0x80, $0x38;
	[tilespmem:$0x1C000] =	vst v63  }
0x136: {  	s6 =	sadd.s32 $0x1000, s6;
	s12 =	sadd.s32 $0x17FB8, s0;
	s8 =	smov.u32 s14  }
0x137: {  	[hbm4b:s13+s3] =	stream.linear.scatter [tilespmem:s12], [sflag:$0x5], $0x80, $0x38;
	[tilespmem:$0x1C000] =	vst v63  }
0x138: {  	s0 =	sadd.s32 $0x17C00, s1  }
0x139: {  	[hbm4b:s6+s3] =	stream.linear.scatter [tilespmem:s0], [sflag:$0x5], $0x80, $0x38;
	[tilespmem:$0x1C000] =	vst v63  }
0x13a: {  	s14 =	sadd.s32 $0x17C88, s1;
	s8 =	sadd.s32 $0x10, s6  }
0x13b: {  	[hbm4b:s8+s3] =	stream.linear.scatter [tilespmem:s14], [sflag:$0x5], $0x80, $0x38;
	[tilespmem:$0x1C000] =	vst v63  }
0x13c: {  	s12 =	sadd.s32 $0x20, s6;
	s8 =	sadd.s32 $0x17D10, s1  }
0x13d: {  	[hbm4b:s12+s3] =	stream.linear.scatter [tilespmem:s8], [sflag:$0x5], $0x80, $0x38;
	[tilespmem:$0x1C000] =	vst v63  }
0x13e: {  	s13 =	sadd.s32 $0x17D98, s1;
	s14 =	sadd.s32 $0x30, s6  }
0x13f: {  	[hbm4b:s14+s3] =	stream.linear.scatter [tilespmem:s13], [sflag:$0x5], $0x80, $0x38;
	[tilespmem:$0x1C000] =	vst v63  }
0x140: {  	s8 =	sadd.s32 $0x17E20, s1;
	s12 =	sadd.s32 $0x40, s6  }
0x141: {  	[hbm4b:s12+s3] =	stream.linear.scatter [tilespmem:s8], [sflag:$0x5], $0x80, $0x38;
	[tilespmem:$0x1C000] =	vst v63  }
0x142: {  	s13 =	sadd.s32 $0x17EA8, s1;
	s14 =	sadd.s32 $0x50, s6  }
0x143: {  	[hbm4b:s14+s3] =	stream.linear.scatter [tilespmem:s13], [sflag:$0x5], $0x80, $0x38;
	[tilespmem:$0x1C000] =	vst v63  }
0x144: {  	s8 =	sadd.s32 $0x17F30, s1;
	s12 =	sadd.s32 $0x60, s6  }
0x145: {  	[hbm4b:s12+s3] =	stream.linear.scatter [tilespmem:s8], [sflag:$0x5], $0x80, $0x38;
	[tilespmem:$0x1C000] =	vst v63  }
0x146: {  	s13 =	sadd.s32 $0x17FB8, s1;
	s14 =	sadd.s32 $0x70, s6  }
0x147: {  	[hbm4b:s14+s3] =	stream.linear.scatter [tilespmem:s13], [sflag:$0x5], $0x80, $0x38;
	[tilespmem:$0x1C000] =	vst v63  }
0x148: {  	s1 =	sadd.s32 $0x200, s7  }
0x149: {  	[tilespmem:s20], [sflag:$0x2] =	stream.indirect.gather [hbm4b:s4+s15], $0x20, s1, s15, $0xb8;
	[tilespmem:$0x1C000] =	vst v63  }
0x14a: {  	s6 =	sadd.s32 $0x6600, s7  }
0x14b: {  	[tilespmem:s22], [sflag:$0x2] =	stream.indirect.gather [hbm4b:s5+s15], $0x20, s6, s15, $0xb8;
	[tilespmem:$0x1C000] =	vst v63  }
0x14c: {  	_ =	swait.ge [sflag:s30], $0x1000  }
0x14d: {  	[sflag:s30] =	ssyncset.done $0x0  }
0x14e: {  	[sflag:s30] =	ssyncadd.s32 $0xFFFFF000  }
0x14f: {  	_ =	swait.ge [sflag:s30], $0x1000  }
0x150: {  	[sflag:s30] =	ssyncset.done $0x0  }
0x151: {  	s0 =	simm.s32 @!p0 $0x6;
	[sflag:s30] =	ssyncadd.s32 $0xFFFFF000  }
0x152: {  	_ =	swait.ge @!p0 [sflag:s0], $0x2000  }
0x153: {  	s7 =	sshll.u32 s17, $0x6;
	[sflag:s0] =	ssyncset.done @!p0 $0x0  }
0x154: {  	[sflag:s0] =	ssyncadd.s32 @!p0 $0xFFFFE000;
	s0 =	sand.u32 $0x3FFFFFC0, s7  }
0x155: {  	s8 =	simm.s32 $0x3;
	s1 =	simm.s32 $0xE870;
	v9 =	vld [tilespmem:s0+$0x12800]  }
0x156: {  	v4 =	vmov s8;
	v7 =	vld [tilespmem:s1+$0xFFFFFFF0]  }
0x157: {  	v13 =	vand.u32 $0x7F, v4  }
0x158: {  	s12 =	simm.s32 $0x0;
	v8 =	vadd.s32 v0, v13;
	v6 =	vld [tilespmem:s0+$0x12810]  }
0x159: {  	v4 =	vmov s12;
	s13 =	simm.s32 $0x1;
	s14 =	simm.s32 $0x2;
	v10 =	vld [tilespmem:s1+$0xFFFFFF90]  }
0x15a: {  	v12 =	vand.u32 $0x7C, v4;
	v4 =	vmov s13;
	v14 =	vmov s14;
	v11 =	vld [tilespmem:s1+$0xFFFFFFB0]  }
0x15b: {  	v15 =	vadd.s32 v0, v12;
	v19 =	vand.u32 $0x7D, v4;
	v16 =	vld [tilespmem:s1+$0xFFFFFFD0];
	v7 =	vadd.f32 v7, v9  }
0x15c: {  	v20 =	vand.u32 $0x7E, v14;
	v17 =	vadd.s32 v0, v19;
	v5 =	vld [tilespmem:s0+$0x12820]  }
0x15d: {  	v14 =	vadd.s32 v0, v20;
	v4 =	vld [tilespmem:s0+$0x12830];
	[tilespmem:v8+s31+$0x0] =	vst.idx.msk $0xffff, v7  }
0x15e: {  	v7 =	vadd.f32 v10, v9;
	v8 =	vld [tilespmem:s1+$0x0]  }
0x15f: {  	v10 =	vadd.f32 v11, v9  }
0x160: {  	v11 =	vadd.s32 v1, v13;
	[tilespmem:v15+s31+$0x0] =	vst.idx.msk $0xffff, v7;
	v7 =	vadd.f32 v16, v9  }
0x161: {  	[tilespmem:v17+s31+$0x0] =	vst.idx.msk $0xffff, v10;
	v15 =	vld [tilespmem:s1+$0xFFFFFFA0]  }
0x162: {  	v10 =	vld [tilespmem:s1+$0xFFFFFFC0];
	[tilespmem:v14+s31+$0x0] =	vst.idx.msk $0xffff, v7  }
0x163: {  	v14 =	vld [tilespmem:s1+$0xFFFFFFE0];
	v7 =	vadd.f32 v8, v6  }
0x164: {  	s8 =	simm.s32 $0xE8F0;
	s7 =	simm.s32 $0x7;
	v16 =	vadd.s32 v1, v19  }
0x165: {  	v26 =	vadd.s32 v2, v13;
	s6 =	simm.s32 $0x4;
	v18 =	vld [tilespmem:s8+$0xFFFFFFF0];
	v17 =	vadd.s32 v1, v20;
	s1 =	simm.s32 $0x11870;
	[tilespmem:v11+s31+$0x0] =	vst.idx.msk $0xffff, v7;
	v7 =	vmov s7  }
0x166: {  	v21 =	vadd.s32 v1, v12;
	v8 =	vmov s6;
	v7 =	vand.u32 $0x7F, v7;
	v22 =	vld [tilespmem:s1+$0xFFFFFFF0]  }
0x167: {  	s12 =	simm.s32 $0x5;
	v23 =	vld [tilespmem:s8+$0xFFFFFF90];
	v8 =	vand.u32 $0x7C, v8;
	v10 =	vadd.f32 v10, v6;
	v24 =	vadd.s32 v0, v7  }
0x168: {  	s13 =	simm.s32 $0x6;
	v25 =	vld [tilespmem:s8+$0xFFFFFFB0];
	v15 =	vadd.f32 v15, v6;
	v11 =	vadd.f32 v14, v6;
	v14 =	vmov s12  }
0x169: {  	v27 =	vadd.s32 v0, v8;
	[tilespmem:v16+s31+$0x0] =	vst.idx.msk $0xffff, v10;
	v16 =	vmov s13;
	v10 =	vand.u32 $0x7D, v14;
	v14 =	vld [tilespmem:s8+$0xFFFFFFD0]  }
0x16a: {  	[tilespmem:v17+s31+$0x0] =	vst.idx.msk $0xffff, v11;
	v17 =	vadd.s32 v0, v10;
	v11 =	vand.u32 $0x7E, v16;
	v16 =	vadd.f32 v18, v9;
	v18 =	vld [tilespmem:s1+$0xFFFFFFB0]  }
0x16b: {  	[tilespmem:v21+s31+$0x0] =	vst.idx.msk $0xffff, v15;
	v15 =	vadd.s32 v0, v11;
	v21 =	vld [tilespmem:s1+$0xFFFFFFD0];
	v22 =	vadd.f32 v22, v5  }
0x16c: {  	v23 =	vadd.f32 v23, v9;
	[tilespmem:v24+s31+$0x0] =	vst.idx.msk $0xffff, v16;
	v16 =	vld [tilespmem:s1+$0xFFFFFF90];
	v24 =	vadd.s32 v2, v19  }
0x16d: {  	v29 =	vadd.s32 v2, v20;
	v25 =	vadd.f32 v25, v9;
	v28 =	vld [tilespmem:s8+$0x0];
	[tilespmem:v26+s31+$0x0] =	vst.idx.msk $0xffff, v22  }
0x16e: {  	[tilespmem:v27+s31+$0x0] =	vst.idx.msk $0xffff, v23;
	v23 =	vadd.s32 v2, v12;
	v14 =	vadd.f32 v14, v9;
	v26 =	vld [tilespmem:s1+$0x0]  }
0x16f: {  	v27 =	vld [tilespmem:s8+$0xFFFFFFA0];
	[tilespmem:v17+s31+$0x0] =	vst.idx.msk $0xffff, v25;
	v25 =	vadd.s32 v1, v7;
	v18 =	vadd.f32 v18, v5  }
0x170: {  	v31 =	vadd.s32 v3, v13;
	v30 =	vld [tilespmem:s8+$0xFFFFFFC0];
	[tilespmem:v15+s31+$0x0] =	vst.idx.msk $0xffff, v14;
	v14 =	vadd.f32 v21, v5  }
0x171: {  	v22 =	vadd.s32 v1, v8;
	v17 =	vld [tilespmem:s8+$0xFFFFFFE0];
	v13 =	vadd.f32 v16, v5;
	[tilespmem:v24+s31+$0x0] =	vst.idx.msk $0xffff, v18  }
0x172: {  	v21 =	vadd.s32 v1, v10;
	s8 =	simm.s32 $0x8;
	[tilespmem:v29+s31+$0x0] =	vst.idx.msk $0xffff, v14;
	v18 =	vadd.f32 v28, v6;
	v16 =	vld [tilespmem:s1+$0xFFFFFFC0]  }
0x173: {  	v24 =	vmov s8;
	v14 =	vadd.s32 v1, v11;
	v15 =	vld [tilespmem:s1+$0xFFFFFFE0];
	[tilespmem:v23+s31+$0x0] =	vst.idx.msk $0xffff, v13;
	v63 =	vadd.f32 v26, v4  }
0x174: {  	s14 =	simm.s32 $0xB;
	s7 =	simm.s32 $0xE970;
	v19 =	vadd.s32 v3, v19;
	v13 =	vand.u32 $0x7C, v24;
	v24 =	vadd.f32 v27, v6;
	[tilespmem:v25+s31+$0x0] =	vst.idx.msk $0xffff, v18;
	v18 =	vld [tilespmem:s1+$0xFFFFFFA0]  }
0x175: {  	v20 =	vadd.s32 v3, v20;
	s6 =	simm.s32 $0x118F0;
	v26 =	vmov s14;
	v23 =	vld [tilespmem:s7+$0xFFFFFFF0];
	s1 =	simm.s32 $0xC;
	v25 =	vadd.f32 v30, v6;
	[tilespmem:v31+s31+$0x0] =	vst.idx.msk $0xffff, v63  }
.LBB2_11:
0x176: {  	p0 =	slt.u32 s1, $0x7C;
	s0 =	sadd.s32 $0x1, s8;
	v26 =	vand.u32 $0x7F, v26;
	[tilespmem:v22+s31+$0x0] =	vst.idx.msk $0xffff, v24;
	v17 =	vadd.f32 v17, v6;
	v22 =	vld [tilespmem:s6+$0xFFFFFFF0];
	v24 =	vadd.s32 v3, v12  }
0x177: {  	v30 =	vmovc v11;
	v27 =	vld [tilespmem:s7+$0xFFFFFF90];
	v28 =	vmov s0;
	s0 =	sadd.s32 $0x2, s8;
	v29 =	vadd.s32 v0, v26;
	[tilespmem:v21+s31+$0x0] =	vst.idx.msk $0xffff, v25;
	v16 =	vadd.f32 v16, v4;
	s8 =	smov.u32 s1  }
0x178: {  	v12 =	vmovc v8;
	v21 =	vld [tilespmem:s7+$0xFFFFFFB0];
	v11 =	vmov s0;
	[tilespmem:v14+s31+$0x0] =	vst.idx.msk $0xffff, v17;
	v14 =	vadd.s32 v2, v7;
	v15 =	vadd.f32 v15, v4  }
0x179: {  	v17 =	vadd.s32 v0, v13;
	v28 =	vand.u32 $0x7D, v28;
	v25 =	vld [tilespmem:s7+$0xFFFFFFD0];
	v31 =	vadd.f32 v18, v4;
	[tilespmem:v19+s31+$0x0] =	vst.idx.msk $0xffff, v16  }
0x17a: {  	v16 =	vadd.s32 v0, v28;
	v11 =	vand.u32 $0x7E, v11;
	v18 =	vadd.f32 v23, v9;
	v19 =	vld [tilespmem:s6+$0xFFFFFFB0];
	[tilespmem:v20+s31+$0x0] =	vst.idx.msk $0xffff, v15  }
0x17b: {  	v8 =	vmov v13;
	v15 =	vadd.s32 v0, v11;
	v20 =	vld [tilespmem:s6+$0xFFFFFFD0];
	v22 =	vadd.f32 v22, v5;
	[tilespmem:v24+s31+$0x0] =	vst.idx.msk $0xffff, v31  }
0x17c: {  	v23 =	vadd.s32 v2, v10;
	v13 =	vadd.f32 v27, v9;
	[tilespmem:v29+s31+$0x0] =	vst.idx.msk $0xffff, v18;
	v18 =	vld [tilespmem:s6+$0xFFFFFF90]  }
0x17d: {  	v27 =	vadd.s32 v2, v30;
	v21 =	vadd.f32 v21, v9;
	v24 =	vld [tilespmem:s7+$0x0];
	[tilespmem:v14+s31+$0x0] =	vst.idx.msk $0xffff, v22  }
0x17e: {  	[tilespmem:v17+s31+$0x0] =	vst.idx.msk $0xffff, v13;
	v13 =	vadd.f32 v25, v9;
	v25 =	vadd.s32 v2, v12;
	v29 =	vld [tilespmem:s6+$0x0]  }
0x17f: {  	v32 =	vadd.s32 v1, v26;
	v31 =	vld [tilespmem:s7+$0xFFFFFFA0];
	[tilespmem:v16+s31+$0x0] =	vst.idx.msk $0xffff, v21;
	v14 =	vadd.f32 v19, v5  }
0x180: {  	v34 =	vadd.s32 v3, v7;
	v7 =	vmov v26;
	v33 =	vld [tilespmem:s7+$0xFFFFFFC0];
	[tilespmem:v15+s31+$0x0] =	vst.idx.msk $0xffff, v13;
	v13 =	vadd.f32 v20, v5  }
.Ltmp4:
0x181: {  	v22 =	vadd.s32 v1, v8;
	v17 =	vld [tilespmem:s7+$0xFFFFFFE0];
	v15 =	vadd.f32 v18, v5;
	[tilespmem:v23+s31+$0x0] =	vst.idx.msk $0xffff, v14;
	(pc) =	sbr.rel @p0 .LBB2_11-.Ltmp4, $4  }
0x182: {  	v21 =	vadd.s32 v1, v28;
	v18 =	vadd.f32 v24, v6;
	v16 =	vld [tilespmem:s6+$0xFFFFFFC0];
	[tilespmem:v27+s31+$0x0] =	vst.idx.msk $0xffff, v13  }
0x183: {  	v14 =	vadd.s32 v1, v11;
	v13 =	vmov s1;
	[tilespmem:v25+s31+$0x0] =	vst.idx.msk $0xffff, v15;
	v15 =	vld [tilespmem:s6+$0xFFFFFFE0];
	v27 =	vadd.f32 v29, v4  }
0x184: {  	s0 =	sadd.s32 $0x3, s1;
	v19 =	vadd.s32 v3, v10;
	s7 =	sadd.s32 $0x80, s7;
	v13 =	vand.u32 $0x7C, v13;
	v24 =	vadd.f32 v31, v6;
	[tilespmem:v32+s31+$0x0] =	vst.idx.msk $0xffff, v18;
	v18 =	vld [tilespmem:s6+$0xFFFFFFA0]  }
0x185: {  	v26 =	vmov s0;
	v10 =	vmovc v28;
	v20 =	vadd.s32 v3, v30;
	s1 =	sadd.s32 $0x4, s1;
	s6 =	sadd.s32 $0x80, s6;
	v23 =	vld [tilespmem:s7+$0xFFFFFFF0];
	v25 =	vadd.f32 v33, v6;
	[tilespmem:v34+s31+$0x0] =	vst.idx.msk $0xffff, v27  }
0x186: {  	s0 =	sadd.s32 $0x1, s8  }
0x187: {  	v26 =	vand.u32 $0x7F, v26;
	s14 =	sadd.s32 $0x2, s8;
	v28 =	vld [tilespmem:s7+$0xFFFFFFB0];
	v27 =	vmov s0  }
0x188: {  	v31 =	vld [tilespmem:s7+$0xFFFFFFD0];
	v29 =	vadd.s32 v0, v26;
	v30 =	vmov s14;
	v27 =	vand.u32 $0x7D, v27  }
0x189: {  	v32 =	vld [tilespmem:s7+$0xFFFFFF90];
	v30 =	vand.u32 $0x7E, v30;
	v33 =	vadd.s32 v0, v27  }
0x18a: {  	v34 =	vadd.s32 v0, v30  }
0x18b: {  	[tilespmem:v22+s31+$0x0] =	vst.idx.msk $0xffff, v24;
	v44 =	vadd.s32 v0, v13;
	v23 =	vadd.f32 v23, v9  }
0x18c: {  	[tilespmem:v21+s31+$0x0] =	vst.idx.msk $0xffff, v25;
	v45 =	vadd.f32 v28, v9  }
0x18d: {  	v46 =	vadd.f32 v31, v9;
	[tilespmem:v29+s31+$0x0] =	vst.idx.msk $0xffff, v23  }
0x18e: {  	v47 =	vadd.f32 v32, v9;
	v48 =	vld [tilespmem:s7+$0x0];
	[tilespmem:v33+s31+$0x0] =	vst.idx.msk $0xffff, v45  }
0x18f: {  	v17 =	vadd.f32 v17, v6;
	v12 =	vadd.s32 v3, v12;
	[tilespmem:v34+s31+$0x0] =	vst.idx.msk $0xffff, v46;
	v21 =	vld [tilespmem:s7+$0xFFFFFFC0]  }
0x190: {  	v16 =	vadd.f32 v16, v4;
	v49 =	vadd.s32 v1, v26;
	[tilespmem:v44+s31+$0x0] =	vst.idx.msk $0xffff, v47;
	v50 =	vld [tilespmem:s7+$0xFFFFFFE0]  }
0x191: {  	[tilespmem:v14+s31+$0x0] =	vst.idx.msk $0xffff, v17;
	v51 =	vadd.f32 v15, v4;
	v53 =	vadd.s32 v1, v27;
	v52 =	vld [tilespmem:s7+$0xFFFFFFA0]  }
0x192: {  	v54 =	vld [tilespmem:s6+$0xFFFFFFF0];
	v18 =	vadd.f32 v18, v4;
	[tilespmem:v19+s31+$0x0] =	vst.idx.msk $0xffff, v16;
	v55 =	vadd.s32 v1, v30  }
0x193: {  	v57 =	vadd.s32 v1, v13;
	v60 =	vld [tilespmem:s6+$0xFFFFFFD0];
	[tilespmem:v20+s31+$0x0] =	vst.idx.msk $0xffff, v51;
	v58 =	vadd.f32 v48, v6  }
0x194: {  	v59 =	vadd.s32 v2, v7;
	v56 =	vld [tilespmem:s6+$0xFFFFFFB0];
	[tilespmem:v12+s31+$0x0] =	vst.idx.msk $0xffff, v18;
	v61 =	vadd.f32 v21, v6  }
0x195: {  	s1 =	sadd.s32 $0x80, s6;
	v62 =	vld [tilespmem:s6+$0xFFFFFF90];
	v29 =	vadd.s32 v2, v11;
	[tilespmem:v49+s31+$0x0] =	vst.idx.msk $0xffff, v58;
	v28 =	vadd.f32 v50, v6  }
0x196: {  	v63 =	vadd.s32 v2, v10;
	v31 =	vadd.f32 v52, v6;
	v32 =	vld [tilespmem:s1+$0xFFFFFFF0];
	[tilespmem:v53+s31+$0x0] =	vst.idx.msk $0xffff, v61  }
0x197: {  	v33 =	vadd.f32 v54, v5;
	v34 =	vadd.s32 v2, v8;
	[tilespmem:v55+s31+$0x0] =	vst.idx.msk $0xffff, v28;
	v35 =	vld [tilespmem:s1+$0xFFFFFFB0]  }
0x198: {  	v37 =	vadd.s32 v2, v26;
	v39 =	vadd.f32 v60, v5;
	[tilespmem:v57+s31+$0x0] =	vst.idx.msk $0xffff, v31;
	v38 =	vld [tilespmem:s1+$0xFFFFFFD0]  }
0x199: {  	v41 =	vadd.s32 v2, v27;
	v36 =	vadd.f32 v56, v5;
	[tilespmem:v59+s31+$0x0] =	vst.idx.msk $0xffff, v33;
	v40 =	vld [tilespmem:s1+$0xFFFFFF90]  }
0x19a: {  	v43 =	vadd.s32 v2, v30;
	v18 =	vadd.f32 v62, v5;
	v42 =	vld [tilespmem:s6+$0x0];
	[tilespmem:v29+s31+$0x0] =	vst.idx.msk $0xffff, v39  }
0x19b: {  	v45 =	vadd.s32 v2, v13;
	[tilespmem:v63+s31+$0x0] =	vst.idx.msk $0xffff, v36;
	v47 =	vld [tilespmem:s6+$0xFFFFFFE0];
	v44 =	vadd.f32 v32, v5  }
0x19c: {  	v46 =	vadd.s32 v3, v7;
	[tilespmem:v34+s31+$0x0] =	vst.idx.msk $0xffff, v18;
	v21 =	vld [tilespmem:s6+$0xFFFFFFC0];
	v9 =	vadd.f32 v35, v5  }
0x19d: {  	v18 =	vld [tilespmem:s6+$0xFFFFFFA0];
	v50 =	vadd.s32 v3, v11;
	[tilespmem:v37+s31+$0x0] =	vst.idx.msk $0xffff, v44;
	v49 =	vadd.f32 v38, v5  }
0x19e: {  	v48 =	vadd.s32 v3, v10;
	v5 =	vadd.f32 v40, v5;
	v12 =	vld [tilespmem:s1+$0x0];
	[tilespmem:v41+s31+$0x0] =	vst.idx.msk $0xffff, v9  }
0x19f: {  	v52 =	vadd.s32 v3, v8;
	v51 =	vadd.f32 v42, v4;
	[tilespmem:v43+s31+$0x0] =	vst.idx.msk $0xffff, v49;
	v53 =	vld [tilespmem:s1+$0xFFFFFFC0]  }
0x1a0: {  	v55 =	vadd.s32 v3, v26;
	v56 =	vadd.f32 v47, v4;
	[tilespmem:v45+s31+$0x0] =	vst.idx.msk $0xffff, v5;
	v5 =	vld [tilespmem:s1+$0xFFFFFFE0]  }
0x1a1: {  	v58 =	vadd.s32 v3, v27;
	[tilespmem:v46+s31+$0x0] =	vst.idx.msk $0xffff, v51;
	v54 =	vadd.f32 v21, v4;
	v57 =	vld [tilespmem:s1+$0xFFFFFFA0]  }
0x1a2: {  	v60 =	vadd.s32 v3, v30;
	v59 =	vadd.f32 v18, v4;
	[tilespmem:v50+s31+$0x0] =	vst.idx.msk $0xffff, v56  }
0x1a3: {  	v62 =	vadd.s32 v3, v13;
	[tilespmem:v48+s31+$0x0] =	vst.idx.msk $0xffff, v54;
	v61 =	vadd.f32 v12, v4  }
0x1a4: {  	[tilespmem:v52+s31+$0x0] =	vst.idx.msk $0xffff, v59;
	v63 =	vadd.f32 v53, v4  }
0x1a5: {  	s6 =	sshll.u32 s17, $0x12;
	[tilespmem:v55+s31+$0x0] =	vst.idx.msk $0xffff, v61;
	v5 =	vadd.f32 v5, v4  }
0x1a6: {  	s0 =	sor.u32 s9, s6;
	v4 =	vadd.f32 v57, v4;
	[tilespmem:v58+s31+$0x0] =	vst.idx.msk $0xffff, v63  }
0x1a7: {  	s0 =	sshrl.u32 s0, $0x3;
	[tilespmem:v60+s31+$0x0] =	vst.idx.msk $0xffff, v5  }
0x1a8: {  	s0 =	sadd.s32 s2, s0;
	s1 =	simm.s32 $0x19E00;
	[tilespmem:v62+s31+$0x0] =	vst.idx.msk $0xffff, v4  }
0x1a9: {  	[hbm4b:s0+s3] =	stream.linear.scatter [tilespmem:s1], [sflag:$0x6], $0x80, $0x38;
	[tilespmem:$0x1C000] =	vst v63  }
0x1aa: {  	s7 =	simm.s32 $0x19E88;
	s8 =	sadd.s32 $0x10, s0  }
0x1ab: {  	[hbm4b:s8+s3] =	stream.linear.scatter [tilespmem:s7], [sflag:$0x6], $0x80, $0x38;
	[tilespmem:$0x1C000] =	vst v63  }
0x1ac: {  	s12 =	simm.s32 $0x19F10;
	s14 =	simm.s32 $0x19F98;
	s13 =	sadd.s32 $0x20, s0  }
0x1ad: {  	[hbm4b:s13+s3] =	stream.linear.scatter [tilespmem:s12], [sflag:$0x6], $0x80, $0x38;
	[tilespmem:$0x1C000] =	vst v63  }
0x1ae: {  	s17 =	sadd.s32 $0x30, s0;
	s6 =	sadd.s32 $0x1000, s0;
	s1 =	simm.s32 $0x440  }
0x1af: {  	[hbm4b:s17+s3] =	stream.linear.scatter [tilespmem:s14], [sflag:$0x6], $0x80, $0x38;
	[tilespmem:$0x1C000] =	vst v63  }
0x1b0: {  	s7 =	simm.s32 $0x1A020;
	s8 =	sadd.s32 $0x40, s0;
	s12 =	simm.s32 $0x1A0A8  }
0x1b1: {  	[hbm4b:s8+s3] =	stream.linear.scatter [tilespmem:s7], [sflag:$0x6], $0x80, $0x38;
	[tilespmem:$0x1C000] =	vst v63  }
0x1b2: {  	s13 =	sadd.s32 $0x50, s0;
	s14 =	simm.s32 $0x1A130;
	s17 =	sadd.s32 $0x60, s0  }
0x1b3: {  	[hbm4b:s13+s3] =	stream.linear.scatter [tilespmem:s12], [sflag:$0x6], $0x80, $0x38;
	[tilespmem:$0x1C000] =	vst v63  }
0x1b4: {  	s7 =	simm.s32 $0x2200;
	s8 =	simm.s32 $0x1A1B8;
	s12 =	sadd.s32 $0x70, s0  }
0x1b5: {  	[hbm4b:s17+s3] =	stream.linear.scatter [tilespmem:s14], [sflag:$0x6], $0x80, $0x38;
	[tilespmem:$0x1C000] =	vst v63  }
.LBB2_13:
0x1b6: {  	[hbm4b:s12+s3] =	stream.linear.scatter [tilespmem:s8], [sflag:$0x6], $0x80, $0x38;
	[tilespmem:$0x1C000] =	vst v63  }
0x1b7: {  	s0 =	smov.u32 s1;
	s1 =	smov.u32 s7  }
0x1b8: {  	s13 =	sadd.s32 $0x1100, s7;
	s1 =	sshra.s32 s1, $0x2;
	s8 =	sadd.s32 $0x19E00, s0  }
0x1b9: {  	[hbm4b:s6+s3] =	stream.linear.scatter [tilespmem:s8], [sflag:$0x6], $0x80, $0x38;
	[tilespmem:$0x1C000] =	vst v63  }
0x1ba: {  	p0 =	sne.s32 s7, $0x7700;
	s7 =	sadd.s32 $0x19E88, s0;
	s8 =	sadd.s32 $0x10, s6  }
0x1bb: {  	[hbm4b:s8+s3] =	stream.linear.scatter [tilespmem:s7], [sflag:$0x6], $0x80, $0x38;
	[tilespmem:$0x1C000] =	vst v63  }
0x1bc: {  	s7 =	sadd.s32 $0x19F10, s0;
	s8 =	sadd.s32 $0x20, s6  }
0x1bd: {  	[hbm4b:s8+s3] =	stream.linear.scatter [tilespmem:s7], [sflag:$0x6], $0x80, $0x38;
	[tilespmem:$0x1C000] =	vst v63  }
0x1be: {  	s7 =	sadd.s32 $0x19F98, s0;
	s8 =	sadd.s32 $0x30, s6  }
0x1bf: {  	[hbm4b:s8+s3] =	stream.linear.scatter [tilespmem:s7], [sflag:$0x6], $0x80, $0x38;
	[tilespmem:$0x1C000] =	vst v63  }
0x1c0: {  	s7 =	sadd.s32 $0x1A020, s0;
	s8 =	sadd.s32 $0x40, s6  }
0x1c1: {  	[hbm4b:s8+s3] =	stream.linear.scatter [tilespmem:s7], [sflag:$0x6], $0x80, $0x38;
	[tilespmem:$0x1C000] =	vst v63  }
.Ltmp5:
0x1c2: {  	s7 =	sadd.s32 $0x1A0A8, s0;
	s8 =	sadd.s32 $0x50, s6;
	(pc) =	sbr.rel @p0 .LBB2_13-.Ltmp5, $4  }
0x1c3: {  	[hbm4b:s8+s3] =	stream.linear.scatter [tilespmem:s7], [sflag:$0x6], $0x80, $0x38;
	[tilespmem:$0x1C000] =	vst v63  }
0x1c4: {  	s12 =	sadd.s32 $0x70, s6;
	s7 =	sadd.s32 $0x1A130, s0;
	s8 =	sadd.s32 $0x60, s6  }
0x1c5: {  	[hbm4b:s8+s3] =	stream.linear.scatter [tilespmem:s7], [sflag:$0x6], $0x80, $0x38;
	[tilespmem:$0x1C000] =	vst v63  }
0x1c6: {  	s6 =	sadd.s32 $0x1000, s6;
	s8 =	sadd.s32 $0x1A1B8, s0;
	s7 =	smov.u32 s13  }
0x1c7: {  	[hbm4b:s12+s3] =	stream.linear.scatter [tilespmem:s8], [sflag:$0x6], $0x80, $0x38;
	[tilespmem:$0x1C000] =	vst v63  }
0x1c8: {  	s0 =	sadd.s32 $0x19E00, s1  }
0x1c9: {  	[hbm4b:s6+s3] =	stream.linear.scatter [tilespmem:s0], [sflag:$0x6], $0x80, $0x38;
	[tilespmem:$0x1C000] =	vst v63  }
0x1ca: {  	s17 =	sadd.s32 $0x19E88, s1;
	s7 =	sadd.s32 $0x10, s6  }
0x1cb: {  	[hbm4b:s7+s3] =	stream.linear.scatter [tilespmem:s17], [sflag:$0x6], $0x80, $0x38;
	[tilespmem:$0x1C000] =	vst v63  }
0x1cc: {  	s8 =	sadd.s32 $0x20, s6;
	s7 =	sadd.s32 $0x19F10, s1  }
0x1cd: {  	[hbm4b:s8+s3] =	stream.linear.scatter [tilespmem:s7], [sflag:$0x6], $0x80, $0x38;
	[tilespmem:$0x1C000] =	vst v63  }
0x1ce: {  	s12 =	sadd.s32 $0x19F98, s1;
	s13 =	sadd.s32 $0x30, s6  }
0x1cf: {  	[hbm4b:s13+s3] =	stream.linear.scatter [tilespmem:s12], [sflag:$0x6], $0x80, $0x38;
	[tilespmem:$0x1C000] =	vst v63  }
0x1d0: {  	s14 =	sadd.s32 $0x1A020, s1;
	s16 =	sadd.s32 $0x1, s16;
	s17 =	sadd.s32 $0x40, s6  }
0x1d1: {  	[hbm4b:s17+s3] =	stream.linear.scatter [tilespmem:s14], [sflag:$0x6], $0x80, $0x38;
	[tilespmem:$0x1C000] =	vst v63  }
0x1d2: {  	p0 =	sne.s32 s16, $0x42;
	s7 =	sadd.s32 $0x1A0A8, s1;
	s8 =	sadd.s32 $0x50, s6  }
0x1d3: {  	[hbm4b:s8+s3] =	stream.linear.scatter [tilespmem:s7], [sflag:$0x6], $0x80, $0x38;
	[tilespmem:$0x1C000] =	vst v63  }
.Ltmp6:
0x1d4: {  	_ = 	snop;
	(pc) =	sbr.rel @p0 .LBB2_2-.Ltmp6, $4  }
0x1d5: {  	s12 =	sadd.s32 $0x1A130, s1;
	s13 =	sadd.s32 $0x60, s6  }
0x1d6: {  	[hbm4b:s13+s3] =	stream.linear.scatter [tilespmem:s12], [sflag:$0x6], $0x80, $0x38;
	[tilespmem:$0x1C000] =	vst v63  }
0x1d7: {  	s14 =	sadd.s32 $0x1A1B8, s1;
	s17 =	sadd.s32 $0x70, s6  }
0x1d8: {  	[hbm4b:s17+s3] =	stream.linear.scatter [tilespmem:s14], [sflag:$0x6], $0x80, $0x38;
	[tilespmem:$0x1C000] =	vst v63  }
0x1d9: {  	_ =	swait.ge [sflag:s25], $0x1000  }
0x1da: {  	[sflag:s25] =	ssyncset.done $0x0  }
0x1db: {  	[sflag:s25] =	ssyncadd.s32 $0xFFFFF000  }
0x1dc: {  	_ =	swait.ge [sflag:s25], $0x1000  }
0x1dd: {  	[sflag:s25] =	ssyncset.done $0x0  }
0x1de: {  	s14 =	simm.s32 $0x4;
	[sflag:s25] =	ssyncadd.s32 $0xFFFFF000  }
0x1df: {  	_ =	swait.ge [sflag:s14], $0x2000  }
0x1e0: {  	[sflag:s14] =	ssyncset.done $0x0  }
0x1e1: {  	[sflag:s14] =	ssyncadd.s32 $0xFFFFE000  }
0x1e2: {  	s0 =	simm.s32 $0xC840;
	s1 =	simm.s32 $0x3;
	v9 =	vld [tilespmem:$0x15980]  }
0x1e3: {  	v4 =	vmov s1;
	v7 =	vld [tilespmem:s0+$0x20]  }
0x1e4: {  	v13 =	vand.u32 $0x7F, v4  }
0x1e5: {  	s16 =	simm.s32 $0x0;
	v8 =	vadd.s32 v0, v13;
	v6 =	vld [tilespmem:$0x15990]  }
0x1e6: {  	s17 =	simm.s32 $0x1;
	s6 =	simm.s32 $0x2;
	v4 =	vmov s16;
	v10 =	vld [tilespmem:s0+$0xFFFFFFC0]  }
0x1e7: {  	v14 =	vmov s6;
	v12 =	vand.u32 $0x7C, v4;
	v4 =	vmov s17;
	v11 =	vld [tilespmem:s0+$0xFFFFFFE0]  }
0x1e8: {  	v15 =	vadd.s32 v0, v12;
	v19 =	vand.u32 $0x7D, v4;
	v16 =	vld [tilespmem:s0+$0x0];
	v7 =	vadd.f32 v7, v9  }
0x1e9: {  	v20 =	vand.u32 $0x7E, v14;
	v17 =	vadd.s32 v0, v19;
	v5 =	vld [tilespmem:$0x159A0]  }
0x1ea: {  	v14 =	vadd.s32 v0, v20;
	v4 =	vld [tilespmem:$0x159B0];
	[tilespmem:v8+s26+$0x0] =	vst.idx.msk $0xffff, v7  }
0x1eb: {  	v7 =	vadd.f32 v10, v9;
	v8 =	vld [tilespmem:s0+$0x30]  }
0x1ec: {  	v10 =	vadd.f32 v11, v9  }
0x1ed: {  	v11 =	vadd.s32 v1, v13;
	[tilespmem:v15+s26+$0x0] =	vst.idx.msk $0xffff, v7;
	v7 =	vadd.f32 v16, v9  }
0x1ee: {  	[tilespmem:v17+s26+$0x0] =	vst.idx.msk $0xffff, v10;
	v15 =	vld [tilespmem:s0+$0xFFFFFFD0]  }
0x1ef: {  	v10 =	vld [tilespmem:s0+$0xFFFFFFF0];
	[tilespmem:v14+s26+$0x0] =	vst.idx.msk $0xffff, v7  }
0x1f0: {  	v14 =	vld [tilespmem:s0+$0x10];
	v7 =	vadd.f32 v8, v6  }
0x1f1: {  	s8 =	simm.s32 $0x7;
	s7 =	simm.s32 $0xC8C0;
	v16 =	vadd.s32 v1, v19  }
0x1f2: {  	s12 =	simm.s32 $0xF840;
	s6 =	simm.s32 $0x4;
	v26 =	vadd.s32 v2, v13;
	v18 =	vld [tilespmem:s7+$0x20];
	v17 =	vadd.s32 v1, v20;
	[tilespmem:v11+s26+$0x0] =	vst.idx.msk $0xffff, v7;
	v7 =	vmov s8  }
0x1f3: {  	v21 =	vadd.s32 v1, v12;
	v8 =	vmov s6;
	v7 =	vand.u32 $0x7F, v7;
	v22 =	vld [tilespmem:s12+$0x20]  }
0x1f4: {  	s13 =	simm.s32 $0x5;
	v23 =	vld [tilespmem:s7+$0xFFFFFFC0];
	v8 =	vand.u32 $0x7C, v8;
	v10 =	vadd.f32 v10, v6;
	v24 =	vadd.s32 v0, v7  }
0x1f5: {  	s16 =	simm.s32 $0x6;
	v25 =	vld [tilespmem:s7+$0xFFFFFFE0];
	v15 =	vadd.f32 v15, v6;
	v11 =	vadd.f32 v14, v6;
	v14 =	vmov s13  }
0x1f6: {  	v27 =	vadd.s32 v0, v8;
	[tilespmem:v16+s26+$0x0] =	vst.idx.msk $0xffff, v10;
	v16 =	vmov s16;
	v10 =	vand.u32 $0x7D, v14;
	v14 =	vld [tilespmem:s7+$0x0]  }
0x1f7: {  	[tilespmem:v17+s26+$0x0] =	vst.idx.msk $0xffff, v11;
	v17 =	vadd.s32 v0, v10;
	v11 =	vand.u32 $0x7E, v16;
	v16 =	vadd.f32 v18, v9;
	v18 =	vld [tilespmem:s12+$0xFFFFFFE0]  }
0x1f8: {  	[tilespmem:v21+s26+$0x0] =	vst.idx.msk $0xffff, v15;
	v15 =	vadd.s32 v0, v11;
	v21 =	vld [tilespmem:s12+$0x0];
	v22 =	vadd.f32 v22, v5  }
0x1f9: {  	v23 =	vadd.f32 v23, v9;
	[tilespmem:v24+s26+$0x0] =	vst.idx.msk $0xffff, v16;
	v16 =	vld [tilespmem:s12+$0xFFFFFFC0];
	v24 =	vadd.s32 v2, v19  }
0x1fa: {  	v29 =	vadd.s32 v2, v20;
	v25 =	vadd.f32 v25, v9;
	v28 =	vld [tilespmem:s7+$0x30];
	[tilespmem:v26+s26+$0x0] =	vst.idx.msk $0xffff, v22  }
0x1fb: {  	[tilespmem:v27+s26+$0x0] =	vst.idx.msk $0xffff, v23;
	v23 =	vadd.s32 v2, v12;
	v14 =	vadd.f32 v14, v9;
	v26 =	vld [tilespmem:s12+$0x30]  }
0x1fc: {  	v27 =	vld [tilespmem:s7+$0xFFFFFFD0];
	[tilespmem:v17+s26+$0x0] =	vst.idx.msk $0xffff, v25;
	v25 =	vadd.s32 v1, v7;
	v18 =	vadd.f32 v18, v5  }
0x1fd: {  	v31 =	vadd.s32 v3, v13;
	v30 =	vld [tilespmem:s7+$0xFFFFFFF0];
	[tilespmem:v15+s26+$0x0] =	vst.idx.msk $0xffff, v14;
	v14 =	vadd.f32 v21, v5  }
0x1fe: {  	v22 =	vadd.s32 v1, v8;
	v17 =	vld [tilespmem:s7+$0x10];
	v13 =	vadd.f32 v16, v5;
	[tilespmem:v24+s26+$0x0] =	vst.idx.msk $0xffff, v18  }
0x1ff: {  	s8 =	simm.s32 $0x8;
	v21 =	vadd.s32 v1, v10;
	[tilespmem:v29+s26+$0x0] =	vst.idx.msk $0xffff, v14;
	v18 =	vadd.f32 v28, v6;
	v16 =	vld [tilespmem:s12+$0xFFFFFFF0]  }
0x200: {  	v24 =	vmov s8;
	v14 =	vadd.s32 v1, v11;
	v15 =	vld [tilespmem:s12+$0x10];
	[tilespmem:v23+s26+$0x0] =	vst.idx.msk $0xffff, v13;
	v63 =	vadd.f32 v26, v4  }
0x201: {  	s17 =	simm.s32 $0xB;
	v19 =	vadd.s32 v3, v19;
	s7 =	simm.s32 $0xC940;
	v13 =	vand.u32 $0x7C, v24;
	v24 =	vadd.f32 v27, v6;
	[tilespmem:v25+s26+$0x0] =	vst.idx.msk $0xffff, v18;
	v18 =	vld [tilespmem:s12+$0xFFFFFFD0]  }
0x202: {  	s1 =	simm.s32 $0xC;
	v20 =	vadd.s32 v3, v20;
	s6 =	simm.s32 $0xF8C0;
	v26 =	vmov s17;
	v23 =	vld [tilespmem:s7+$0x20];
	v25 =	vadd.f32 v30, v6;
	[tilespmem:v31+s26+$0x0] =	vst.idx.msk $0xffff, v63  }
.LBB2_16:
0x203: {  	p0 =	slt.u32 s1, $0x7C;
	s0 =	sadd.s32 $0x1, s8;
	v26 =	vand.u32 $0x7F, v26;
	[tilespmem:v22+s26+$0x0] =	vst.idx.msk $0xffff, v24;
	v17 =	vadd.f32 v17, v6;
	v22 =	vld [tilespmem:s6+$0x20];
	v24 =	vadd.s32 v3, v12  }
0x204: {  	v30 =	vmovc v11;
	v27 =	vld [tilespmem:s7+$0xFFFFFFC0];
	v28 =	vmov s0;
	s0 =	sadd.s32 $0x2, s8;
	v29 =	vadd.s32 v0, v26;
	[tilespmem:v21+s26+$0x0] =	vst.idx.msk $0xffff, v25;
	v16 =	vadd.f32 v16, v4;
	s8 =	smov.u32 s1  }
0x205: {  	v12 =	vmovc v8;
	v21 =	vld [tilespmem:s7+$0xFFFFFFE0];
	v11 =	vmov s0;
	[tilespmem:v14+s26+$0x0] =	vst.idx.msk $0xffff, v17;
	v14 =	vadd.s32 v2, v7;
	v15 =	vadd.f32 v15, v4  }
0x206: {  	v17 =	vadd.s32 v0, v13;
	v28 =	vand.u32 $0x7D, v28;
	v25 =	vld [tilespmem:s7+$0x0];
	v31 =	vadd.f32 v18, v4;
	[tilespmem:v19+s26+$0x0] =	vst.idx.msk $0xffff, v16  }
0x207: {  	v16 =	vadd.s32 v0, v28;
	v11 =	vand.u32 $0x7E, v11;
	v18 =	vadd.f32 v23, v9;
	v19 =	vld [tilespmem:s6+$0xFFFFFFE0];
	[tilespmem:v20+s26+$0x0] =	vst.idx.msk $0xffff, v15  }
0x208: {  	v8 =	vmov v13;
	v15 =	vadd.s32 v0, v11;
	v20 =	vld [tilespmem:s6+$0x0];
	v22 =	vadd.f32 v22, v5;
	[tilespmem:v24+s26+$0x0] =	vst.idx.msk $0xffff, v31  }
0x209: {  	v23 =	vadd.s32 v2, v10;
	v13 =	vadd.f32 v27, v9;
	[tilespmem:v29+s26+$0x0] =	vst.idx.msk $0xffff, v18;
	v18 =	vld [tilespmem:s6+$0xFFFFFFC0]  }
0x20a: {  	v27 =	vadd.s32 v2, v30;
	v21 =	vadd.f32 v21, v9;
	v24 =	vld [tilespmem:s7+$0x30];
	[tilespmem:v14+s26+$0x0] =	vst.idx.msk $0xffff, v22  }
0x20b: {  	[tilespmem:v17+s26+$0x0] =	vst.idx.msk $0xffff, v13;
	v13 =	vadd.f32 v25, v9;
	v25 =	vadd.s32 v2, v12;
	v29 =	vld [tilespmem:s6+$0x30]  }
0x20c: {  	v32 =	vadd.s32 v1, v26;
	v31 =	vld [tilespmem:s7+$0xFFFFFFD0];
	[tilespmem:v16+s26+$0x0] =	vst.idx.msk $0xffff, v21;
	v14 =	vadd.f32 v19, v5  }
0x20d: {  	v34 =	vadd.s32 v3, v7;
	v7 =	vmov v26;
	v33 =	vld [tilespmem:s7+$0xFFFFFFF0];
	[tilespmem:v15+s26+$0x0] =	vst.idx.msk $0xffff, v13;
	v13 =	vadd.f32 v20, v5  }
.Ltmp7:
0x20e: {  	v22 =	vadd.s32 v1, v8;
	v17 =	vld [tilespmem:s7+$0x10];
	v15 =	vadd.f32 v18, v5;
	[tilespmem:v23+s26+$0x0] =	vst.idx.msk $0xffff, v14;
	(pc) =	sbr.rel @p0 .LBB2_16-.Ltmp7, $4  }
0x20f: {  	v21 =	vadd.s32 v1, v28;
	v18 =	vadd.f32 v24, v6;
	v16 =	vld [tilespmem:s6+$0xFFFFFFF0];
	[tilespmem:v27+s26+$0x0] =	vst.idx.msk $0xffff, v13  }
0x210: {  	v14 =	vadd.s32 v1, v11;
	v13 =	vmov s1;
	[tilespmem:v25+s26+$0x0] =	vst.idx.msk $0xffff, v15;
	v15 =	vld [tilespmem:s6+$0x10];
	v27 =	vadd.f32 v29, v4  }
0x211: {  	s0 =	sadd.s32 $0x3, s1;
	v19 =	vadd.s32 v3, v10;
	s7 =	sadd.s32 $0x80, s7;
	v13 =	vand.u32 $0x7C, v13;
	v24 =	vadd.f32 v31, v6;
	[tilespmem:v32+s26+$0x0] =	vst.idx.msk $0xffff, v18;
	v18 =	vld [tilespmem:s6+$0xFFFFFFD0]  }
0x212: {  	v26 =	vmov s0;
	v10 =	vmovc v28;
	v20 =	vadd.s32 v3, v30;
	s1 =	sadd.s32 $0x4, s1;
	s6 =	sadd.s32 $0x80, s6;
	v23 =	vld [tilespmem:s7+$0x20];
	v25 =	vadd.f32 v33, v6;
	[tilespmem:v34+s26+$0x0] =	vst.idx.msk $0xffff, v27  }
0x213: {  	s0 =	sadd.s32 $0x1, s8  }
0x214: {  	v26 =	vand.u32 $0x7F, v26;
	s1 =	sadd.s32 $0x2, s8;
	v28 =	vld [tilespmem:s7+$0xFFFFFFE0];
	v27 =	vmov s0  }
0x215: {  	v31 =	vld [tilespmem:s7+$0x0];
	v29 =	vadd.s32 v0, v26;
	v30 =	vmov s1;
	v27 =	vand.u32 $0x7D, v27  }
0x216: {  	v32 =	vld [tilespmem:s7+$0xFFFFFFC0];
	v30 =	vand.u32 $0x7E, v30;
	v33 =	vadd.s32 v0, v27  }
0x217: {  	v34 =	vadd.s32 v0, v30  }
0x218: {  	[tilespmem:v22+s26+$0x0] =	vst.idx.msk $0xffff, v24;
	v44 =	vadd.s32 v0, v13;
	v23 =	vadd.f32 v23, v9  }
0x219: {  	[tilespmem:v21+s26+$0x0] =	vst.idx.msk $0xffff, v25;
	v45 =	vadd.f32 v28, v9  }
0x21a: {  	v46 =	vadd.f32 v31, v9;
	[tilespmem:v29+s26+$0x0] =	vst.idx.msk $0xffff, v23  }
0x21b: {  	v47 =	vadd.f32 v32, v9;
	v48 =	vld [tilespmem:s7+$0x30];
	[tilespmem:v33+s26+$0x0] =	vst.idx.msk $0xffff, v45  }
0x21c: {  	v17 =	vadd.f32 v17, v6;
	v12 =	vadd.s32 v3, v12;
	[tilespmem:v34+s26+$0x0] =	vst.idx.msk $0xffff, v46;
	v21 =	vld [tilespmem:s7+$0xFFFFFFF0]  }
0x21d: {  	v16 =	vadd.f32 v16, v4;
	v49 =	vadd.s32 v1, v26;
	[tilespmem:v44+s26+$0x0] =	vst.idx.msk $0xffff, v47;
	v50 =	vld [tilespmem:s7+$0x10]  }
0x21e: {  	[tilespmem:v14+s26+$0x0] =	vst.idx.msk $0xffff, v17;
	v51 =	vadd.f32 v15, v4;
	v53 =	vadd.s32 v1, v27;
	v52 =	vld [tilespmem:s7+$0xFFFFFFD0]  }
0x21f: {  	v54 =	vld [tilespmem:s6+$0x20];
	v18 =	vadd.f32 v18, v4;
	[tilespmem:v19+s26+$0x0] =	vst.idx.msk $0xffff, v16;
	v55 =	vadd.s32 v1, v30  }
0x220: {  	v57 =	vadd.s32 v1, v13;
	v60 =	vld [tilespmem:s6+$0x0];
	[tilespmem:v20+s26+$0x0] =	vst.idx.msk $0xffff, v51;
	v58 =	vadd.f32 v48, v6  }
0x221: {  	v59 =	vadd.s32 v2, v7;
	v56 =	vld [tilespmem:s6+$0xFFFFFFE0];
	[tilespmem:v12+s26+$0x0] =	vst.idx.msk $0xffff, v18;
	v61 =	vadd.f32 v21, v6  }
0x222: {  	s8 =	sadd.s32 $0x80, s6;
	v62 =	vld [tilespmem:s6+$0xFFFFFFC0];
	v29 =	vadd.s32 v2, v11;
	[tilespmem:v49+s26+$0x0] =	vst.idx.msk $0xffff, v58;
	v28 =	vadd.f32 v50, v6  }
0x223: {  	v63 =	vadd.s32 v2, v10;
	v31 =	vadd.f32 v52, v6;
	v32 =	vld [tilespmem:s8+$0x20];
	[tilespmem:v53+s26+$0x0] =	vst.idx.msk $0xffff, v61  }
0x224: {  	v33 =	vadd.f32 v54, v5;
	v34 =	vadd.s32 v2, v8;
	[tilespmem:v55+s26+$0x0] =	vst.idx.msk $0xffff, v28;
	v35 =	vld [tilespmem:s8+$0xFFFFFFE0]  }
0x225: {  	v37 =	vadd.s32 v2, v26;
	v39 =	vadd.f32 v60, v5;
	[tilespmem:v57+s26+$0x0] =	vst.idx.msk $0xffff, v31;
	v38 =	vld [tilespmem:s8+$0x0]  }
0x226: {  	v41 =	vadd.s32 v2, v27;
	v36 =	vadd.f32 v56, v5;
	[tilespmem:v59+s26+$0x0] =	vst.idx.msk $0xffff, v33;
	v40 =	vld [tilespmem:s8+$0xFFFFFFC0]  }
0x227: {  	v43 =	vadd.s32 v2, v30;
	v18 =	vadd.f32 v62, v5;
	v42 =	vld [tilespmem:s6+$0x30];
	[tilespmem:v29+s26+$0x0] =	vst.idx.msk $0xffff, v39  }
0x228: {  	v45 =	vadd.s32 v2, v13;
	[tilespmem:v63+s26+$0x0] =	vst.idx.msk $0xffff, v36;
	v47 =	vld [tilespmem:s6+$0x10];
	v44 =	vadd.f32 v32, v5  }
0x229: {  	v46 =	vadd.s32 v3, v7;
	[tilespmem:v34+s26+$0x0] =	vst.idx.msk $0xffff, v18;
	v21 =	vld [tilespmem:s6+$0xFFFFFFF0];
	v9 =	vadd.f32 v35, v5  }
0x22a: {  	v18 =	vld [tilespmem:s6+$0xFFFFFFD0];
	v50 =	vadd.s32 v3, v11;
	[tilespmem:v37+s26+$0x0] =	vst.idx.msk $0xffff, v44;
	v49 =	vadd.f32 v38, v5  }
0x22b: {  	v48 =	vadd.s32 v3, v10;
	v5 =	vadd.f32 v40, v5;
	v12 =	vld [tilespmem:s8+$0x30];
	[tilespmem:v41+s26+$0x0] =	vst.idx.msk $0xffff, v9  }
0x22c: {  	v52 =	vadd.s32 v3, v8;
	v51 =	vadd.f32 v42, v4;
	[tilespmem:v43+s26+$0x0] =	vst.idx.msk $0xffff, v49;
	v53 =	vld [tilespmem:s8+$0xFFFFFFF0]  }
0x22d: {  	v55 =	vadd.s32 v3, v26;
	v56 =	vadd.f32 v47, v4;
	[tilespmem:v45+s26+$0x0] =	vst.idx.msk $0xffff, v5;
	v5 =	vld [tilespmem:s8+$0x10]  }
0x22e: {  	v58 =	vadd.s32 v3, v27;
	[tilespmem:v46+s26+$0x0] =	vst.idx.msk $0xffff, v51;
	v54 =	vadd.f32 v21, v4;
	v57 =	vld [tilespmem:s8+$0xFFFFFFD0]  }
0x22f: {  	v60 =	vadd.s32 v3, v30;
	v59 =	vadd.f32 v18, v4;
	[tilespmem:v50+s26+$0x0] =	vst.idx.msk $0xffff, v56  }
0x230: {  	v62 =	vadd.s32 v3, v13;
	[tilespmem:v48+s26+$0x0] =	vst.idx.msk $0xffff, v54;
	v61 =	vadd.f32 v12, v4  }
0x231: {  	[tilespmem:v52+s26+$0x0] =	vst.idx.msk $0xffff, v59;
	v63 =	vadd.f32 v53, v4  }
0x232: {  	[tilespmem:v55+s26+$0x0] =	vst.idx.msk $0xffff, v61;
	v5 =	vadd.f32 v5, v4  }
0x233: {  	v4 =	vadd.f32 v57, v4;
	[tilespmem:v58+s26+$0x0] =	vst.idx.msk $0xffff, v63  }
0x234: {  	[tilespmem:v60+s26+$0x0] =	vst.idx.msk $0xffff, v5  }
0x235: {  	s12 =	simm.s32 $0x15A00;
	[tilespmem:v62+s26+$0x0] =	vst.idx.msk $0xffff, v4  }
0x236: {  	[hbm4b:s10+s3] =	stream.linear.scatter [tilespmem:s12], [sflag:$0x4], $0x80, $0x38;
	[tilespmem:$0x1C000] =	vst v63  }
0x237: {  	s13 =	simm.s32 $0x15A88;
	s1 =	sadd.s32 $0x10, s10  }
0x238: {  	[hbm4b:s1+s3] =	stream.linear.scatter [tilespmem:s13], [sflag:$0x4], $0x80, $0x38;
	[tilespmem:$0x1C000] =	vst v63  }
0x239: {  	s16 =	simm.s32 $0x15B10;
	s17 =	sadd.s32 $0x20, s10  }
0x23a: {  	[hbm4b:s17+s3] =	stream.linear.scatter [tilespmem:s16], [sflag:$0x4], $0x80, $0x38;
	[tilespmem:$0x1C000] =	vst v63  }
0x23b: {  	s6 =	sadd.s32 $0x30, s10;
	s1 =	simm.s32 $0x15B98  }
0x23c: {  	[hbm4b:s6+s3] =	stream.linear.scatter [tilespmem:s1], [sflag:$0x4], $0x80, $0x38;
	[tilespmem:$0x1C000] =	vst v63  }
0x23d: {  	s7 =	simm.s32 $0x15C20;
	s8 =	sadd.s32 $0x40, s10;
	s12 =	simm.s32 $0x15CA8  }
0x23e: {  	[hbm4b:s8+s3] =	stream.linear.scatter [tilespmem:s7], [sflag:$0x4], $0x80, $0x38;
	[tilespmem:$0x1C000] =	vst v63  }
0x23f: {  	s13 =	sadd.s32 $0x50, s10;
	s16 =	simm.s32 $0x15D30;
	s17 =	sadd.s32 $0x60, s10  }
0x240: {  	[hbm4b:s13+s3] =	stream.linear.scatter [tilespmem:s12], [sflag:$0x4], $0x80, $0x38;
	[tilespmem:$0x1C000] =	vst v63  }
0x241: {  	s1 =	simm.s32 $0x440;
	s6 =	sadd.s32 $0x1000, s10;
	s7 =	simm.s32 $0x2200  }
0x242: {  	[hbm4b:s17+s3] =	stream.linear.scatter [tilespmem:s16], [sflag:$0x4], $0x80, $0x38;
	[tilespmem:$0x1C000] =	vst v63  }
0x243: {  	s8 =	simm.s32 $0x15DB8;
	s12 =	sadd.s32 $0x70, s10;
	s16 =	simm.s32 $0x5  }
.LBB2_18:
0x244: {  	[hbm4b:s12+s3] =	stream.linear.scatter [tilespmem:s8], [sflag:$0x4], $0x80, $0x38;
	[tilespmem:$0x1C000] =	vst v63  }
0x245: {  	s0 =	smov.u32 s1;
	s1 =	smov.u32 s7  }
0x246: {  	s13 =	sadd.s32 $0x1100, s7;
	s1 =	sshra.s32 s1, $0x2;
	s8 =	sadd.s32 $0x15A00, s0  }
0x247: {  	[hbm4b:s6+s3] =	stream.linear.scatter [tilespmem:s8], [sflag:$0x4], $0x80, $0x38;
	[tilespmem:$0x1C000] =	vst v63  }
0x248: {  	p0 =	sne.s32 s7, $0x7700;
	s7 =	sadd.s32 $0x15A88, s0;
	s8 =	sadd.s32 $0x10, s6  }
0x249: {  	[hbm4b:s8+s3] =	stream.linear.scatter [tilespmem:s7], [sflag:$0x4], $0x80, $0x38;
	[tilespmem:$0x1C000] =	vst v63  }
0x24a: {  	s7 =	sadd.s32 $0x15B10, s0;
	s8 =	sadd.s32 $0x20, s6  }
0x24b: {  	[hbm4b:s8+s3] =	stream.linear.scatter [tilespmem:s7], [sflag:$0x4], $0x80, $0x38;
	[tilespmem:$0x1C000] =	vst v63  }
0x24c: {  	s7 =	sadd.s32 $0x15B98, s0;
	s8 =	sadd.s32 $0x30, s6  }
0x24d: {  	[hbm4b:s8+s3] =	stream.linear.scatter [tilespmem:s7], [sflag:$0x4], $0x80, $0x38;
	[tilespmem:$0x1C000] =	vst v63  }
0x24e: {  	s7 =	sadd.s32 $0x15C20, s0;
	s8 =	sadd.s32 $0x40, s6  }
0x24f: {  	[hbm4b:s8+s3] =	stream.linear.scatter [tilespmem:s7], [sflag:$0x4], $0x80, $0x38;
	[tilespmem:$0x1C000] =	vst v63  }
.Ltmp8:
0x250: {  	s7 =	sadd.s32 $0x15CA8, s0;
	s8 =	sadd.s32 $0x50, s6;
	(pc) =	sbr.rel @p0 .LBB2_18-.Ltmp8, $4  }
0x251: {  	[hbm4b:s8+s3] =	stream.linear.scatter [tilespmem:s7], [sflag:$0x4], $0x80, $0x38;
	[tilespmem:$0x1C000] =	vst v63  }
0x252: {  	s12 =	sadd.s32 $0x70, s6;
	s7 =	sadd.s32 $0x15D30, s0;
	s8 =	sadd.s32 $0x60, s6  }
0x253: {  	[hbm4b:s8+s3] =	stream.linear.scatter [tilespmem:s7], [sflag:$0x4], $0x80, $0x38;
	[tilespmem:$0x1C000] =	vst v63  }
0x254: {  	s6 =	sadd.s32 $0x1000, s6;
	s8 =	sadd.s32 $0x15DB8, s0;
	s7 =	smov.u32 s13  }
0x255: {  	[hbm4b:s12+s3] =	stream.linear.scatter [tilespmem:s8], [sflag:$0x4], $0x80, $0x38;
	[tilespmem:$0x1C000] =	vst v63  }
0x256: {  	s0 =	sadd.s32 $0x15A00, s1  }
0x257: {  	[hbm4b:s6+s3] =	stream.linear.scatter [tilespmem:s0], [sflag:$0x4], $0x80, $0x38;
	[tilespmem:$0x1C000] =	vst v63  }
0x258: {  	s12 =	sadd.s32 $0x15A88, s1;
	s7 =	sadd.s32 $0x10, s6  }
0x259: {  	[hbm4b:s7+s3] =	stream.linear.scatter [tilespmem:s12], [sflag:$0x4], $0x80, $0x38;
	[tilespmem:$0x1C000] =	vst v63  }
0x25a: {  	s13 =	sadd.s32 $0x15B10, s1;
	s17 =	sadd.s32 $0x20, s6  }
0x25b: {  	[hbm4b:s17+s3] =	stream.linear.scatter [tilespmem:s13], [sflag:$0x4], $0x80, $0x38;
	[tilespmem:$0x1C000] =	vst v63  }
0x25c: {  	s8 =	sadd.s32 $0x15B98, s1;
	s12 =	sadd.s32 $0x30, s6  }
0x25d: {  	[hbm4b:s12+s3] =	stream.linear.scatter [tilespmem:s8], [sflag:$0x4], $0x80, $0x38;
	[tilespmem:$0x1C000] =	vst v63  }
0x25e: {  	s13 =	sadd.s32 $0x15C20, s1;
	s17 =	sadd.s32 $0x40, s6  }
0x25f: {  	[hbm4b:s17+s3] =	stream.linear.scatter [tilespmem:s13], [sflag:$0x4], $0x80, $0x38;
	[tilespmem:$0x1C000] =	vst v63  }
0x260: {  	s8 =	sadd.s32 $0x15CA8, s1;
	s12 =	sadd.s32 $0x50, s6  }
0x261: {  	[hbm4b:s12+s3] =	stream.linear.scatter [tilespmem:s8], [sflag:$0x4], $0x80, $0x38;
	[tilespmem:$0x1C000] =	vst v63  }
0x262: {  	s13 =	sadd.s32 $0x15D30, s1;
	s17 =	sadd.s32 $0x60, s6  }
0x263: {  	[hbm4b:s17+s3] =	stream.linear.scatter [tilespmem:s13], [sflag:$0x4], $0x80, $0x38;
	[tilespmem:$0x1C000] =	vst v63  }
0x264: {  	s1 =	sadd.s32 $0x15DB8, s1;
	s6 =	sadd.s32 $0x70, s6  }
0x265: {  	[hbm4b:s6+s3] =	stream.linear.scatter [tilespmem:s1], [sflag:$0x4], $0x80, $0x38;
	[tilespmem:$0x1C000] =	vst v63  }
0x266: {  	_ =	swait.ge [sflag:s28], $0x1000  }
0x267: {  	[sflag:s28] =	ssyncset.done $0x0  }
0x268: {  	[sflag:s28] =	ssyncadd.s32 $0xFFFFF000  }
0x269: {  	_ =	swait.ge [sflag:s28], $0x1000  }
0x26a: {  	[sflag:s28] =	ssyncset.done $0x0  }
0x26b: {  	[sflag:s28] =	ssyncadd.s32 $0xFFFFF000  }
0x26c: {  	_ =	swait.ge [sflag:s16], $0x2000  }
0x26d: {  	[sflag:s16] =	ssyncset.done $0x0  }
0x26e: {  	[sflag:s16] =	ssyncadd.s32 $0xFFFFE000  }
0x26f: {  	s7 =	simm.s32 $0xD870;
	s8 =	simm.s32 $0x3;
	v9 =	vld [tilespmem:$0x159C0]  }
0x270: {  	v4 =	vmov s8;
	v7 =	vld [tilespmem:s7+$0xFFFFFFF0]  }
0x271: {  	v13 =	vand.u32 $0x7F, v4  }
0x272: {  	s12 =	simm.s32 $0x0;
	v8 =	vadd.s32 v0, v13;
	v6 =	vld [tilespmem:$0x159D0]  }
0x273: {  	v4 =	vmov s12;
	s13 =	simm.s32 $0x1;
	s17 =	simm.s32 $0x2;
	v10 =	vld [tilespmem:s7+$0xFFFFFF90]  }
0x274: {  	v12 =	vand.u32 $0x7C, v4;
	v4 =	vmov s13;
	v14 =	vmov s17;
	v11 =	vld [tilespmem:s7+$0xFFFFFFB0]  }
0x275: {  	v15 =	vadd.s32 v0, v12;
	v19 =	vand.u32 $0x7D, v4;
	v16 =	vld [tilespmem:s7+$0xFFFFFFD0];
	v7 =	vadd.f32 v7, v9  }
0x276: {  	v20 =	vand.u32 $0x7E, v14;
	v17 =	vadd.s32 v0, v19;
	v5 =	vld [tilespmem:$0x159E0]  }
0x277: {  	v14 =	vadd.s32 v0, v20;
	v4 =	vld [tilespmem:$0x159F0];
	[tilespmem:v8+s29+$0x0] =	vst.idx.msk $0xffff, v7  }
0x278: {  	v7 =	vadd.f32 v10, v9;
	v8 =	vld [tilespmem:s7+$0x0]  }
0x279: {  	v10 =	vadd.f32 v11, v9  }
0x27a: {  	v11 =	vadd.s32 v1, v13;
	[tilespmem:v15+s29+$0x0] =	vst.idx.msk $0xffff, v7;
	v7 =	vadd.f32 v16, v9  }
0x27b: {  	[tilespmem:v17+s29+$0x0] =	vst.idx.msk $0xffff, v10;
	v15 =	vld [tilespmem:s7+$0xFFFFFFA0]  }
0x27c: {  	v10 =	vld [tilespmem:s7+$0xFFFFFFC0];
	[tilespmem:v14+s29+$0x0] =	vst.idx.msk $0xffff, v7  }
0x27d: {  	v14 =	vld [tilespmem:s7+$0xFFFFFFE0];
	v7 =	vadd.f32 v8, v6  }
0x27e: {  	s8 =	simm.s32 $0xD8F0;
	v16 =	vadd.s32 v1, v19;
	s7 =	simm.s32 $0x7  }
0x27f: {  	v26 =	vadd.s32 v2, v13;
	s6 =	simm.s32 $0x4;
	s1 =	simm.s32 $0x10870;
	v18 =	vld [tilespmem:s8+$0xFFFFFFF0];
	v17 =	vadd.s32 v1, v20;
	[tilespmem:v11+s29+$0x0] =	vst.idx.msk $0xffff, v7;
	v7 =	vmov s7  }
0x280: {  	v21 =	vadd.s32 v1, v12;
	v8 =	vmov s6;
	v7 =	vand.u32 $0x7F, v7;
	v22 =	vld [tilespmem:s1+$0xFFFFFFF0]  }
0x281: {  	s12 =	simm.s32 $0x5;
	v23 =	vld [tilespmem:s8+$0xFFFFFF90];
	v8 =	vand.u32 $0x7C, v8;
	v10 =	vadd.f32 v10, v6;
	v24 =	vadd.s32 v0, v7  }
0x282: {  	s13 =	simm.s32 $0x6;
	v25 =	vld [tilespmem:s8+$0xFFFFFFB0];
	v15 =	vadd.f32 v15, v6;
	v11 =	vadd.f32 v14, v6;
	v14 =	vmov s12  }
0x283: {  	v27 =	vadd.s32 v0, v8;
	[tilespmem:v16+s29+$0x0] =	vst.idx.msk $0xffff, v10;
	v16 =	vmov s13;
	v10 =	vand.u32 $0x7D, v14;
	v14 =	vld [tilespmem:s8+$0xFFFFFFD0]  }
0x284: {  	[tilespmem:v17+s29+$0x0] =	vst.idx.msk $0xffff, v11;
	v17 =	vadd.s32 v0, v10;
	v11 =	vand.u32 $0x7E, v16;
	v16 =	vadd.f32 v18, v9;
	v18 =	vld [tilespmem:s1+$0xFFFFFFB0]  }
0x285: {  	[tilespmem:v21+s29+$0x0] =	vst.idx.msk $0xffff, v15;
	v15 =	vadd.s32 v0, v11;
	v21 =	vld [tilespmem:s1+$0xFFFFFFD0];
	v22 =	vadd.f32 v22, v5  }
0x286: {  	v23 =	vadd.f32 v23, v9;
	[tilespmem:v24+s29+$0x0] =	vst.idx.msk $0xffff, v16;
	v16 =	vld [tilespmem:s1+$0xFFFFFF90];
	v24 =	vadd.s32 v2, v19  }
0x287: {  	v29 =	vadd.s32 v2, v20;
	v25 =	vadd.f32 v25, v9;
	v28 =	vld [tilespmem:s8+$0x0];
	[tilespmem:v26+s29+$0x0] =	vst.idx.msk $0xffff, v22  }
0x288: {  	[tilespmem:v27+s29+$0x0] =	vst.idx.msk $0xffff, v23;
	v23 =	vadd.s32 v2, v12;
	v14 =	vadd.f32 v14, v9;
	v26 =	vld [tilespmem:s1+$0x0]  }
0x289: {  	v27 =	vld [tilespmem:s8+$0xFFFFFFA0];
	[tilespmem:v17+s29+$0x0] =	vst.idx.msk $0xffff, v25;
	v25 =	vadd.s32 v1, v7;
	v18 =	vadd.f32 v18, v5  }
0x28a: {  	v31 =	vadd.s32 v3, v13;
	v30 =	vld [tilespmem:s8+$0xFFFFFFC0];
	[tilespmem:v15+s29+$0x0] =	vst.idx.msk $0xffff, v14;
	v14 =	vadd.f32 v21, v5  }
0x28b: {  	v22 =	vadd.s32 v1, v8;
	v17 =	vld [tilespmem:s8+$0xFFFFFFE0];
	v13 =	vadd.f32 v16, v5;
	[tilespmem:v24+s29+$0x0] =	vst.idx.msk $0xffff, v18  }
0x28c: {  	v21 =	vadd.s32 v1, v10;
	s8 =	simm.s32 $0x8;
	[tilespmem:v29+s29+$0x0] =	vst.idx.msk $0xffff, v14;
	v18 =	vadd.f32 v28, v6;
	v16 =	vld [tilespmem:s1+$0xFFFFFFC0]  }
0x28d: {  	v24 =	vmov s8;
	v14 =	vadd.s32 v1, v11;
	v15 =	vld [tilespmem:s1+$0xFFFFFFE0];
	[tilespmem:v23+s29+$0x0] =	vst.idx.msk $0xffff, v13;
	v63 =	vadd.f32 v26, v4  }
0x28e: {  	s17 =	simm.s32 $0xB;
	s7 =	simm.s32 $0xD970;
	v19 =	vadd.s32 v3, v19;
	v13 =	vand.u32 $0x7C, v24;
	v24 =	vadd.f32 v27, v6;
	[tilespmem:v25+s29+$0x0] =	vst.idx.msk $0xffff, v18;
	v18 =	vld [tilespmem:s1+$0xFFFFFFA0]  }
0x28f: {  	v20 =	vadd.s32 v3, v20;
	s6 =	simm.s32 $0x108F0;
	v26 =	vmov s17;
	v23 =	vld [tilespmem:s7+$0xFFFFFFF0];
	s1 =	simm.s32 $0xC;
	v25 =	vadd.f32 v30, v6;
	[tilespmem:v31+s29+$0x0] =	vst.idx.msk $0xffff, v63  }
.LBB2_20:
0x290: {  	p0 =	slt.u32 s1, $0x7C;
	s0 =	sadd.s32 $0x1, s8;
	v26 =	vand.u32 $0x7F, v26;
	[tilespmem:v22+s29+$0x0] =	vst.idx.msk $0xffff, v24;
	v17 =	vadd.f32 v17, v6;
	v22 =	vld [tilespmem:s6+$0xFFFFFFF0];
	v24 =	vadd.s32 v3, v12  }
0x291: {  	v30 =	vmovc v11;
	v27 =	vld [tilespmem:s7+$0xFFFFFF90];
	v28 =	vmov s0;
	s0 =	sadd.s32 $0x2, s8;
	v29 =	vadd.s32 v0, v26;
	[tilespmem:v21+s29+$0x0] =	vst.idx.msk $0xffff, v25;
	v16 =	vadd.f32 v16, v4;
	s8 =	smov.u32 s1  }
0x292: {  	v12 =	vmovc v8;
	v21 =	vld [tilespmem:s7+$0xFFFFFFB0];
	v11 =	vmov s0;
	[tilespmem:v14+s29+$0x0] =	vst.idx.msk $0xffff, v17;
	v14 =	vadd.s32 v2, v7;
	v15 =	vadd.f32 v15, v4  }
0x293: {  	v17 =	vadd.s32 v0, v13;
	v28 =	vand.u32 $0x7D, v28;
	v25 =	vld [tilespmem:s7+$0xFFFFFFD0];
	v31 =	vadd.f32 v18, v4;
	[tilespmem:v19+s29+$0x0] =	vst.idx.msk $0xffff, v16  }
0x294: {  	v16 =	vadd.s32 v0, v28;
	v11 =	vand.u32 $0x7E, v11;
	v18 =	vadd.f32 v23, v9;
	v19 =	vld [tilespmem:s6+$0xFFFFFFB0];
	[tilespmem:v20+s29+$0x0] =	vst.idx.msk $0xffff, v15  }
0x295: {  	v8 =	vmov v13;
	v15 =	vadd.s32 v0, v11;
	v20 =	vld [tilespmem:s6+$0xFFFFFFD0];
	v22 =	vadd.f32 v22, v5;
	[tilespmem:v24+s29+$0x0] =	vst.idx.msk $0xffff, v31  }
0x296: {  	v23 =	vadd.s32 v2, v10;
	v13 =	vadd.f32 v27, v9;
	[tilespmem:v29+s29+$0x0] =	vst.idx.msk $0xffff, v18;
	v18 =	vld [tilespmem:s6+$0xFFFFFF90]  }
0x297: {  	v27 =	vadd.s32 v2, v30;
	v21 =	vadd.f32 v21, v9;
	v24 =	vld [tilespmem:s7+$0x0];
	[tilespmem:v14+s29+$0x0] =	vst.idx.msk $0xffff, v22  }
0x298: {  	[tilespmem:v17+s29+$0x0] =	vst.idx.msk $0xffff, v13;
	v13 =	vadd.f32 v25, v9;
	v25 =	vadd.s32 v2, v12;
	v29 =	vld [tilespmem:s6+$0x0]  }
0x299: {  	v32 =	vadd.s32 v1, v26;
	v31 =	vld [tilespmem:s7+$0xFFFFFFA0];
	[tilespmem:v16+s29+$0x0] =	vst.idx.msk $0xffff, v21;
	v14 =	vadd.f32 v19, v5  }
0x29a: {  	v34 =	vadd.s32 v3, v7;
	v7 =	vmov v26;
	v33 =	vld [tilespmem:s7+$0xFFFFFFC0];
	[tilespmem:v15+s29+$0x0] =	vst.idx.msk $0xffff, v13;
	v13 =	vadd.f32 v20, v5  }
.Ltmp9:
0x29b: {  	v22 =	vadd.s32 v1, v8;
	v17 =	vld [tilespmem:s7+$0xFFFFFFE0];
	v15 =	vadd.f32 v18, v5;
	[tilespmem:v23+s29+$0x0] =	vst.idx.msk $0xffff, v14;
	(pc) =	sbr.rel @p0 .LBB2_20-.Ltmp9, $4  }
0x29c: {  	v21 =	vadd.s32 v1, v28;
	v18 =	vadd.f32 v24, v6;
	v16 =	vld [tilespmem:s6+$0xFFFFFFC0];
	[tilespmem:v27+s29+$0x0] =	vst.idx.msk $0xffff, v13  }
0x29d: {  	v14 =	vadd.s32 v1, v11;
	v13 =	vmov s1;
	[tilespmem:v25+s29+$0x0] =	vst.idx.msk $0xffff, v15;
	v15 =	vld [tilespmem:s6+$0xFFFFFFE0];
	v27 =	vadd.f32 v29, v4  }
0x29e: {  	s0 =	sadd.s32 $0x3, s1;
	v19 =	vadd.s32 v3, v10;
	s7 =	sadd.s32 $0x80, s7;
	v13 =	vand.u32 $0x7C, v13;
	v24 =	vadd.f32 v31, v6;
	[tilespmem:v32+s29+$0x0] =	vst.idx.msk $0xffff, v18;
	v18 =	vld [tilespmem:s6+$0xFFFFFFA0]  }
0x29f: {  	v26 =	vmov s0;
	v10 =	vmovc v28;
	v20 =	vadd.s32 v3, v30;
	s1 =	sadd.s32 $0x4, s1;
	s6 =	sadd.s32 $0x80, s6;
	v23 =	vld [tilespmem:s7+$0xFFFFFFF0];
	v25 =	vadd.f32 v33, v6;
	[tilespmem:v34+s29+$0x0] =	vst.idx.msk $0xffff, v27  }
0x2a0: {  	s0 =	sadd.s32 $0x1, s8  }
0x2a1: {  	v26 =	vand.u32 $0x7F, v26;
	s17 =	sadd.s32 $0x2, s8;
	v28 =	vld [tilespmem:s7+$0xFFFFFFB0];
	v27 =	vmov s0  }
0x2a2: {  	v31 =	vld [tilespmem:s7+$0xFFFFFFD0];
	v29 =	vadd.s32 v0, v26;
	v30 =	vmov s17;
	v27 =	vand.u32 $0x7D, v27  }
0x2a3: {  	v32 =	vld [tilespmem:s7+$0xFFFFFF90];
	v30 =	vand.u32 $0x7E, v30;
	v33 =	vadd.s32 v0, v27  }
0x2a4: {  	v34 =	vadd.s32 v0, v30  }
0x2a5: {  	[tilespmem:v22+s29+$0x0] =	vst.idx.msk $0xffff, v24;
	v44 =	vadd.s32 v0, v13;
	v23 =	vadd.f32 v23, v9  }
0x2a6: {  	[tilespmem:v21+s29+$0x0] =	vst.idx.msk $0xffff, v25;
	v45 =	vadd.f32 v28, v9  }
0x2a7: {  	v46 =	vadd.f32 v31, v9;
	[tilespmem:v29+s29+$0x0] =	vst.idx.msk $0xffff, v23  }
0x2a8: {  	v47 =	vadd.f32 v32, v9;
	v48 =	vld [tilespmem:s7+$0x0];
	[tilespmem:v33+s29+$0x0] =	vst.idx.msk $0xffff, v45  }
0x2a9: {  	v17 =	vadd.f32 v17, v6;
	v12 =	vadd.s32 v3, v12;
	[tilespmem:v34+s29+$0x0] =	vst.idx.msk $0xffff, v46;
	v21 =	vld [tilespmem:s7+$0xFFFFFFC0]  }
0x2aa: {  	v16 =	vadd.f32 v16, v4;
	v49 =	vadd.s32 v1, v26;
	[tilespmem:v44+s29+$0x0] =	vst.idx.msk $0xffff, v47;
	v50 =	vld [tilespmem:s7+$0xFFFFFFE0]  }
0x2ab: {  	[tilespmem:v14+s29+$0x0] =	vst.idx.msk $0xffff, v17;
	v51 =	vadd.f32 v15, v4;
	v53 =	vadd.s32 v1, v27;
	v52 =	vld [tilespmem:s7+$0xFFFFFFA0]  }
0x2ac: {  	v54 =	vld [tilespmem:s6+$0xFFFFFFF0];
	v18 =	vadd.f32 v18, v4;
	[tilespmem:v19+s29+$0x0] =	vst.idx.msk $0xffff, v16;
	v55 =	vadd.s32 v1, v30  }
0x2ad: {  	v57 =	vadd.s32 v1, v13;
	v60 =	vld [tilespmem:s6+$0xFFFFFFD0];
	[tilespmem:v20+s29+$0x0] =	vst.idx.msk $0xffff, v51;
	v58 =	vadd.f32 v48, v6  }
0x2ae: {  	v59 =	vadd.s32 v2, v7;
	v56 =	vld [tilespmem:s6+$0xFFFFFFB0];
	[tilespmem:v12+s29+$0x0] =	vst.idx.msk $0xffff, v18;
	v61 =	vadd.f32 v21, v6  }
0x2af: {  	s1 =	sadd.s32 $0x80, s6;
	v62 =	vld [tilespmem:s6+$0xFFFFFF90];
	v29 =	vadd.s32 v2, v11;
	[tilespmem:v49+s29+$0x0] =	vst.idx.msk $0xffff, v58;
	v28 =	vadd.f32 v50, v6  }
0x2b0: {  	v63 =	vadd.s32 v2, v10;
	v31 =	vadd.f32 v52, v6;
	v32 =	vld [tilespmem:s1+$0xFFFFFFF0];
	[tilespmem:v53+s29+$0x0] =	vst.idx.msk $0xffff, v61  }
0x2b1: {  	v33 =	vadd.f32 v54, v5;
	v34 =	vadd.s32 v2, v8;
	[tilespmem:v55+s29+$0x0] =	vst.idx.msk $0xffff, v28;
	v35 =	vld [tilespmem:s1+$0xFFFFFFB0]  }
0x2b2: {  	v37 =	vadd.s32 v2, v26;
	v39 =	vadd.f32 v60, v5;
	[tilespmem:v57+s29+$0x0] =	vst.idx.msk $0xffff, v31;
	v38 =	vld [tilespmem:s1+$0xFFFFFFD0]  }
0x2b3: {  	v41 =	vadd.s32 v2, v27;
	v36 =	vadd.f32 v56, v5;
	[tilespmem:v59+s29+$0x0] =	vst.idx.msk $0xffff, v33;
	v40 =	vld [tilespmem:s1+$0xFFFFFF90]  }
0x2b4: {  	v43 =	vadd.s32 v2, v30;
	v18 =	vadd.f32 v62, v5;
	v42 =	vld [tilespmem:s6+$0x0];
	[tilespmem:v29+s29+$0x0] =	vst.idx.msk $0xffff, v39  }
0x2b5: {  	v45 =	vadd.s32 v2, v13;
	[tilespmem:v63+s29+$0x0] =	vst.idx.msk $0xffff, v36;
	v47 =	vld [tilespmem:s6+$0xFFFFFFE0];
	v44 =	vadd.f32 v32, v5  }
0x2b6: {  	v46 =	vadd.s32 v3, v7;
	[tilespmem:v34+s29+$0x0] =	vst.idx.msk $0xffff, v18;
	v21 =	vld [tilespmem:s6+$0xFFFFFFC0];
	v9 =	vadd.f32 v35, v5  }
0x2b7: {  	v18 =	vld [tilespmem:s6+$0xFFFFFFA0];
	v50 =	vadd.s32 v3, v11;
	[tilespmem:v37+s29+$0x0] =	vst.idx.msk $0xffff, v44;
	v49 =	vadd.f32 v38, v5  }
0x2b8: {  	v48 =	vadd.s32 v3, v10;
	v5 =	vadd.f32 v40, v5;
	v12 =	vld [tilespmem:s1+$0x0];
	[tilespmem:v41+s29+$0x0] =	vst.idx.msk $0xffff, v9  }
0x2b9: {  	v52 =	vadd.s32 v3, v8;
	v51 =	vadd.f32 v42, v4;
	[tilespmem:v43+s29+$0x0] =	vst.idx.msk $0xffff, v49;
	v53 =	vld [tilespmem:s1+$0xFFFFFFC0]  }
0x2ba: {  	v55 =	vadd.s32 v3, v26;
	v56 =	vadd.f32 v47, v4;
	[tilespmem:v45+s29+$0x0] =	vst.idx.msk $0xffff, v5;
	v5 =	vld [tilespmem:s1+$0xFFFFFFE0]  }
0x2bb: {  	v58 =	vadd.s32 v3, v27;
	[tilespmem:v46+s29+$0x0] =	vst.idx.msk $0xffff, v51;
	v54 =	vadd.f32 v21, v4;
	v57 =	vld [tilespmem:s1+$0xFFFFFFA0]  }
0x2bc: {  	v60 =	vadd.s32 v3, v30;
	v59 =	vadd.f32 v18, v4;
	[tilespmem:v50+s29+$0x0] =	vst.idx.msk $0xffff, v56  }
0x2bd: {  	v62 =	vadd.s32 v3, v13;
	[tilespmem:v48+s29+$0x0] =	vst.idx.msk $0xffff, v54;
	v61 =	vadd.f32 v12, v4  }
0x2be: {  	[tilespmem:v52+s29+$0x0] =	vst.idx.msk $0xffff, v59;
	v63 =	vadd.f32 v53, v4  }
0x2bf: {  	[tilespmem:v55+s29+$0x0] =	vst.idx.msk $0xffff, v61;
	v5 =	vadd.f32 v5, v4  }
0x2c0: {  	v4 =	vadd.f32 v57, v4;
	[tilespmem:v58+s29+$0x0] =	vst.idx.msk $0xffff, v63  }
0x2c1: {  	[tilespmem:v60+s29+$0x0] =	vst.idx.msk $0xffff, v5  }
0x2c2: {  	s6 =	simm.s32 $0x17C00;
	[tilespmem:v62+s29+$0x0] =	vst.idx.msk $0xffff, v4  }
0x2c3: {  	[hbm4b:s11+s3] =	stream.linear.scatter [tilespmem:s6], [sflag:$0x5], $0x80, $0x38;
	[tilespmem:$0x1C000] =	vst v63  }
0x2c4: {  	s7 =	simm.s32 $0x17C88;
	s1 =	sadd.s32 $0x10, s11  }
0x2c5: {  	[hbm4b:s1+s3] =	stream.linear.scatter [tilespmem:s7], [sflag:$0x5], $0x80, $0x38;
	[tilespmem:$0x1C000] =	vst v63  }
0x2c6: {  	s8 =	simm.s32 $0x17D10;
	s12 =	sadd.s32 $0x20, s11;
	s13 =	simm.s32 $0x17D98  }
0x2c7: {  	[hbm4b:s12+s3] =	stream.linear.scatter [tilespmem:s8], [sflag:$0x5], $0x80, $0x38;
	[tilespmem:$0x1C000] =	vst v63  }
0x2c8: {  	s17 =	sadd.s32 $0x30, s11;
	s6 =	simm.s32 $0x17E20;
	s7 =	sadd.s32 $0x40, s11  }
0x2c9: {  	[hbm4b:s17+s3] =	stream.linear.scatter [tilespmem:s13], [sflag:$0x5], $0x80, $0x38;
	[tilespmem:$0x1C000] =	vst v63  }
0x2ca: {  	s1 =	simm.s32 $0x440;
	s8 =	simm.s32 $0x17EA8;
	s12 =	sadd.s32 $0x50, s11  }
0x2cb: {  	[hbm4b:s7+s3] =	stream.linear.scatter [tilespmem:s6], [sflag:$0x5], $0x80, $0x38;
	[tilespmem:$0x1C000] =	vst v63  }
0x2cc: {  	s13 =	simm.s32 $0x17F30;
	s17 =	sadd.s32 $0x60, s11;
	s7 =	simm.s32 $0x2200  }
0x2cd: {  	[hbm4b:s12+s3] =	stream.linear.scatter [tilespmem:s8], [sflag:$0x5], $0x80, $0x38;
	[tilespmem:$0x1C000] =	vst v63  }
0x2ce: {  	s6 =	sadd.s32 $0x1000, s11;
	s8 =	simm.s32 $0x17FB8;
	s12 =	sadd.s32 $0x70, s11  }
0x2cf: {  	[hbm4b:s17+s3] =	stream.linear.scatter [tilespmem:s13], [sflag:$0x5], $0x80, $0x38;
	[tilespmem:$0x1C000] =	vst v63  }
.LBB2_22:
0x2d0: {  	[hbm4b:s12+s3] =	stream.linear.scatter [tilespmem:s8], [sflag:$0x5], $0x80, $0x38;
	[tilespmem:$0x1C000] =	vst v63  }
0x2d1: {  	s0 =	smov.u32 s1;
	s1 =	smov.u32 s7  }
0x2d2: {  	s13 =	sadd.s32 $0x1100, s7;
	s1 =	sshra.s32 s1, $0x2;
	s8 =	sadd.s32 $0x17C00, s0  }
0x2d3: {  	[hbm4b:s6+s3] =	stream.linear.scatter [tilespmem:s8], [sflag:$0x5], $0x80, $0x38;
	[tilespmem:$0x1C000] =	vst v63  }
0x2d4: {  	p0 =	sne.s32 s7, $0x7700;
	s7 =	sadd.s32 $0x17C88, s0;
	s8 =	sadd.s32 $0x10, s6  }
0x2d5: {  	[hbm4b:s8+s3] =	stream.linear.scatter [tilespmem:s7], [sflag:$0x5], $0x80, $0x38;
	[tilespmem:$0x1C000] =	vst v63  }
0x2d6: {  	s7 =	sadd.s32 $0x17D10, s0;
	s8 =	sadd.s32 $0x20, s6  }
0x2d7: {  	[hbm4b:s8+s3] =	stream.linear.scatter [tilespmem:s7], [sflag:$0x5], $0x80, $0x38;
	[tilespmem:$0x1C000] =	vst v63  }
0x2d8: {  	s7 =	sadd.s32 $0x17D98, s0;
	s8 =	sadd.s32 $0x30, s6  }
0x2d9: {  	[hbm4b:s8+s3] =	stream.linear.scatter [tilespmem:s7], [sflag:$0x5], $0x80, $0x38;
	[tilespmem:$0x1C000] =	vst v63  }
0x2da: {  	s7 =	sadd.s32 $0x17E20, s0;
	s8 =	sadd.s32 $0x40, s6  }
0x2db: {  	[hbm4b:s8+s3] =	stream.linear.scatter [tilespmem:s7], [sflag:$0x5], $0x80, $0x38;
	[tilespmem:$0x1C000] =	vst v63  }
.Ltmp10:
0x2dc: {  	s7 =	sadd.s32 $0x17EA8, s0;
	s8 =	sadd.s32 $0x50, s6;
	(pc) =	sbr.rel @p0 .LBB2_22-.Ltmp10, $4  }
0x2dd: {  	[hbm4b:s8+s3] =	stream.linear.scatter [tilespmem:s7], [sflag:$0x5], $0x80, $0x38;
	[tilespmem:$0x1C000] =	vst v63  }
0x2de: {  	s12 =	sadd.s32 $0x70, s6;
	s7 =	sadd.s32 $0x17F30, s0;
	s8 =	sadd.s32 $0x60, s6  }
0x2df: {  	[hbm4b:s8+s3] =	stream.linear.scatter [tilespmem:s7], [sflag:$0x5], $0x80, $0x38;
	[tilespmem:$0x1C000] =	vst v63  }
0x2e0: {  	s6 =	sadd.s32 $0x1000, s6;
	s8 =	sadd.s32 $0x17FB8, s0;
	s7 =	smov.u32 s13  }
0x2e1: {  	[hbm4b:s12+s3] =	stream.linear.scatter [tilespmem:s8], [sflag:$0x5], $0x80, $0x38;
	[tilespmem:$0x1C000] =	vst v63  }
0x2e2: {  	s0 =	sadd.s32 $0x17C00, s1  }
0x2e3: {  	[hbm4b:s6+s3] =	stream.linear.scatter [tilespmem:s0], [sflag:$0x5], $0x80, $0x38;
	[tilespmem:$0x1C000] =	vst v63  }
0x2e4: {  	s12 =	sadd.s32 $0x17C88, s1;
	s7 =	sadd.s32 $0x10, s6  }
0x2e5: {  	[hbm4b:s7+s3] =	stream.linear.scatter [tilespmem:s12], [sflag:$0x5], $0x80, $0x38;
	[tilespmem:$0x1C000] =	vst v63  }
0x2e6: {  	s13 =	sadd.s32 $0x17D10, s1;
	s17 =	sadd.s32 $0x20, s6  }
0x2e7: {  	[hbm4b:s17+s3] =	stream.linear.scatter [tilespmem:s13], [sflag:$0x5], $0x80, $0x38;
	[tilespmem:$0x1C000] =	vst v63  }
0x2e8: {  	s8 =	sadd.s32 $0x17D98, s1;
	s12 =	sadd.s32 $0x30, s6  }
0x2e9: {  	[hbm4b:s12+s3] =	stream.linear.scatter [tilespmem:s8], [sflag:$0x5], $0x80, $0x38;
	[tilespmem:$0x1C000] =	vst v63  }
0x2ea: {  	s13 =	sadd.s32 $0x17E20, s1;
	s17 =	sadd.s32 $0x40, s6  }
0x2eb: {  	[hbm4b:s17+s3] =	stream.linear.scatter [tilespmem:s13], [sflag:$0x5], $0x80, $0x38;
	[tilespmem:$0x1C000] =	vst v63  }
0x2ec: {  	s8 =	sadd.s32 $0x17EA8, s1;
	s12 =	sadd.s32 $0x50, s6  }
0x2ed: {  	[hbm4b:s12+s3] =	stream.linear.scatter [tilespmem:s8], [sflag:$0x5], $0x80, $0x38;
	[tilespmem:$0x1C000] =	vst v63  }
0x2ee: {  	s13 =	sadd.s32 $0x17F30, s1;
	s17 =	sadd.s32 $0x60, s6  }
0x2ef: {  	[hbm4b:s17+s3] =	stream.linear.scatter [tilespmem:s13], [sflag:$0x5], $0x80, $0x38;
	[tilespmem:$0x1C000] =	vst v63  }
0x2f0: {  	s8 =	sadd.s32 $0x17FB8, s1;
	s12 =	sadd.s32 $0x70, s6;
	s13 =	simm.s32 $0x6  }
0x2f1: {  	[hbm4b:s12+s3] =	stream.linear.scatter [tilespmem:s8], [sflag:$0x5], $0x80, $0x38;
	[tilespmem:$0x1C000] =	vst v63  }
0x2f2: {  	_ =	swait.ge [sflag:s13], $0x2000  }
0x2f3: {  	[sflag:s13] =	ssyncset.done $0x0  }
0x2f4: {  	[sflag:s13] =	ssyncadd.s32 $0xFFFFE000  }
0x2f5: {  	_ =	swait.ge [sflag:s14], $0x2000  }
0x2f6: {  	[sflag:s14] =	ssyncset.done $0x0  }
0x2f7: {  	[sflag:s14] =	ssyncadd.s32 $0xFFFFE000  }
0x2f8: {  	_ =	swait.ge [sflag:s16], $0x2000  }
0x2f9: {  	s21 =	sadd.s32 $0x1, s21;
	s17 =	rddreg [dreg:$0x6]  }
0x2fa: {  	p0 =	sne.s32 s21, s17  }
.Ltmp11:
0x2fb: {  	_ = 	snop;
	(pc) =	sbr.rel @p0 .LBB2_1-.Ltmp11, $3  }
0x2fc: {  	_ =	sdelay $0x1  }
0x2fd: {  	[sflag:s16] =	ssyncset.done $0x0  }
0x2fe: {  	[sflag:s16] =	ssyncadd.s32 $0xFFFFE000  }
0x2ff: {  	_ =	sfence.sel $0x180000  }
0x300: {  	[bflag:$0x0] =	sbarrier.arrive $0xFFFF  }
0x301: {  	_ =	strace $0x90000047  }
0x302: {  	s0 =	stileid.u32;
	[bflag:$0x2] =	sbarrier.arrive $0xFFFF  }
0x303: {  	p0 =	sne.s32 s0, $0x0;
	s0 =	rddreg [dreg:$0x2]  }
0x304: {  	s0 =	sadd.s32 @!p0 $0x100000, s0  }
0x305: {  	[sflag:s0] =	ssyncadd.tile.s32 @!p0 $0x1;
	_ =	shalt  }
.Lfunc_end2:
_tile_overlayer_lowered:
.L_overlay_start_2:
0x306: {  	(tag) =	ssettag $0x2  }
0x307: {  	s0 =	rddreg [dreg:$0x0];
	s2 =	stileid.u32  }
0x308: {  	s1 =	rddreg [dreg:$0x1];
	p0 =	sne.s32 s2, $0x0  }
0x309: {  	s3 =	rddreg [dreg:$0x2];
	[bflag:$0x3] =	sbarrier.arrive $0xFFFF;
	s2 =	simm.s32 @!p0 $0x1C07  }
0x30a: {  	[timem:s3], [sflag:s2] =	dma.local @!p0 [hbm:s0], s1  }
0x30b: {  	s0 =	simm.s32 @!p0 $0x7  }
0x30c: {  	_ =	swait.ge @!p0 [sflag:s0], s1  }
0x30d: {  	s1 =	ssub.s32 @!p0 $0x0, s1;
	[sflag:s0] =	ssyncset.done @!p0 $0x0  }
0x30e: {  	[sflag:s0] =	ssyncadd.s32 @!p0 s1  }
0x30f: {  	[bflag:$0x3] =	sbarrier.arrive $0xFFFF  }
0x310: {  	_ =	shalt  }

</sc_bundles>
